<compile_context>
chip_gen: v7x
topology: tpu7x:2x2x1
jax: 0.10.2.dev20260603
libtpu: 0.0.44.dev20260713+nightly
codegen_flags: <defaults>
</compile_context>

<pallas_src>
import functools

import jax
import jax.numpy as jnp
from jax import lax
from jax.experimental import pallas as pl
from jax.experimental.pallas import tpu as pltpu
from jax.experimental.pallas import tpu_sc as plsc

_TRUNC_R = 0.85
_NEG_FILL = -70.0
_INT_MIN32 = -2147483648


def _topp_mask_kernel(x_ref, o_ref):
    x = x_ref[0]
    iota0 = jax.lax.broadcasted_iota(jnp.int32, x.shape, 0)
    mx = jnp.max(x, axis=0, keepdims=True)
    all_easy = jnp.all(mx >= -0.16)

    @pl.when(all_easy)
    def _fast():
        first_max = jnp.min(jnp.where(x >= mx, iota0, x.shape[0]), axis=0,
                            keepdims=True)
        o_ref[0] = jnp.where(iota0 == first_max, x, _NEG_FILL)

    @pl.when(jnp.logical_not(all_easy))
    def _general():
        _topp_mask_general(x, iota0, o_ref)


def _topp_mask_general(x, iota, o_ref):
    e = jnp.exp(x)
    bits = jax.lax.bitcast_convert_type(x, jnp.int32)
    key = jnp.where(bits >= 0, bits, bits ^ 0x7FFFFFFF)
    cols = x.shape[1]

    def body(i, ans_u):
        bit = jax.lax.shift_left(jnp.int32(1), jnp.int32(31) - i)
        cand_u = ans_u | bit
        cand_s = cand_u ^ _INT_MIN32
        g = jnp.sum(jnp.where(key >= cand_s, e, 0.0), axis=0, keepdims=True)
        return jnp.where(g >= _TRUNC_R, cand_u, ans_u)

    ans_u = jax.lax.fori_loop(0, 32, body, jnp.zeros((1, cols), jnp.int32))
    t_s = ans_u ^ _INT_MIN32
    gt = key > t_s
    F = jnp.sum(jnp.where(gt, e, 0.0), axis=0, keepdims=True)
    eq = key == t_s
    t_bits = jnp.where(t_s >= 0, t_s, t_s ^ 0x7FFFFFFF)
    e_t = jnp.exp(jax.lax.bitcast_convert_type(t_bits, jnp.float32))

    def tie_body(i, a):
        bit = jax.lax.shift_left(jnp.int32(1), jnp.int32(12) - i)
        cand = a | bit
        cnt = jnp.sum(jnp.where(eq & (iota < cand), 1.0, 0.0), axis=0,
                      keepdims=True)
        ok = F + jnp.maximum(cnt - 1.0, 0.0) * e_t < _TRUNC_R
        return jnp.where(ok, cand, a)

    idx_cut = jax.lax.fori_loop(0, 13, tie_body, jnp.zeros((1, cols), jnp.int32))
    keep = gt | (eq & (iota < idx_cut))
    o_ref[0] = jnp.where(keep, x, _NEG_FILL)


def _topp_call(logits):
    b, k, s = logits.shape
    chunk = 512
    return pl.pallas_call(
        _topp_mask_kernel,
        grid=(b, s // chunk),
        in_specs=[pl.BlockSpec((1, k, chunk), lambda i, j: (i, 0, j))],
        out_specs=pl.BlockSpec((1, k, chunk), lambda i, j: (i, 0, j)),
        out_shape=jax.ShapeDtypeStruct(logits.shape, logits.dtype),
        compiler_params=pltpu.CompilerParams(
            dimension_semantics=("parallel", "parallel")),
    )(logits)


_SC_LANES = 16
_SC_GROUPS = 8
_SC_CHUNK = 512
_SC_OCHUNK = 256


def _sc_key_of(v):
    bits = lax.bitcast_convert_type(v, jnp.int32)
    return jnp.where(bits >= 0, bits, bits ^ 0x7FFFFFFF)


def _sc_vec(val, dtype):
    return jnp.zeros((_SC_LANES,), dtype) + val


def _sc_task_general(x_hbm, o_hbm, bi, s0, k, inbuf, obuf):
    nchunks = k // _SC_CHUNK

    def exp_sum_by_group(cand_s_tuple, strict):
        def chunk_body(c, acc):
            pltpu.sync_copy(
                x_hbm.at[bi, pl.ds(c * _SC_CHUNK, _SC_CHUNK), pl.ds(s0, 128)],
                inbuf)

            def row_body(kk, acc2):
                out = []
                for j in range(_SC_GROUPS):
                    v = inbuf[kk, pl.ds(j * _SC_LANES, _SC_LANES)]
                    kkey = _sc_key_of(v)
                    m = kkey > cand_s_tuple[j] if strict \
                        else kkey >= cand_s_tuple[j]
                    out.append(acc2[j] + jnp.where(m, jnp.exp(v), 0.0))
                return tuple(out)

            return lax.fori_loop(0, _SC_CHUNK, row_body, acc)

        zeros = tuple(_sc_vec(0.0, jnp.float32) for _ in range(_SC_GROUPS))
        return lax.fori_loop(0, nchunks, chunk_body, zeros)

    def search_body(i, ans):
        bit = lax.shift_left(jnp.int32(1), jnp.int32(31) - i)
        cand_u = tuple(a | bit for a in ans)
        cand_s = tuple(c ^ _INT_MIN32 for c in cand_u)
        g = exp_sum_by_group(cand_s, strict=False)
        return tuple(jnp.where(g[j] >= _TRUNC_R, cand_u[j], ans[j])
                     for j in range(_SC_GROUPS))

    ans_u = lax.fori_loop(0, 32, search_body,
                          tuple(_sc_vec(0, jnp.int32)
                                for _ in range(_SC_GROUPS)))
    t_s = tuple(a ^ _INT_MIN32 for a in ans_u)
    F = exp_sum_by_group(t_s, strict=True)
    e_t = tuple(jnp.exp(lax.bitcast_convert_type(
        jnp.where(t_s[j] >= 0, t_s[j], t_s[j] ^ 0x7FFFFFFF), jnp.float32))
        for j in range(_SC_GROUPS))

    def tie_count(cand_tuple):
        def chunk_body(c, acc):
            pltpu.sync_copy(
                x_hbm.at[bi, pl.ds(c * _SC_CHUNK, _SC_CHUNK), pl.ds(s0, 128)],
                inbuf)

            def row_body(kk, acc2):
                out = []
                for j in range(_SC_GROUPS):
                    v = inbuf[kk, pl.ds(j * _SC_LANES, _SC_LANES)]
                    m = (_sc_key_of(v) == t_s[j]) & \
                        (c * _SC_CHUNK + kk < cand_tuple[j])
                    out.append(acc2[j] + jnp.where(m, 1.0, 0.0))
                return tuple(out)

            return lax.fori_loop(0, _SC_CHUNK, row_body, acc)

        zeros = tuple(_sc_vec(0.0, jnp.float32) for _ in range(_SC_GROUPS))
        return lax.fori_loop(0, nchunks, chunk_body, zeros)

    def tie_body(i, a):
        bit = lax.shift_left(jnp.int32(1), jnp.int32(12) - i)
        cand = tuple(aj | bit for aj in a)
        cnt = tie_count(cand)
        return tuple(jnp.where(
            F[j] + jnp.maximum(cnt[j] - 1.0, 0.0) * e_t[j] < _TRUNC_R,
            cand[j], a[j]) for j in range(_SC_GROUPS))

    idx_cut = lax.fori_loop(0, 13, tie_body,
                            tuple(_sc_vec(0, jnp.int32)
                                  for _ in range(_SC_GROUPS)))

    def wchunk(c, _):
        pltpu.sync_copy(
            x_hbm.at[bi, pl.ds(c * _SC_CHUNK, _SC_CHUNK), pl.ds(s0, 128)],
            inbuf)

        def row_body(kk, _2):
            for j in range(_SC_GROUPS):
                v = inbuf[kk, pl.ds(j * _SC_LANES, _SC_LANES)]
                kkey = _sc_key_of(v)
                keep = (kkey > t_s[j]) | ((kkey == t_s[j]) &
                                          (c * _SC_CHUNK + kk < idx_cut[j]))
                inbuf[kk, pl.ds(j * _SC_LANES, _SC_LANES)] = \
                    jnp.where(keep, v, _NEG_FILL)
            return 0

        lax.fori_loop(0, _SC_CHUNK, row_body, 0)
        pltpu.sync_copy(
            inbuf,
            o_hbm.at[bi, pl.ds(c * _SC_CHUNK, _SC_CHUNK), pl.ds(s0, 128)])
        return 0

    lax.fori_loop(0, nchunks, wchunk, 0)


def _sc_topp(logits):
    b, k, s = logits.shape
    slabs = s // 128
    mesh = plsc.VectorSubcoreMesh(core_axis_name="c", subcore_axis_name="s")

    @functools.partial(
        pl.kernel,
        mesh=mesh,
        out_type=jax.ShapeDtypeStruct((b, k, s), jnp.float32),
    )
    def run(x_hbm, o_hbm):
        def scoped(inbuf, obuf):
            wid = lax.axis_index("s") * 2 + lax.axis_index("c")
            bi = wid // slabs
            s0 = (wid % slabs) * 128
            lane = lax.broadcasted_iota(jnp.int32, (_SC_LANES,), 0)

            def chunk_scan(c, carry):
                mx, fm = carry
                pltpu.sync_copy(
                    x_hbm.at[bi, pl.ds(c * _SC_CHUNK, _SC_CHUNK),
                             pl.ds(s0, 128)], inbuf)

                def row_body(kk, carry2):
                    mx2, fm2 = carry2
                    nmx, nfm = [], []
                    for j in range(_SC_GROUPS):
                        v = inbuf[kk, pl.ds(j * _SC_LANES, _SC_LANES)]
                        hit = v > mx2[j]
                        nmx.append(jnp.where(hit, v, mx2[j]))
                        nfm.append(jnp.where(hit, c * _SC_CHUNK + kk, fm2[j]))
                    return tuple(nmx), tuple(nfm)

                return lax.fori_loop(0, _SC_CHUNK, row_body, (mx, fm))

            init = (tuple(_sc_vec(-jnp.inf, jnp.float32)
                          for _ in range(_SC_GROUPS)),
                    tuple(_sc_vec(0, jnp.int32) for _ in range(_SC_GROUPS)))
            mx, fm = lax.fori_loop(0, k // _SC_CHUNK, chunk_scan, init)

            mn = jnp.minimum(
                jnp.minimum(jnp.minimum(mx[0], mx[1]),
                            jnp.minimum(mx[2], mx[3])),
                jnp.minimum(jnp.minimum(mx[4], mx[5]),
                            jnp.minimum(mx[6], mx[7])))
            easy = mn[0] >= -0.16
            for i in range(1, _SC_LANES):
                easy = easy & (mn[i] >= -0.16)

            def fast():
                def out_chunk(c, _):
                    base = c * _SC_OCHUNK

                    def row_body(kk, _2):
                        for j in range(_SC_GROUPS):
                            obuf[kk, pl.ds(j * _SC_LANES, _SC_LANES)] = \
                                jnp.where(fm[j] == base + kk, mx[j],
                                          _NEG_FILL)
                        return 0

                    lax.fori_loop(0, _SC_OCHUNK, row_body, 0)
                    pltpu.sync_copy(
                        obuf,
                        o_hbm.at[bi, pl.ds(base, _SC_OCHUNK), pl.ds(s0, 128)])
                    return 0

                lax.fori_loop(0, k // _SC_OCHUNK, out_chunk, 0)

            lax.cond(easy, fast,
                     lambda: _sc_task_general(x_hbm, o_hbm, bi, s0, k,
                                              inbuf, obuf))

        pl.run_scoped(scoped,
                      pltpu.VMEM((_SC_CHUNK, 128), jnp.float32),
                      pltpu.VMEM((_SC_OCHUNK, 128), jnp.float32))

    return run(logits)


def kernel(logits):
    return _sc_topp(logits)

# --- scband reference (transcript-rebuilt; emitter-appended) ---
"""Pipeline reference for scband-dalle-24034636988927 (READ-ONLY COPY).

The authoritative reference and input builder live on the scoring server;
editing this copy changes nothing except your own understanding.
"""

import jax, jax.numpy as jnp
import numpy as np

TRUNCATION_R = 0.85

def setup_inputs(seed: int = 0) -> dict:
    key = jax.random.key(seed)
    # logits: predicted log-probs over the VQ codebook for each content token
    # shape [B, num_classes, seq] matching the dim=1 sort in the torch wrapper
    logits = jax.random.normal(key, (8, 4096, 512), dtype=jnp.float32)
    return {"logits": logits}

def reference(logits):
    # Faithful port of DALLE.predict_start_with_truncation 'top0.85r' wrapper:
    #   temp, indices = torch.sort(out, 1, descending=True)
    #   temp1 = exp(temp); temp2 = temp1.cumsum(dim=1); temp3 = temp2 < r
    #   prepend True row, drop last row (keep-at-least-one semantics)
    #   temp4 = temp3.gather(1, indices.argsort(1))
    #   probs = temp4.float()*out + (1-temp4.float())*(-70)
    neg = -logits
    temp = -jnp.sort(neg, axis=1)                 # descending sort values
    indices = jnp.argsort(neg, axis=1)            # descending sort indices
    temp1 = jnp.exp(temp)
    temp2 = jnp.cumsum(temp1, axis=1)
    temp3 = temp2 < TRUNCATION_R
    new_temp = jnp.ones_like(temp3[:, 0:1, :], dtype=bool)
    temp6 = jnp.concatenate((new_temp, temp3), axis=1)
    temp3 = temp6[:, :-1, :]
    inv_perm = jnp.argsort(indices, axis=1)       # indices.argsort(1)
    temp4 = jnp.take_along_axis(temp3, inv_perm, axis=1)
    tf = temp4.astype(jnp.float32)
    probs = tf * logits + (1.0 - tf) * (-70.0)
    return probs

if __name__ == "__main__":
    import jax
    _d = setup_inputs()
    print(jax.jit(kernel)(*tuple(_d.values())))

</pallas_src>

<mosaic_0001>
#map = affine_map<(d0, d1) -> (0, 0, 0)>
module attributes {stable_mosaic.version = 14 : i64} {
  func.func @run(%arg0: i32, %arg1: i32, %arg2: memref<8x4096x512xf32, #tpu.memory_space<hbm>>, %arg3: memref<8x4096x512xf32, #tpu.memory_space<hbm>>) attributes {dimension_semantics = [#tpu.dimension_semantics<core_parallel>, #tpu.dimension_semantics<subcore_parallel>], iteration_bounds = array<i64: 2, 16>, scalar_prefetch = 0 : i64, scratch_operands = 0 : i64, tpu.core_type = #tpu.core_type<sc_vector_subcore>, window_params = [{transform_indices = #map}, {transform_indices = #map}]} {
    "tpu.region"() ({
      %run_scoped3A = memref.alloca() : memref<512x128xf32, #tpu.memory_space<vmem>>
      %run_scoped3A_0 = memref.alloca() : memref<256x128xf32, #tpu.memory_space<vmem>>
      %mul3A = arith.constant 2 : i32
      %mul3A_1 = arith.muli %arg1, %mul3A : i32
      %add3A = arith.addi %mul3A_1, %arg0 : i32
      %jit3A = arith.constant 4 : i32
      %div3A = arith.divsi %add3A, %jit3A : i32
      %sign3A = arith.constant 0 : i32
      %sign3A_2 = arith.cmpi sgt, %add3A, %sign3A : i32
      %sign3A_3 = arith.extui %sign3A_2 : i1 to i32
      %sign3A_4 = arith.constant 0 : i32
      %sign3A_5 = arith.cmpi slt, %add3A, %sign3A_4 : i32
      %sign3A_6 = arith.extui %sign3A_5 : i1 to i32
      %sign3A_7 = arith.subi %sign3A_3, %sign3A_6 : i32
      %sign3A_8 = arith.constant 0 : i32
      %sign3A_9 = arith.cmpi sgt, %jit3A, %sign3A_8 : i32
      %sign3A_10 = arith.extui %sign3A_9 : i1 to i32
      %sign3A_11 = arith.constant 0 : i32
      %sign3A_12 = arith.cmpi slt, %jit3A, %sign3A_11 : i32
      %sign3A_13 = arith.extui %sign3A_12 : i1 to i32
      %sign3A_14 = arith.subi %sign3A_10, %sign3A_13 : i32
      %ne3A = arith.cmpi ne, %sign3A_7, %sign3A_14 : i32
      %rem3A = arith.remsi %add3A, %jit3A : i32
      %ne3A_15 = arith.constant 0 : i32
      %ne3A_16 = arith.cmpi ne, %rem3A, %ne3A_15 : i32
      %and3A = arith.andi %ne3A, %ne3A_16 : i1
      %sub3A = arith.constant 1 : i32
      %sub3A_17 = arith.subi %div3A, %sub3A : i32
      %select_n3A = arith.select %and3A, %sub3A_17, %div3A : i32
      %jit3A_18 = arith.constant 4 : i32
      %eq3A = arith.constant 0 : i32
      %eq3A_19 = arith.cmpi eq, %jit3A_18, %eq3A : i32
      %jit3A_20 = arith.constant 1 : i32
      %select_n3A_21 = arith.select %eq3A_19, %jit3A_20, %jit3A_18 : i32
      %rem3A_22 = arith.remsi %add3A, %select_n3A_21 : i32
      %ne3A_23 = arith.constant 0 : i32
      %ne3A_24 = arith.cmpi ne, %rem3A_22, %ne3A_23 : i32
      %lt3A = arith.constant 0 : i32
      %lt3A_25 = arith.cmpi slt, %rem3A_22, %lt3A : i32
      %lt3A_26 = arith.constant 0 : i32
      %lt3A_27 = arith.cmpi slt, %select_n3A_21, %lt3A_26 : i32
      %ne3A_28 = arith.xori %lt3A_25, %lt3A_27 : i1
      %and3A_29 = arith.andi %ne3A_28, %ne3A_24 : i1
      %add3A_30 = arith.addi %rem3A_22, %select_n3A_21 : i32
      %select_n3A_31 = arith.select %and3A_29, %add3A_30, %rem3A_22 : i32
      %mul3A_32 = arith.constant 128 : i32
      %mul3A_33 = arith.muli %select_n3A_31, %mul3A_32 : i32
      %iota3A = tpu.iota {dimensions = array<i32: 0>} : vector<16xi32>
      %broadcast_in_dim3A = arith.constant 0.000000e+00 : f32
      %broadcast_in_dim3A_34 = vector.broadcast %broadcast_in_dim3A : f32 to vector<16xf32>
      %add3A_35 = arith.constant 0xFF800000 : f32
      %add3A_36 = vector.broadcast %add3A_35 : f32 to vector<16xf32>
      %add3A_37 = arith.addf %broadcast_in_dim3A_34, %add3A_36 : vector<16xf32>
      %broadcast_in_dim3A_38 = arith.constant 0.000000e+00 : f32
      %broadcast_in_dim3A_39 = vector.broadcast %broadcast_in_dim3A_38 : f32 to vector<16xf32>
      %add3A_40 = arith.constant 0xFF800000 : f32
      %add3A_41 = vector.broadcast %add3A_40 : f32 to vector<16xf32>
      %add3A_42 = arith.addf %broadcast_in_dim3A_39, %add3A_41 : vector<16xf32>
      %broadcast_in_dim3A_43 = arith.constant 0.000000e+00 : f32
      %broadcast_in_dim3A_44 = vector.broadcast %broadcast_in_dim3A_43 : f32 to vector<16xf32>
      %add3A_45 = arith.constant 0xFF800000 : f32
      %add3A_46 = vector.broadcast %add3A_45 : f32 to vector<16xf32>
      %add3A_47 = arith.addf %broadcast_in_dim3A_44, %add3A_46 : vector<16xf32>
      %broadcast_in_dim3A_48 = arith.constant 0.000000e+00 : f32
      %broadcast_in_dim3A_49 = vector.broadcast %broadcast_in_dim3A_48 : f32 to vector<16xf32>
      %add3A_50 = arith.constant 0xFF800000 : f32
      %add3A_51 = vector.broadcast %add3A_50 : f32 to vector<16xf32>
      %add3A_52 = arith.addf %broadcast_in_dim3A_49, %add3A_51 : vector<16xf32>
      %broadcast_in_dim3A_53 = arith.constant 0.000000e+00 : f32
      %broadcast_in_dim3A_54 = vector.broadcast %broadcast_in_dim3A_53 : f32 to vector<16xf32>
      %add3A_55 = arith.constant 0xFF800000 : f32
      %add3A_56 = vector.broadcast %add3A_55 : f32 to vector<16xf32>
      %add3A_57 = arith.addf %broadcast_in_dim3A_54, %add3A_56 : vector<16xf32>
      %broadcast_in_dim3A_58 = arith.constant 0.000000e+00 : f32
      %broadcast_in_dim3A_59 = vector.broadcast %broadcast_in_dim3A_58 : f32 to vector<16xf32>
      %add3A_60 = arith.constant 0xFF800000 : f32
      %add3A_61 = vector.broadcast %add3A_60 : f32 to vector<16xf32>
      %add3A_62 = arith.addf %broadcast_in_dim3A_59, %add3A_61 : vector<16xf32>
      %broadcast_in_dim3A_63 = arith.constant 0.000000e+00 : f32
      %broadcast_in_dim3A_64 = vector.broadcast %broadcast_in_dim3A_63 : f32 to vector<16xf32>
      %add3A_65 = arith.constant 0xFF800000 : f32
      %add3A_66 = vector.broadcast %add3A_65 : f32 to vector<16xf32>
      %add3A_67 = arith.addf %broadcast_in_dim3A_64, %add3A_66 : vector<16xf32>
      %broadcast_in_dim3A_68 = arith.constant 0.000000e+00 : f32
      %broadcast_in_dim3A_69 = vector.broadcast %broadcast_in_dim3A_68 : f32 to vector<16xf32>
      %add3A_70 = arith.constant 0xFF800000 : f32
      %add3A_71 = vector.broadcast %add3A_70 : f32 to vector<16xf32>
      %add3A_72 = arith.addf %broadcast_in_dim3A_69, %add3A_71 : vector<16xf32>
      %broadcast_in_dim3A_73 = arith.constant 0 : i32
      %broadcast_in_dim3A_74 = vector.broadcast %broadcast_in_dim3A_73 : i32 to vector<16xi32>
      %add3A_75 = arith.constant 0 : i32
      %add3A_76 = vector.broadcast %add3A_75 : i32 to vector<16xi32>
      %add3A_77 = arith.addi %broadcast_in_dim3A_74, %add3A_76 : vector<16xi32>
      %broadcast_in_dim3A_78 = arith.constant 0 : i32
      %broadcast_in_dim3A_79 = vector.broadcast %broadcast_in_dim3A_78 : i32 to vector<16xi32>
      %add3A_80 = arith.constant 0 : i32
      %add3A_81 = vector.broadcast %add3A_80 : i32 to vector<16xi32>
      %add3A_82 = arith.addi %broadcast_in_dim3A_79, %add3A_81 : vector<16xi32>
      %broadcast_in_dim3A_83 = arith.constant 0 : i32
      %broadcast_in_dim3A_84 = vector.broadcast %broadcast_in_dim3A_83 : i32 to vector<16xi32>
      %add3A_85 = arith.constant 0 : i32
      %add3A_86 = vector.broadcast %add3A_85 : i32 to vector<16xi32>
      %add3A_87 = arith.addi %broadcast_in_dim3A_84, %add3A_86 : vector<16xi32>
      %broadcast_in_dim3A_88 = arith.constant 0 : i32
      %broadcast_in_dim3A_89 = vector.broadcast %broadcast_in_dim3A_88 : i32 to vector<16xi32>
      %add3A_90 = arith.constant 0 : i32
      %add3A_91 = vector.broadcast %add3A_90 : i32 to vector<16xi32>
      %add3A_92 = arith.addi %broadcast_in_dim3A_89, %add3A_91 : vector<16xi32>
      %broadcast_in_dim3A_93 = arith.constant 0 : i32
      %broadcast_in_dim3A_94 = vector.broadcast %broadcast_in_dim3A_93 : i32 to vector<16xi32>
      %add3A_95 = arith.constant 0 : i32
      %add3A_96 = vector.broadcast %add3A_95 : i32 to vector<16xi32>
      %add3A_97 = arith.addi %broadcast_in_dim3A_94, %add3A_96 : vector<16xi32>
      %broadcast_in_dim3A_98 = arith.constant 0 : i32
      %broadcast_in_dim3A_99 = vector.broadcast %broadcast_in_dim3A_98 : i32 to vector<16xi32>
      %add3A_100 = arith.constant 0 : i32
      %add3A_101 = vector.broadcast %add3A_100 : i32 to vector<16xi32>
      %add3A_102 = arith.addi %broadcast_in_dim3A_99, %add3A_101 : vector<16xi32>
      %broadcast_in_dim3A_103 = arith.constant 0 : i32
      %broadcast_in_dim3A_104 = vector.broadcast %broadcast_in_dim3A_103 : i32 to vector<16xi32>
      %add3A_105 = arith.constant 0 : i32
      %add3A_106 = vector.broadcast %add3A_105 : i32 to vector<16xi32>
      %add3A_107 = arith.addi %broadcast_in_dim3A_104, %add3A_106 : vector<16xi32>
      %broadcast_in_dim3A_108 = arith.constant 0 : i32
      %broadcast_in_dim3A_109 = vector.broadcast %broadcast_in_dim3A_108 : i32 to vector<16xi32>
      %add3A_110 = arith.constant 0 : i32
      %add3A_111 = vector.broadcast %add3A_110 : i32 to vector<16xi32>
      %add3A_112 = arith.addi %broadcast_in_dim3A_109, %add3A_111 : vector<16xi32>
      %scan3A = arith.constant 0 : i32
      %scan3A_113 = arith.constant 8 : i32
      %scan3A_114 = arith.addi %scan3A, %scan3A_113 : i32
      %scan3A_115 = arith.constant 1 : i32
      %scan3A_116:16 = scf.for %scan3A_201 = %scan3A to %scan3A_114 step %scan3A_115 iter_args(%scan3A_202 = %add3A_37, %scan3A_203 = %add3A_42, %scan3A_204 = %add3A_47, %scan3A_205 = %add3A_52, %scan3A_206 = %add3A_57, %scan3A_207 = %add3A_62, %scan3A_208 = %add3A_67, %scan3A_209 = %add3A_72, %scan3A_210 = %add3A_77, %scan3A_211 = %add3A_82, %scan3A_212 = %add3A_87, %scan3A_213 = %add3A_92, %scan3A_214 = %add3A_97, %scan3A_215 = %add3A_102, %scan3A_216 = %add3A_107, %scan3A_217 = %add3A_112) -> (vector<16xf32>, vector<16xf32>, vector<16xf32>, vector<16xf32>, vector<16xf32>, vector<16xf32>, vector<16xf32>, vector<16xf32>, vector<16xi32>, vector<16xi32>, vector<16xi32>, vector<16xi32>, vector<16xi32>, vector<16xi32>, vector<16xi32>, vector<16xi32>)  : i32 {
        %mul3A_218 = arith.constant 512 : i32
        %mul3A_219 = arith.muli %scan3A_201, %mul3A_218 : i32
        "tpu.region"() ({
          %run_scoped3A_226 = tpu.sem_alloc : memref<!tpu.dma_semaphore, #tpu.memory_space<semaphore_mem>>
          %dma_start3A = tpu.memref_slice %arg2[%select_n3A, %mul3A_219, %mul3A_33] : memref<8x4096x512xf32, #tpu.memory_space<hbm>> -> memref<1x512x128xf32, #tpu.memory_space<hbm>>
          %dma_start3A_227 = tpu.memref_squeeze %dma_start3A : memref<1x512x128xf32, #tpu.memory_space<hbm>> -> memref<512x128xf32, #tpu.memory_space<hbm>>
          %dma_start3A_228 = tpu.memref_slice %arg2[%select_n3A, %mul3A_219, %mul3A_33] : memref<8x4096x512xf32, #tpu.memory_space<hbm>> -> memref<1x512x128xf32, #tpu.memory_space<hbm>>
          %dma_start3A_229 = tpu.memref_squeeze %dma_start3A_228 : memref<1x512x128xf32, #tpu.memory_space<hbm>> -> memref<512x128xf32, #tpu.memory_space<hbm>>
          tpu.enqueue_dma source(%dma_start3A_229 : memref<512x128xf32, #tpu.memory_space<hbm>>) target(%run_scoped3A : memref<512x128xf32, #tpu.memory_space<vmem>>) target_semaphore(%run_scoped3A_226 : memref<!tpu.dma_semaphore, #tpu.memory_space<semaphore_mem>>)
          %dma_wait3A = tpu.memref_slice %arg2[%select_n3A, %mul3A_219, %mul3A_33] : memref<8x4096x512xf32, #tpu.memory_space<hbm>> -> memref<1x512x128xf32, #tpu.memory_space<hbm>>
          %dma_wait3A_230 = tpu.memref_squeeze %dma_wait3A : memref<1x512x128xf32, #tpu.memory_space<hbm>> -> memref<512x128xf32, #tpu.memory_space<hbm>>
          %dma_wait3A_231 = tpu.memref_slice %arg2[%select_n3A, %mul3A_219, %mul3A_33] : memref<8x4096x512xf32, #tpu.memory_space<hbm>> -> memref<1x512x128xf32, #tpu.memory_space<hbm>>
          %dma_wait3A_232 = tpu.memref_squeeze %dma_wait3A_231 : memref<1x512x128xf32, #tpu.memory_space<hbm>> -> memref<512x128xf32, #tpu.memory_space<hbm>>
          tpu.wait_dma2 semaphore(%run_scoped3A_226 : memref<!tpu.dma_semaphore, #tpu.memory_space<semaphore_mem>>) src(%dma_wait3A_232 : memref<512x128xf32, #tpu.memory_space<hbm>>) dst(%run_scoped3A : memref<512x128xf32, #tpu.memory_space<vmem>>)
          tpu.yield
        }) : () -> ()
        %scan3A_220 = arith.constant 0 : i32
        %scan3A_221 = arith.constant 512 : i32
        %scan3A_222 = arith.addi %scan3A_220, %scan3A_221 : i32
        %scan3A_223 = arith.constant 1 : i32
        %scan3A_224:16 = scf.for %scan3A_226 = %scan3A_220 to %scan3A_222 step %scan3A_223 iter_args(%scan3A_227 = %scan3A_202, %scan3A_228 = %scan3A_203, %scan3A_229 = %scan3A_204, %scan3A_230 = %scan3A_205, %scan3A_231 = %scan3A_206, %scan3A_232 = %scan3A_207, %scan3A_233 = %scan3A_208, %scan3A_234 = %scan3A_209, %scan3A_235 = %scan3A_210, %scan3A_236 = %scan3A_211, %scan3A_237 = %scan3A_212, %scan3A_238 = %scan3A_213, %scan3A_239 = %scan3A_214, %scan3A_240 = %scan3A_215, %scan3A_241 = %scan3A_216, %scan3A_242 = %scan3A_217) -> (vector<16xf32>, vector<16xf32>, vector<16xf32>, vector<16xf32>, vector<16xf32>, vector<16xf32>, vector<16xf32>, vector<16xf32>, vector<16xi32>, vector<16xi32>, vector<16xi32>, vector<16xi32>, vector<16xi32>, vector<16xi32>, vector<16xi32>, vector<16xi32>)  : i32 {
          %get3A = arith.index_cast %scan3A_226 : i32 to index
          %get3A_243 = arith.constant 0 : index
          %get3A_244 = tpu.vector_load %run_scoped3A[%get3A, %get3A_243] {strides = array<i32>} : memref<512x128xf32, #tpu.memory_space<vmem>>, vector<1x16xf32>,
          %get3A_245 = vector.shape_cast %get3A_244 : vector<1x16xf32> to vector<16xf32>
          %gt3A = arith.cmpf ogt, %get3A_245, %scan3A_227 : vector<16xf32>
          %select_n3A_246 = arith.select %gt3A, %get3A_245, %scan3A_227 : vector<16xi1>, vector<16xf32>
          %mul3A_247 = arith.constant 512 : i32
          %mul3A_248 = arith.muli %scan3A_201, %mul3A_247 : i32
          %add3A_249 = arith.addi %mul3A_248, %scan3A_226 : i32
          %broadcast_in_dim3A_250 = vector.broadcast %add3A_249 : i32 to vector<16xi32>
          %select_n3A_251 = arith.select %gt3A, %broadcast_in_dim3A_250, %scan3A_235 : vector<16xi1>, vector<16xi32>
          %get3A_252 = arith.index_cast %scan3A_226 : i32 to index
          %get3A_253 = arith.constant 16 : index
          %get3A_254 = tpu.vector_load %run_scoped3A[%get3A_252, %get3A_253] {strides = array<i32>} : memref<512x128xf32, #tpu.memory_space<vmem>>, vector<1x16xf32>,
          %get3A_255 = vector.shape_cast %get3A_254 : vector<1x16xf32> to vector<16xf32>
          %gt3A_256 = arith.cmpf ogt, %get3A_255, %scan3A_228 : vector<16xf32>
          %select_n3A_257 = arith.select %gt3A_256, %get3A_255, %scan3A_228 : vector<16xi1>, vector<16xf32>
          %mul3A_258 = arith.constant 512 : i32
          %mul3A_259 = arith.muli %scan3A_201, %mul3A_258 : i32
          %add3A_260 = arith.addi %mul3A_259, %scan3A_226 : i32
          %broadcast_in_dim3A_261 = vector.broadcast %add3A_260 : i32 to vector<16xi32>
          %select_n3A_262 = arith.select %gt3A_256, %broadcast_in_dim3A_261, %scan3A_236 : vector<16xi1>, vector<16xi32>
          %get3A_263 = arith.index_cast %scan3A_226 : i32 to index
          %get3A_264 = arith.constant 32 : index
          %get3A_265 = tpu.vector_load %run_scoped3A[%get3A_263, %get3A_264] {strides = array<i32>} : memref<512x128xf32, #tpu.memory_space<vmem>>, vector<1x16xf32>,
          %get3A_266 = vector.shape_cast %get3A_265 : vector<1x16xf32> to vector<16xf32>
          %gt3A_267 = arith.cmpf ogt, %get3A_266, %scan3A_229 : vector<16xf32>
          %select_n3A_268 = arith.select %gt3A_267, %get3A_266, %scan3A_229 : vector<16xi1>, vector<16xf32>
          %mul3A_269 = arith.constant 512 : i32
          %mul3A_270 = arith.muli %scan3A_201, %mul3A_269 : i32
          %add3A_271 = arith.addi %mul3A_270, %scan3A_226 : i32
          %broadcast_in_dim3A_272 = vector.broadcast %add3A_271 : i32 to vector<16xi32>
          %select_n3A_273 = arith.select %gt3A_267, %broadcast_in_dim3A_272, %scan3A_237 : vector<16xi1>, vector<16xi32>
          %get3A_274 = arith.index_cast %scan3A_226 : i32 to index
          %get3A_275 = arith.constant 48 : index
          %get3A_276 = tpu.vector_load %run_scoped3A[%get3A_274, %get3A_275] {strides = array<i32>} : memref<512x128xf32, #tpu.memory_space<vmem>>, vector<1x16xf32>,
          %get3A_277 = vector.shape_cast %get3A_276 : vector<1x16xf32> to vector<16xf32>
          %gt3A_278 = arith.cmpf ogt, %get3A_277, %scan3A_230 : vector<16xf32>
          %select_n3A_279 = arith.select %gt3A_278, %get3A_277, %scan3A_230 : vector<16xi1>, vector<16xf32>
          %mul3A_280 = arith.constant 512 : i32
          %mul3A_281 = arith.muli %scan3A_201, %mul3A_280 : i32
          %add3A_282 = arith.addi %mul3A_281, %scan3A_226 : i32
          %broadcast_in_dim3A_283 = vector.broadcast %add3A_282 : i32 to vector<16xi32>
          %select_n3A_284 = arith.select %gt3A_278, %broadcast_in_dim3A_283, %scan3A_238 : vector<16xi1>, vector<16xi32>
          %get3A_285 = arith.index_cast %scan3A_226 : i32 to index
          %get3A_286 = arith.constant 64 : index
          %get3A_287 = tpu.vector_load %run_scoped3A[%get3A_285, %get3A_286] {strides = array<i32>} : memref<512x128xf32, #tpu.memory_space<vmem>>, vector<1x16xf32>,
          %get3A_288 = vector.shape_cast %get3A_287 : vector<1x16xf32> to vector<16xf32>
          %gt3A_289 = arith.cmpf ogt, %get3A_288, %scan3A_231 : vector<16xf32>
          %select_n3A_290 = arith.select %gt3A_289, %get3A_288, %scan3A_231 : vector<16xi1>, vector<16xf32>
          %mul3A_291 = arith.constant 512 : i32
          %mul3A_292 = arith.muli %scan3A_201, %mul3A_291 : i32
          %add3A_293 = arith.addi %mul3A_292, %scan3A_226 : i32
          %broadcast_in_dim3A_294 = vector.broadcast %add3A_293 : i32 to vector<16xi32>
          %select_n3A_295 = arith.select %gt3A_289, %broadcast_in_dim3A_294, %scan3A_239 : vector<16xi1>, vector<16xi32>
          %get3A_296 = arith.index_cast %scan3A_226 : i32 to index
          %get3A_297 = arith.constant 80 : index
          %get3A_298 = tpu.vector_load %run_scoped3A[%get3A_296, %get3A_297] {strides = array<i32>} : memref<512x128xf32, #tpu.memory_space<vmem>>, vector<1x16xf32>,
          %get3A_299 = vector.shape_cast %get3A_298 : vector<1x16xf32> to vector<16xf32>
          %gt3A_300 = arith.cmpf ogt, %get3A_299, %scan3A_232 : vector<16xf32>
          %select_n3A_301 = arith.select %gt3A_300, %get3A_299, %scan3A_232 : vector<16xi1>, vector<16xf32>
          %mul3A_302 = arith.constant 512 : i32
          %mul3A_303 = arith.muli %scan3A_201, %mul3A_302 : i32
          %add3A_304 = arith.addi %mul3A_303, %scan3A_226 : i32
          %broadcast_in_dim3A_305 = vector.broadcast %add3A_304 : i32 to vector<16xi32>
          %select_n3A_306 = arith.select %gt3A_300, %broadcast_in_dim3A_305, %scan3A_240 : vector<16xi1>, vector<16xi32>
          %get3A_307 = arith.index_cast %scan3A_226 : i32 to index
          %get3A_308 = arith.constant 96 : index
          %get3A_309 = tpu.vector_load %run_scoped3A[%get3A_307, %get3A_308] {strides = array<i32>} : memref<512x128xf32, #tpu.memory_space<vmem>>, vector<1x16xf32>,
          %get3A_310 = vector.shape_cast %get3A_309 : vector<1x16xf32> to vector<16xf32>
          %gt3A_311 = arith.cmpf ogt, %get3A_310, %scan3A_233 : vector<16xf32>
          %select_n3A_312 = arith.select %gt3A_311, %get3A_310, %scan3A_233 : vector<16xi1>, vector<16xf32>
          %mul3A_313 = arith.constant 512 : i32
          %mul3A_314 = arith.muli %scan3A_201, %mul3A_313 : i32
          %add3A_315 = arith.addi %mul3A_314, %scan3A_226 : i32
          %broadcast_in_dim3A_316 = vector.broadcast %add3A_315 : i32 to vector<16xi32>
          %select_n3A_317 = arith.select %gt3A_311, %broadcast_in_dim3A_316, %scan3A_241 : vector<16xi1>, vector<16xi32>
          %get3A_318 = arith.index_cast %scan3A_226 : i32 to index
          %get3A_319 = arith.constant 112 : index
          %get3A_320 = tpu.vector_load %run_scoped3A[%get3A_318, %get3A_319] {strides = array<i32>} : memref<512x128xf32, #tpu.memory_space<vmem>>, vector<1x16xf32>,
          %get3A_321 = vector.shape_cast %get3A_320 : vector<1x16xf32> to vector<16xf32>
          %gt3A_322 = arith.cmpf ogt, %get3A_321, %scan3A_234 : vector<16xf32>
          %select_n3A_323 = arith.select %gt3A_322, %get3A_321, %scan3A_234 : vector<16xi1>, vector<16xf32>
          %mul3A_324 = arith.constant 512 : i32
          %mul3A_325 = arith.muli %scan3A_201, %mul3A_324 : i32
          %add3A_326 = arith.addi %mul3A_325, %scan3A_226 : i32
          %broadcast_in_dim3A_327 = vector.broadcast %add3A_326 : i32 to vector<16xi32>
          %select_n3A_328 = arith.select %gt3A_322, %broadcast_in_dim3A_327, %scan3A_242 : vector<16xi1>, vector<16xi32>
          scf.yield %select_n3A_246, %select_n3A_257, %select_n3A_268, %select_n3A_279, %select_n3A_290, %select_n3A_301, %select_n3A_312, %select_n3A_323, %select_n3A_251, %select_n3A_262, %select_n3A_273, %select_n3A_284, %select_n3A_295, %select_n3A_306, %select_n3A_317, %select_n3A_328 : vector<16xf32>, vector<16xf32>, vector<16xf32>, vector<16xf32>, vector<16xf32>, vector<16xf32>, vector<16xf32>, vector<16xf32>, vector<16xi32>, vector<16xi32>, vector<16xi32>, vector<16xi32>, vector<16xi32>, vector<16xi32>, vector<16xi32>, vector<16xi32>
        }
        %scan3A_225 = arith.constant 512 : i32
        scf.yield %scan3A_224#0, %scan3A_224#1, %scan3A_224#2, %scan3A_224#3, %scan3A_224#4, %scan3A_224#5, %scan3A_224#6, %scan3A_224#7, %scan3A_224#8, %scan3A_224#9, %scan3A_224#10, %scan3A_224#11, %scan3A_224#12, %scan3A_224#13, %scan3A_224#14, %scan3A_224#15 : vector<16xf32>, vector<16xf32>, vector<16xf32>, vector<16xf32>, vector<16xf32>, vector<16xf32>, vector<16xf32>, vector<16xf32>, vector<16xi32>, vector<16xi32>, vector<16xi32>, vector<16xi32>, vector<16xi32>, vector<16xi32>, vector<16xi32>, vector<16xi32>
      }
      %scan3A_117 = arith.constant 8 : i32
      %min3A = arith.minimumf %scan3A_116#0, %scan3A_116#1 : vector<16xf32>
      %min3A_118 = arith.minimumf %scan3A_116#2, %scan3A_116#3 : vector<16xf32>
      %min3A_119 = arith.minimumf %min3A, %min3A_118 : vector<16xf32>
      %min3A_120 = arith.minimumf %scan3A_116#4, %scan3A_116#5 : vector<16xf32>
      %min3A_121 = arith.minimumf %scan3A_116#6, %scan3A_116#7 : vector<16xf32>
      %min3A_122 = arith.minimumf %min3A_120, %min3A_121 : vector<16xf32>
      %min3A_123 = arith.minimumf %min3A_119, %min3A_122 : vector<16xf32>
      %slice3A = vector.extract_strided_slice %min3A_123 {offsets = [0], sizes = [1], strides = [1]} : vector<16xf32> to vector<1xf32>
      %squeeze3A = vector.extract %slice3A[0] : f32 from vector<1xf32>
      %ge3A = arith.constant -1.600000e-01 : f32
      %ge3A_124 = arith.cmpf oge, %squeeze3A, %ge3A : f32
      %slice3A_125 = vector.extract_strided_slice %min3A_123 {offsets = [1], sizes = [1], strides = [1]} : vector<16xf32> to vector<1xf32>
      %squeeze3A_126 = vector.extract %slice3A_125[0] : f32 from vector<1xf32>
      %ge3A_127 = arith.constant -1.600000e-01 : f32
      %ge3A_128 = arith.cmpf oge, %squeeze3A_126, %ge3A_127 : f32
      %and3A_129 = arith.andi %ge3A_124, %ge3A_128 : i1
      %slice3A_130 = vector.extract_strided_slice %min3A_123 {offsets = [2], sizes = [1], strides = [1]} : vector<16xf32> to vector<1xf32>
      %squeeze3A_131 = vector.extract %slice3A_130[0] : f32 from vector<1xf32>
      %ge3A_132 = arith.constant -1.600000e-01 : f32
      %ge3A_133 = arith.cmpf oge, %squeeze3A_131, %ge3A_132 : f32
      %and3A_134 = arith.andi %and3A_129, %ge3A_133 : i1
      %slice3A_135 = vector.extract_strided_slice %min3A_123 {offsets = [3], sizes = [1], strides = [1]} : vector<16xf32> to vector<1xf32>
      %squeeze3A_136 = vector.extract %slice3A_135[0] : f32 from vector<1xf32>
      %ge3A_137 = arith.constant -1.600000e-01 : f32
      %ge3A_138 = arith.cmpf oge, %squeeze3A_136, %ge3A_137 : f32
      %and3A_139 = arith.andi %and3A_134, %ge3A_138 : i1
      %slice3A_140 = vector.extract_strided_slice %min3A_123 {offsets = [4], sizes = [1], strides = [1]} : vector<16xf32> to vector<1xf32>
      %squeeze3A_141 = vector.extract %slice3A_140[0] : f32 from vector<1xf32>
      %ge3A_142 = arith.constant -1.600000e-01 : f32
      %ge3A_143 = arith.cmpf oge, %squeeze3A_141, %ge3A_142 : f32
      %and3A_144 = arith.andi %and3A_139, %ge3A_143 : i1
      %slice3A_145 = vector.extract_strided_slice %min3A_123 {offsets = [5], sizes = [1], strides = [1]} : vector<16xf32> to vector<1xf32>
      %squeeze3A_146 = vector.extract %slice3A_145[0] : f32 from vector<1xf32>
      %ge3A_147 = arith.constant -1.600000e-01 : f32
      %ge3A_148 = arith.cmpf oge, %squeeze3A_146, %ge3A_147 : f32
      %and3A_149 = arith.andi %and3A_144, %ge3A_148 : i1
      %slice3A_150 = vector.extract_strided_slice %min3A_123 {offsets = [6], sizes = [1], strides = [1]} : vector<16xf32> to vector<1xf32>
      %squeeze3A_151 = vector.extract %slice3A_150[0] : f32 from vector<1xf32>
      %ge3A_152 = arith.constant -1.600000e-01 : f32
      %ge3A_153 = arith.cmpf oge, %squeeze3A_151, %ge3A_152 : f32
      %and3A_154 = arith.andi %and3A_149, %ge3A_153 : i1
      %slice3A_155 = vector.extract_strided_slice %min3A_123 {offsets = [7], sizes = [1], strides = [1]} : vector<16xf32> to vector<1xf32>
      %squeeze3A_156 = vector.extract %slice3A_155[0] : f32 from vector<1xf32>
      %ge3A_157 = arith.constant -1.600000e-01 : f32
      %ge3A_158 = arith.cmpf oge, %squeeze3A_156, %ge3A_157 : f32
      %and3A_159 = arith.andi %and3A_154, %ge3A_158 : i1
      %slice3A_160 = vector.extract_strided_slice %min3A_123 {offsets = [8], sizes = [1], strides = [1]} : vector<16xf32> to vector<1xf32>
      %squeeze3A_161 = vector.extract %slice3A_160[0] : f32 from vector<1xf32>
      %ge3A_162 = arith.constant -1.600000e-01 : f32
      %ge3A_163 = arith.cmpf oge, %squeeze3A_161, %ge3A_162 : f32
      %and3A_164 = arith.andi %and3A_159, %ge3A_163 : i1
      %slice3A_165 = vector.extract_strided_slice %min3A_123 {offsets = [9], sizes = [1], strides = [1]} : vector<16xf32> to vector<1xf32>
      %squeeze3A_166 = vector.extract %slice3A_165[0] : f32 from vector<1xf32>
      %ge3A_167 = arith.constant -1.600000e-01 : f32
      %ge3A_168 = arith.cmpf oge, %squeeze3A_166, %ge3A_167 : f32
      %and3A_169 = arith.andi %and3A_164, %ge3A_168 : i1
      %slice3A_170 = vector.extract_strided_slice %min3A_123 {offsets = [10], sizes = [1], strides = [1]} : vector<16xf32> to vector<1xf32>
      %squeeze3A_171 = vector.extract %slice3A_170[0] : f32 from vector<1xf32>
      %ge3A_172 = arith.constant -1.600000e-01 : f32
      %ge3A_173 = arith.cmpf oge, %squeeze3A_171, %ge3A_172 : f32
      %and3A_174 = arith.andi %and3A_169, %ge3A_173 : i1
      %slice3A_175 = vector.extract_strided_slice %min3A_123 {offsets = [11], sizes = [1], strides = [1]} : vector<16xf32> to vector<1xf32>
      %squeeze3A_176 = vector.extract %slice3A_175[0] : f32 from vector<1xf32>
      %ge3A_177 = arith.constant -1.600000e-01 : f32
      %ge3A_178 = arith.cmpf oge, %squeeze3A_176, %ge3A_177 : f32
      %and3A_179 = arith.andi %and3A_174, %ge3A_178 : i1
      %slice3A_180 = vector.extract_strided_slice %min3A_123 {offsets = [12], sizes = [1], strides = [1]} : vector<16xf32> to vector<1xf32>
      %squeeze3A_181 = vector.extract %slice3A_180[0] : f32 from vector<1xf32>
      %ge3A_182 = arith.constant -1.600000e-01 : f32
      %ge3A_183 = arith.cmpf oge, %squeeze3A_181, %ge3A_182 : f32
      %and3A_184 = arith.andi %and3A_179, %ge3A_183 : i1
      %slice3A_185 = vector.extract_strided_slice %min3A_123 {offsets = [13], sizes = [1], strides = [1]} : vector<16xf32> to vector<1xf32>
      %squeeze3A_186 = vector.extract %slice3A_185[0] : f32 from vector<1xf32>
      %ge3A_187 = arith.constant -1.600000e-01 : f32
      %ge3A_188 = arith.cmpf oge, %squeeze3A_186, %ge3A_187 : f32
      %and3A_189 = arith.andi %and3A_184, %ge3A_188 : i1
      %slice3A_190 = vector.extract_strided_slice %min3A_123 {offsets = [14], sizes = [1], strides = [1]} : vector<16xf32> to vector<1xf32>
      %squeeze3A_191 = vector.extract %slice3A_190[0] : f32 from vector<1xf32>
      %ge3A_192 = arith.constant -1.600000e-01 : f32
      %ge3A_193 = arith.cmpf oge, %squeeze3A_191, %ge3A_192 : f32
      %and3A_194 = arith.andi %and3A_189, %ge3A_193 : i1
      %slice3A_195 = vector.extract_strided_slice %min3A_123 {offsets = [15], sizes = [1], strides = [1]} : vector<16xf32> to vector<1xf32>
      %squeeze3A_196 = vector.extract %slice3A_195[0] : f32 from vector<1xf32>
      %ge3A_197 = arith.constant -1.600000e-01 : f32
      %ge3A_198 = arith.cmpf oge, %squeeze3A_196, %ge3A_197 : f32
      %and3A_199 = arith.andi %and3A_194, %ge3A_198 : i1
      %convert_element_type3A = arith.extui %and3A_199 : i1 to i32
      %cond3A = arith.constant 0 : i32
      %cond3A_200 = arith.cmpi ne, %convert_element_type3A, %cond3A : i32
      scf.if %cond3A_200 {
        %scan3A_201 = arith.constant 0 : i32
        %scan3A_202 = arith.constant 0 : i32
        %scan3A_203 = arith.constant 16 : i32
        %scan3A_204 = arith.addi %scan3A_202, %scan3A_203 : i32
        %scan3A_205 = arith.constant 1 : i32
        %scan3A_206 = scf.for %scan3A_208 = %scan3A_202 to %scan3A_204 step %scan3A_205 iter_args(%scan3A_209 = %scan3A_201) -> (i32)  : i32 {
          %mul3A_210 = arith.constant 256 : i32
          %mul3A_211 = arith.muli %scan3A_208, %mul3A_210 : i32
          %scan3A_212 = arith.constant 0 : i32
          %scan3A_213 = arith.constant 0 : i32
          %scan3A_214 = arith.constant 256 : i32
          %scan3A_215 = arith.addi %scan3A_213, %scan3A_214 : i32
          %scan3A_216 = arith.constant 1 : i32
          %scan3A_217 = scf.for %scan3A_220 = %scan3A_213 to %scan3A_215 step %scan3A_216 iter_args(%scan3A_221 = %scan3A_212) -> (i32)  : i32 {
            %add3A_222 = arith.addi %mul3A_211, %scan3A_220 : i32
            %eq3A_223 = vector.broadcast %add3A_222 : i32 to vector<16xi32>
            %eq3A_224 = arith.cmpi eq, %scan3A_116#8, %eq3A_223 : vector<16xi32>
            %jit3A_225 = arith.constant -7.000000e+01 : f32
            %broadcast_in_dim3A_226 = vector.broadcast %jit3A_225 : f32 to vector<16xf32>
            %select_n3A_227 = arith.select %eq3A_224, %scan3A_116#0, %broadcast_in_dim3A_226 : vector<16xi1>, vector<16xf32>
            %swap3A = arith.index_cast %scan3A_220 : i32 to index
            %swap3A_228 = arith.constant 0 : index
            %swap3A_229 = tpu.vector_load %run_scoped3A_0[%swap3A, %swap3A_228] {strides = array<i32>} : memref<256x128xf32, #tpu.memory_space<vmem>>, vector<1x16xf32>,
            %swap3A_230 = vector.shape_cast %swap3A_229 : vector<1x16xf32> to vector<16xf32>
            %swap3A_231 = vector.shape_cast %select_n3A_227 : vector<16xf32> to vector<1x16xf32>
            tpu.vector_store %run_scoped3A_0[%swap3A, %swap3A_228], %swap3A_231 {strides = array<i32>} : memref<256x128xf32, #tpu.memory_space<vmem>>, vector<1x16xf32>,
            %add3A_232 = arith.addi %mul3A_211, %scan3A_220 : i32
            %eq3A_233 = vector.broadcast %add3A_232 : i32 to vector<16xi32>
            %eq3A_234 = arith.cmpi eq, %scan3A_116#9, %eq3A_233 : vector<16xi32>
            %jit3A_235 = arith.constant -7.000000e+01 : f32
            %broadcast_in_dim3A_236 = vector.broadcast %jit3A_235 : f32 to vector<16xf32>
            %select_n3A_237 = arith.select %eq3A_234, %scan3A_116#1, %broadcast_in_dim3A_236 : vector<16xi1>, vector<16xf32>
            %swap3A_238 = arith.index_cast %scan3A_220 : i32 to index
            %swap3A_239 = arith.constant 16 : index
            %swap3A_240 = tpu.vector_load %run_scoped3A_0[%swap3A_238, %swap3A_239] {strides = array<i32>} : memref<256x128xf32, #tpu.memory_space<vmem>>, vector<1x16xf32>,
            %swap3A_241 = vector.shape_cast %swap3A_240 : vector<1x16xf32> to vector<16xf32>
            %swap3A_242 = vector.shape_cast %select_n3A_237 : vector<16xf32> to vector<1x16xf32>
            tpu.vector_store %run_scoped3A_0[%swap3A_238, %swap3A_239], %swap3A_242 {strides = array<i32>} : memref<256x128xf32, #tpu.memory_space<vmem>>, vector<1x16xf32>,
            %add3A_243 = arith.addi %mul3A_211, %scan3A_220 : i32
            %eq3A_244 = vector.broadcast %add3A_243 : i32 to vector<16xi32>
            %eq3A_245 = arith.cmpi eq, %scan3A_116#10, %eq3A_244 : vector<16xi32>
            %jit3A_246 = arith.constant -7.000000e+01 : f32
            %broadcast_in_dim3A_247 = vector.broadcast %jit3A_246 : f32 to vector<16xf32>
            %select_n3A_248 = arith.select %eq3A_245, %scan3A_116#2, %broadcast_in_dim3A_247 : vector<16xi1>, vector<16xf32>
            %swap3A_249 = arith.index_cast %scan3A_220 : i32 to index
            %swap3A_250 = arith.constant 32 : index
            %swap3A_251 = tpu.vector_load %run_scoped3A_0[%swap3A_249, %swap3A_250] {strides = array<i32>} : memref<256x128xf32, #tpu.memory_space<vmem>>, vector<1x16xf32>,
            %swap3A_252 = vector.shape_cast %swap3A_251 : vector<1x16xf32> to vector<16xf32>
            %swap3A_253 = vector.shape_cast %select_n3A_248 : vector<16xf32> to vector<1x16xf32>
            tpu.vector_store %run_scoped3A_0[%swap3A_249, %swap3A_250], %swap3A_253 {strides = array<i32>} : memref<256x128xf32, #tpu.memory_space<vmem>>, vector<1x16xf32>,
            %add3A_254 = arith.addi %mul3A_211, %scan3A_220 : i32
            %eq3A_255 = vector.broadcast %add3A_254 : i32 to vector<16xi32>
            %eq3A_256 = arith.cmpi eq, %scan3A_116#11, %eq3A_255 : vector<16xi32>
            %jit3A_257 = arith.constant -7.000000e+01 : f32
            %broadcast_in_dim3A_258 = vector.broadcast %jit3A_257 : f32 to vector<16xf32>
            %select_n3A_259 = arith.select %eq3A_256, %scan3A_116#3, %broadcast_in_dim3A_258 : vector<16xi1>, vector<16xf32>
            %swap3A_260 = arith.index_cast %scan3A_220 : i32 to index
            %swap3A_261 = arith.constant 48 : index
            %swap3A_262 = tpu.vector_load %run_scoped3A_0[%swap3A_260, %swap3A_261] {strides = array<i32>} : memref<256x128xf32, #tpu.memory_space<vmem>>, vector<1x16xf32>,
            %swap3A_263 = vector.shape_cast %swap3A_262 : vector<1x16xf32> to vector<16xf32>
            %swap3A_264 = vector.shape_cast %select_n3A_259 : vector<16xf32> to vector<1x16xf32>
            tpu.vector_store %run_scoped3A_0[%swap3A_260, %swap3A_261], %swap3A_264 {strides = array<i32>} : memref<256x128xf32, #tpu.memory_space<vmem>>, vector<1x16xf32>,
            %add3A_265 = arith.addi %mul3A_211, %scan3A_220 : i32
            %eq3A_266 = vector.broadcast %add3A_265 : i32 to vector<16xi32>
            %eq3A_267 = arith.cmpi eq, %scan3A_116#12, %eq3A_266 : vector<16xi32>
            %jit3A_268 = arith.constant -7.000000e+01 : f32
            %broadcast_in_dim3A_269 = vector.broadcast %jit3A_268 : f32 to vector<16xf32>
            %select_n3A_270 = arith.select %eq3A_267, %scan3A_116#4, %broadcast_in_dim3A_269 : vector<16xi1>, vector<16xf32>
            %swap3A_271 = arith.index_cast %scan3A_220 : i32 to index
            %swap3A_272 = arith.constant 64 : index
            %swap3A_273 = tpu.vector_load %run_scoped3A_0[%swap3A_271, %swap3A_272] {strides = array<i32>} : memref<256x128xf32, #tpu.memory_space<vmem>>, vector<1x16xf32>,
            %swap3A_274 = vector.shape_cast %swap3A_273 : vector<1x16xf32> to vector<16xf32>
            %swap3A_275 = vector.shape_cast %select_n3A_270 : vector<16xf32> to vector<1x16xf32>
            tpu.vector_store %run_scoped3A_0[%swap3A_271, %swap3A_272], %swap3A_275 {strides = array<i32>} : memref<256x128xf32, #tpu.memory_space<vmem>>, vector<1x16xf32>,
            %add3A_276 = arith.addi %mul3A_211, %scan3A_220 : i32
            %eq3A_277 = vector.broadcast %add3A_276 : i32 to vector<16xi32>
            %eq3A_278 = arith.cmpi eq, %scan3A_116#13, %eq3A_277 : vector<16xi32>
            %jit3A_279 = arith.constant -7.000000e+01 : f32
            %broadcast_in_dim3A_280 = vector.broadcast %jit3A_279 : f32 to vector<16xf32>
            %select_n3A_281 = arith.select %eq3A_278, %scan3A_116#5, %broadcast_in_dim3A_280 : vector<16xi1>, vector<16xf32>
            %swap3A_282 = arith.index_cast %scan3A_220 : i32 to index
            %swap3A_283 = arith.constant 80 : index
            %swap3A_284 = tpu.vector_load %run_scoped3A_0[%swap3A_282, %swap3A_283] {strides = array<i32>} : memref<256x128xf32, #tpu.memory_space<vmem>>, vector<1x16xf32>,
            %swap3A_285 = vector.shape_cast %swap3A_284 : vector<1x16xf32> to vector<16xf32>
            %swap3A_286 = vector.shape_cast %select_n3A_281 : vector<16xf32> to vector<1x16xf32>
            tpu.vector_store %run_scoped3A_0[%swap3A_282, %swap3A_283], %swap3A_286 {strides = array<i32>} : memref<256x128xf32, #tpu.memory_space<vmem>>, vector<1x16xf32>,
            %add3A_287 = arith.addi %mul3A_211, %scan3A_220 : i32
            %eq3A_288 = vector.broadcast %add3A_287 : i32 to vector<16xi32>
            %eq3A_289 = arith.cmpi eq, %scan3A_116#14, %eq3A_288 : vector<16xi32>
            %jit3A_290 = arith.constant -7.000000e+01 : f32
            %broadcast_in_dim3A_291 = vector.broadcast %jit3A_290 : f32 to vector<16xf32>
            %select_n3A_292 = arith.select %eq3A_289, %scan3A_116#6, %broadcast_in_dim3A_291 : vector<16xi1>, vector<16xf32>
            %swap3A_293 = arith.index_cast %scan3A_220 : i32 to index
            %swap3A_294 = arith.constant 96 : index
            %swap3A_295 = tpu.vector_load %run_scoped3A_0[%swap3A_293, %swap3A_294] {strides = array<i32>} : memref<256x128xf32, #tpu.memory_space<vmem>>, vector<1x16xf32>,
            %swap3A_296 = vector.shape_cast %swap3A_295 : vector<1x16xf32> to vector<16xf32>
            %swap3A_297 = vector.shape_cast %select_n3A_292 : vector<16xf32> to vector<1x16xf32>
            tpu.vector_store %run_scoped3A_0[%swap3A_293, %swap3A_294], %swap3A_297 {strides = array<i32>} : memref<256x128xf32, #tpu.memory_space<vmem>>, vector<1x16xf32>,
            %add3A_298 = arith.addi %mul3A_211, %scan3A_220 : i32
            %eq3A_299 = vector.broadcast %add3A_298 : i32 to vector<16xi32>
            %eq3A_300 = arith.cmpi eq, %scan3A_116#15, %eq3A_299 : vector<16xi32>
            %jit3A_301 = arith.constant -7.000000e+01 : f32
            %broadcast_in_dim3A_302 = vector.broadcast %jit3A_301 : f32 to vector<16xf32>
            %select_n3A_303 = arith.select %eq3A_300, %scan3A_116#7, %broadcast_in_dim3A_302 : vector<16xi1>, vector<16xf32>
            %swap3A_304 = arith.index_cast %scan3A_220 : i32 to index
            %swap3A_305 = arith.constant 112 : index
            %swap3A_306 = tpu.vector_load %run_scoped3A_0[%swap3A_304, %swap3A_305] {strides = array<i32>} : memref<256x128xf32, #tpu.memory_space<vmem>>, vector<1x16xf32>,
            %swap3A_307 = vector.shape_cast %swap3A_306 : vector<1x16xf32> to vector<16xf32>
            %swap3A_308 = vector.shape_cast %select_n3A_303 : vector<16xf32> to vector<1x16xf32>
            tpu.vector_store %run_scoped3A_0[%swap3A_304, %swap3A_305], %swap3A_308 {strides = array<i32>} : memref<256x128xf32, #tpu.memory_space<vmem>>, vector<1x16xf32>,
            %scan3A_309 = arith.constant 0 : i32
            scf.yield %scan3A_309 : i32
          }
          %scan3A_218 = arith.constant 256 : i32
          "tpu.region"() ({
            %run_scoped3A_220 = tpu.sem_alloc : memref<!tpu.dma_semaphore, #tpu.memory_space<semaphore_mem>>
            %dma_start3A = tpu.memref_slice %arg3[%select_n3A, %mul3A_211, %mul3A_33] : memref<8x4096x512xf32, #tpu.memory_space<hbm>> -> memref<1x256x128xf32, #tpu.memory_space<hbm>>
            %dma_start3A_221 = tpu.memref_squeeze %dma_start3A : memref<1x256x128xf32, #tpu.memory_space<hbm>> -> memref<256x128xf32, #tpu.memory_space<hbm>>
            %dma_start3A_222 = tpu.memref_slice %arg3[%select_n3A, %mul3A_211, %mul3A_33] : memref<8x4096x512xf32, #tpu.memory_space<hbm>> -> memref<1x256x128xf32, #tpu.memory_space<hbm>>
            %dma_start3A_223 = tpu.memref_squeeze %dma_start3A_222 : memref<1x256x128xf32, #tpu.memory_space<hbm>> -> memref<256x128xf32, #tpu.memory_space<hbm>>
            tpu.enqueue_dma source(%run_scoped3A_0 : memref<256x128xf32, #tpu.memory_space<vmem>>) target(%dma_start3A_223 : memref<256x128xf32, #tpu.memory_space<hbm>>) target_semaphore(%run_scoped3A_220 : memref<!tpu.dma_semaphore, #tpu.memory_space<semaphore_mem>>)
            %dma_wait3A = tpu.memref_slice %arg3[%select_n3A, %mul3A_211, %mul3A_33] : memref<8x4096x512xf32, #tpu.memory_space<hbm>> -> memref<1x256x128xf32, #tpu.memory_space<hbm>>
            %dma_wait3A_224 = tpu.memref_squeeze %dma_wait3A : memref<1x256x128xf32, #tpu.memory_space<hbm>> -> memref<256x128xf32, #tpu.memory_space<hbm>>
            %dma_wait3A_225 = tpu.memref_slice %arg3[%select_n3A, %mul3A_211, %mul3A_33] : memref<8x4096x512xf32, #tpu.memory_space<hbm>> -> memref<1x256x128xf32, #tpu.memory_space<hbm>>
            %dma_wait3A_226 = tpu.memref_squeeze %dma_wait3A_225 : memref<1x256x128xf32, #tpu.memory_space<hbm>> -> memref<256x128xf32, #tpu.memory_space<hbm>>
            tpu.wait_dma2 semaphore(%run_scoped3A_220 : memref<!tpu.dma_semaphore, #tpu.memory_space<semaphore_mem>>) src(%run_scoped3A_0 : memref<256x128xf32, #tpu.memory_space<vmem>>) dst(%dma_wait3A_226 : memref<256x128xf32, #tpu.memory_space<hbm>>)
            tpu.yield
          }) : () -> ()
          %scan3A_219 = arith.constant 0 : i32
          scf.yield %scan3A_219 : i32
        }
        %scan3A_207 = arith.constant 16 : i32
      } else {
        %broadcast_in_dim3A_201 = arith.constant 0 : i32
        %broadcast_in_dim3A_202 = vector.broadcast %broadcast_in_dim3A_201 : i32 to vector<16xi32>
        %add3A_203 = arith.constant 0 : i32
        %add3A_204 = vector.broadcast %add3A_203 : i32 to vector<16xi32>
        %add3A_205 = arith.addi %broadcast_in_dim3A_202, %add3A_204 : vector<16xi32>
        %broadcast_in_dim3A_206 = arith.constant 0 : i32
        %broadcast_in_dim3A_207 = vector.broadcast %broadcast_in_dim3A_206 : i32 to vector<16xi32>
        %add3A_208 = arith.constant 0 : i32
        %add3A_209 = vector.broadcast %add3A_208 : i32 to vector<16xi32>
        %add3A_210 = arith.addi %broadcast_in_dim3A_207, %add3A_209 : vector<16xi32>
        %broadcast_in_dim3A_211 = arith.constant 0 : i32
        %broadcast_in_dim3A_212 = vector.broadcast %broadcast_in_dim3A_211 : i32 to vector<16xi32>
        %add3A_213 = arith.constant 0 : i32
        %add3A_214 = vector.broadcast %add3A_213 : i32 to vector<16xi32>
        %add3A_215 = arith.addi %broadcast_in_dim3A_212, %add3A_214 : vector<16xi32>
        %broadcast_in_dim3A_216 = arith.constant 0 : i32
        %broadcast_in_dim3A_217 = vector.broadcast %broadcast_in_dim3A_216 : i32 to vector<16xi32>
        %add3A_218 = arith.constant 0 : i32
        %add3A_219 = vector.broadcast %add3A_218 : i32 to vector<16xi32>
        %add3A_220 = arith.addi %broadcast_in_dim3A_217, %add3A_219 : vector<16xi32>
        %broadcast_in_dim3A_221 = arith.constant 0 : i32
        %broadcast_in_dim3A_222 = vector.broadcast %broadcast_in_dim3A_221 : i32 to vector<16xi32>
        %add3A_223 = arith.constant 0 : i32
        %add3A_224 = vector.broadcast %add3A_223 : i32 to vector<16xi32>
        %add3A_225 = arith.addi %broadcast_in_dim3A_222, %add3A_224 : vector<16xi32>
        %broadcast_in_dim3A_226 = arith.constant 0 : i32
        %broadcast_in_dim3A_227 = vector.broadcast %broadcast_in_dim3A_226 : i32 to vector<16xi32>
        %add3A_228 = arith.constant 0 : i32
        %add3A_229 = vector.broadcast %add3A_228 : i32 to vector<16xi32>
        %add3A_230 = arith.addi %broadcast_in_dim3A_227, %add3A_229 : vector<16xi32>
        %broadcast_in_dim3A_231 = arith.constant 0 : i32
        %broadcast_in_dim3A_232 = vector.broadcast %broadcast_in_dim3A_231 : i32 to vector<16xi32>
        %add3A_233 = arith.constant 0 : i32
        %add3A_234 = vector.broadcast %add3A_233 : i32 to vector<16xi32>
        %add3A_235 = arith.addi %broadcast_in_dim3A_232, %add3A_234 : vector<16xi32>
        %broadcast_in_dim3A_236 = arith.constant 0 : i32
        %broadcast_in_dim3A_237 = vector.broadcast %broadcast_in_dim3A_236 : i32 to vector<16xi32>
        %add3A_238 = arith.constant 0 : i32
        %add3A_239 = vector.broadcast %add3A_238 : i32 to vector<16xi32>
        %add3A_240 = arith.addi %broadcast_in_dim3A_237, %add3A_239 : vector<16xi32>
        %scan3A_241 = arith.constant 0 : i32
        %scan3A_242 = arith.constant 32 : i32
        %scan3A_243 = arith.addi %scan3A_241, %scan3A_242 : i32
        %scan3A_244 = arith.constant 1 : i32
        %scan3A_245:8 = scf.for %scan3A_439 = %scan3A_241 to %scan3A_243 step %scan3A_244 iter_args(%scan3A_440 = %add3A_205, %scan3A_441 = %add3A_210, %scan3A_442 = %add3A_215, %scan3A_443 = %add3A_220, %scan3A_444 = %add3A_225, %scan3A_445 = %add3A_230, %scan3A_446 = %add3A_235, %scan3A_447 = %add3A_240) -> (vector<16xi32>, vector<16xi32>, vector<16xi32>, vector<16xi32>, vector<16xi32>, vector<16xi32>, vector<16xi32>, vector<16xi32>)  : i32 {
          %sub3A_448 = arith.constant 31 : i32
          %sub3A_449 = arith.subi %sub3A_448, %scan3A_439 : i32
          %shift_left3A = arith.constant 1 : i32
          %shift_left3A_450 = arith.shli %shift_left3A, %sub3A_449 : i32
          %or3A = vector.broadcast %shift_left3A_450 : i32 to vector<16xi32>
          %or3A_451 = arith.ori %scan3A_440, %or3A : vector<16xi32>
          %or3A_452 = vector.broadcast %shift_left3A_450 : i32 to vector<16xi32>
          %or3A_453 = arith.ori %scan3A_441, %or3A_452 : vector<16xi32>
          %or3A_454 = vector.broadcast %shift_left3A_450 : i32 to vector<16xi32>
          %or3A_455 = arith.ori %scan3A_442, %or3A_454 : vector<16xi32>
          %or3A_456 = vector.broadcast %shift_left3A_450 : i32 to vector<16xi32>
          %or3A_457 = arith.ori %scan3A_443, %or3A_456 : vector<16xi32>
          %or3A_458 = vector.broadcast %shift_left3A_450 : i32 to vector<16xi32>
          %or3A_459 = arith.ori %scan3A_444, %or3A_458 : vector<16xi32>
          %or3A_460 = vector.broadcast %shift_left3A_450 : i32 to vector<16xi32>
          %or3A_461 = arith.ori %scan3A_445, %or3A_460 : vector<16xi32>
          %or3A_462 = vector.broadcast %shift_left3A_450 : i32 to vector<16xi32>
          %or3A_463 = arith.ori %scan3A_446, %or3A_462 : vector<16xi32>
          %or3A_464 = vector.broadcast %shift_left3A_450 : i32 to vector<16xi32>
          %or3A_465 = arith.ori %scan3A_447, %or3A_464 : vector<16xi32>
          %xor3A_466 = arith.constant -2147483648 : i32
          %xor3A_467 = vector.broadcast %xor3A_466 : i32 to vector<16xi32>
          %xor3A_468 = arith.xori %or3A_451, %xor3A_467 : vector<16xi32>
          %xor3A_469 = arith.constant -2147483648 : i32
          %xor3A_470 = vector.broadcast %xor3A_469 : i32 to vector<16xi32>
          %xor3A_471 = arith.xori %or3A_453, %xor3A_470 : vector<16xi32>
          %xor3A_472 = arith.constant -2147483648 : i32
          %xor3A_473 = vector.broadcast %xor3A_472 : i32 to vector<16xi32>
          %xor3A_474 = arith.xori %or3A_455, %xor3A_473 : vector<16xi32>
          %xor3A_475 = arith.constant -2147483648 : i32
          %xor3A_476 = vector.broadcast %xor3A_475 : i32 to vector<16xi32>
          %xor3A_477 = arith.xori %or3A_457, %xor3A_476 : vector<16xi32>
          %xor3A_478 = arith.constant -2147483648 : i32
          %xor3A_479 = vector.broadcast %xor3A_478 : i32 to vector<16xi32>
          %xor3A_480 = arith.xori %or3A_459, %xor3A_479 : vector<16xi32>
          %xor3A_481 = arith.constant -2147483648 : i32
          %xor3A_482 = vector.broadcast %xor3A_481 : i32 to vector<16xi32>
          %xor3A_483 = arith.xori %or3A_461, %xor3A_482 : vector<16xi32>
          %xor3A_484 = arith.constant -2147483648 : i32
          %xor3A_485 = vector.broadcast %xor3A_484 : i32 to vector<16xi32>
          %xor3A_486 = arith.xori %or3A_463, %xor3A_485 : vector<16xi32>
          %xor3A_487 = arith.constant -2147483648 : i32
          %xor3A_488 = vector.broadcast %xor3A_487 : i32 to vector<16xi32>
          %xor3A_489 = arith.xori %or3A_465, %xor3A_488 : vector<16xi32>
          %broadcast_in_dim3A_490 = arith.constant 0.000000e+00 : f32
          %broadcast_in_dim3A_491 = vector.broadcast %broadcast_in_dim3A_490 : f32 to vector<16xf32>
          %add3A_492 = arith.constant 0.000000e+00 : f32
          %add3A_493 = vector.broadcast %add3A_492 : f32 to vector<16xf32>
          %add3A_494 = arith.addf %broadcast_in_dim3A_491, %add3A_493 : vector<16xf32>
          %broadcast_in_dim3A_495 = arith.constant 0.000000e+00 : f32
          %broadcast_in_dim3A_496 = vector.broadcast %broadcast_in_dim3A_495 : f32 to vector<16xf32>
          %add3A_497 = arith.constant 0.000000e+00 : f32
          %add3A_498 = vector.broadcast %add3A_497 : f32 to vector<16xf32>
          %add3A_499 = arith.addf %broadcast_in_dim3A_496, %add3A_498 : vector<16xf32>
          %broadcast_in_dim3A_500 = arith.constant 0.000000e+00 : f32
          %broadcast_in_dim3A_501 = vector.broadcast %broadcast_in_dim3A_500 : f32 to vector<16xf32>
          %add3A_502 = arith.constant 0.000000e+00 : f32
          %add3A_503 = vector.broadcast %add3A_502 : f32 to vector<16xf32>
          %add3A_504 = arith.addf %broadcast_in_dim3A_501, %add3A_503 : vector<16xf32>
          %broadcast_in_dim3A_505 = arith.constant 0.000000e+00 : f32
          %broadcast_in_dim3A_506 = vector.broadcast %broadcast_in_dim3A_505 : f32 to vector<16xf32>
          %add3A_507 = arith.constant 0.000000e+00 : f32
          %add3A_508 = vector.broadcast %add3A_507 : f32 to vector<16xf32>
          %add3A_509 = arith.addf %broadcast_in_dim3A_506, %add3A_508 : vector<16xf32>
          %broadcast_in_dim3A_510 = arith.constant 0.000000e+00 : f32
          %broadcast_in_dim3A_511 = vector.broadcast %broadcast_in_dim3A_510 : f32 to vector<16xf32>
          %add3A_512 = arith.constant 0.000000e+00 : f32
          %add3A_513 = vector.broadcast %add3A_512 : f32 to vector<16xf32>
          %add3A_514 = arith.addf %broadcast_in_dim3A_511, %add3A_513 : vector<16xf32>
          %broadcast_in_dim3A_515 = arith.constant 0.000000e+00 : f32
          %broadcast_in_dim3A_516 = vector.broadcast %broadcast_in_dim3A_515 : f32 to vector<16xf32>
          %add3A_517 = arith.constant 0.000000e+00 : f32
          %add3A_518 = vector.broadcast %add3A_517 : f32 to vector<16xf32>
          %add3A_519 = arith.addf %broadcast_in_dim3A_516, %add3A_518 : vector<16xf32>
          %broadcast_in_dim3A_520 = arith.constant 0.000000e+00 : f32
          %broadcast_in_dim3A_521 = vector.broadcast %broadcast_in_dim3A_520 : f32 to vector<16xf32>
          %add3A_522 = arith.constant 0.000000e+00 : f32
          %add3A_523 = vector.broadcast %add3A_522 : f32 to vector<16xf32>
          %add3A_524 = arith.addf %broadcast_in_dim3A_521, %add3A_523 : vector<16xf32>
          %broadcast_in_dim3A_525 = arith.constant 0.000000e+00 : f32
          %broadcast_in_dim3A_526 = vector.broadcast %broadcast_in_dim3A_525 : f32 to vector<16xf32>
          %add3A_527 = arith.constant 0.000000e+00 : f32
          %add3A_528 = vector.broadcast %add3A_527 : f32 to vector<16xf32>
          %add3A_529 = arith.addf %broadcast_in_dim3A_526, %add3A_528 : vector<16xf32>
          %scan3A_530 = arith.constant 0 : i32
          %scan3A_531 = arith.constant 8 : i32
          %scan3A_532 = arith.addi %scan3A_530, %scan3A_531 : i32
          %scan3A_533 = arith.constant 1 : i32
          %scan3A_534:8 = scf.for %scan3A_568 = %scan3A_530 to %scan3A_532 step %scan3A_533 iter_args(%scan3A_569 = %add3A_494, %scan3A_570 = %add3A_499, %scan3A_571 = %add3A_504, %scan3A_572 = %add3A_509, %scan3A_573 = %add3A_514, %scan3A_574 = %add3A_519, %scan3A_575 = %add3A_524, %scan3A_576 = %add3A_529) -> (vector<16xf32>, vector<16xf32>, vector<16xf32>, vector<16xf32>, vector<16xf32>, vector<16xf32>, vector<16xf32>, vector<16xf32>)  : i32 {
            %mul3A_577 = arith.constant 512 : i32
            %mul3A_578 = arith.muli %scan3A_568, %mul3A_577 : i32
            "tpu.region"() ({
              %run_scoped3A_585 = tpu.sem_alloc : memref<!tpu.dma_semaphore, #tpu.memory_space<semaphore_mem>>
              %dma_start3A = tpu.memref_slice %arg2[%select_n3A, %mul3A_578, %mul3A_33] : memref<8x4096x512xf32, #tpu.memory_space<hbm>> -> memref<1x512x128xf32, #tpu.memory_space<hbm>>
              %dma_start3A_586 = tpu.memref_squeeze %dma_start3A : memref<1x512x128xf32, #tpu.memory_space<hbm>> -> memref<512x128xf32, #tpu.memory_space<hbm>>
              %dma_start3A_587 = tpu.memref_slice %arg2[%select_n3A, %mul3A_578, %mul3A_33] : memref<8x4096x512xf32, #tpu.memory_space<hbm>> -> memref<1x512x128xf32, #tpu.memory_space<hbm>>
              %dma_start3A_588 = tpu.memref_squeeze %dma_start3A_587 : memref<1x512x128xf32, #tpu.memory_space<hbm>> -> memref<512x128xf32, #tpu.memory_space<hbm>>
              tpu.enqueue_dma source(%dma_start3A_588 : memref<512x128xf32, #tpu.memory_space<hbm>>) target(%run_scoped3A : memref<512x128xf32, #tpu.memory_space<vmem>>) target_semaphore(%run_scoped3A_585 : memref<!tpu.dma_semaphore, #tpu.memory_space<semaphore_mem>>)
              %dma_wait3A = tpu.memref_slice %arg2[%select_n3A, %mul3A_578, %mul3A_33] : memref<8x4096x512xf32, #tpu.memory_space<hbm>> -> memref<1x512x128xf32, #tpu.memory_space<hbm>>
              %dma_wait3A_589 = tpu.memref_squeeze %dma_wait3A : memref<1x512x128xf32, #tpu.memory_space<hbm>> -> memref<512x128xf32, #tpu.memory_space<hbm>>
              %dma_wait3A_590 = tpu.memref_slice %arg2[%select_n3A, %mul3A_578, %mul3A_33] : memref<8x4096x512xf32, #tpu.memory_space<hbm>> -> memref<1x512x128xf32, #tpu.memory_space<hbm>>
              %dma_wait3A_591 = tpu.memref_squeeze %dma_wait3A_590 : memref<1x512x128xf32, #tpu.memory_space<hbm>> -> memref<512x128xf32, #tpu.memory_space<hbm>>
              tpu.wait_dma2 semaphore(%run_scoped3A_585 : memref<!tpu.dma_semaphore, #tpu.memory_space<semaphore_mem>>) src(%dma_wait3A_591 : memref<512x128xf32, #tpu.memory_space<hbm>>) dst(%run_scoped3A : memref<512x128xf32, #tpu.memory_space<vmem>>)
              tpu.yield
            }) : () -> ()
            %scan3A_579 = arith.constant 0 : i32
            %scan3A_580 = arith.constant 512 : i32
            %scan3A_581 = arith.addi %scan3A_579, %scan3A_580 : i32
            %scan3A_582 = arith.constant 1 : i32
            %scan3A_583:8 = scf.for %scan3A_585 = %scan3A_579 to %scan3A_581 step %scan3A_582 iter_args(%scan3A_586 = %scan3A_569, %scan3A_587 = %scan3A_570, %scan3A_588 = %scan3A_571, %scan3A_589 = %scan3A_572, %scan3A_590 = %scan3A_573, %scan3A_591 = %scan3A_574, %scan3A_592 = %scan3A_575, %scan3A_593 = %scan3A_576) -> (vector<16xf32>, vector<16xf32>, vector<16xf32>, vector<16xf32>, vector<16xf32>, vector<16xf32>, vector<16xf32>, vector<16xf32>)  : i32 {
              %get3A = arith.index_cast %scan3A_585 : i32 to index
              %get3A_594 = arith.constant 0 : index
              %get3A_595 = tpu.vector_load %run_scoped3A[%get3A, %get3A_594] {strides = array<i32>} : memref<512x128xf32, #tpu.memory_space<vmem>>, vector<1x16xf32>,
              %get3A_596 = vector.shape_cast %get3A_595 : vector<1x16xf32> to vector<16xf32>
              %bitcast_convert_type3A_597 = tpu.bitcast %get3A_596 : vector<16xf32> -> vector<16xi32>
              %ge3A_598 = arith.constant 0 : i32
              %ge3A_599 = vector.broadcast %ge3A_598 : i32 to vector<16xi32>
              %ge3A_600 = arith.cmpi sge, %bitcast_convert_type3A_597, %ge3A_599 : vector<16xi32>
              %xor3A_601 = arith.constant 2147483647 : i32
              %xor3A_602 = vector.broadcast %xor3A_601 : i32 to vector<16xi32>
              %xor3A_603 = arith.xori %bitcast_convert_type3A_597, %xor3A_602 : vector<16xi32>
              %select_n3A_604 = arith.select %ge3A_600, %bitcast_convert_type3A_597, %xor3A_603 : vector<16xi1>, vector<16xi32>
              %ge3A_605 = arith.cmpi sge, %select_n3A_604, %xor3A_468 : vector<16xi32>
              %exp3A_606 = math.exp %get3A_596 : vector<16xf32>
              %jit3A_607 = arith.constant 0.000000e+00 : f32
              %broadcast_in_dim3A_608 = vector.broadcast %jit3A_607 : f32 to vector<16xf32>
              %select_n3A_609 = arith.select %ge3A_605, %exp3A_606, %broadcast_in_dim3A_608 : vector<16xi1>, vector<16xf32>
              %add3A_610 = arith.addf %scan3A_586, %select_n3A_609 : vector<16xf32>
              %get3A_611 = arith.index_cast %scan3A_585 : i32 to index
              %get3A_612 = arith.constant 16 : index
              %get3A_613 = tpu.vector_load %run_scoped3A[%get3A_611, %get3A_612] {strides = array<i32>} : memref<512x128xf32, #tpu.memory_space<vmem>>, vector<1x16xf32>,
              %get3A_614 = vector.shape_cast %get3A_613 : vector<1x16xf32> to vector<16xf32>
              %bitcast_convert_type3A_615 = tpu.bitcast %get3A_614 : vector<16xf32> -> vector<16xi32>
              %ge3A_616 = arith.constant 0 : i32
              %ge3A_617 = vector.broadcast %ge3A_616 : i32 to vector<16xi32>
              %ge3A_618 = arith.cmpi sge, %bitcast_convert_type3A_615, %ge3A_617 : vector<16xi32>
              %xor3A_619 = arith.constant 2147483647 : i32
              %xor3A_620 = vector.broadcast %xor3A_619 : i32 to vector<16xi32>
              %xor3A_621 = arith.xori %bitcast_convert_type3A_615, %xor3A_620 : vector<16xi32>
              %select_n3A_622 = arith.select %ge3A_618, %bitcast_convert_type3A_615, %xor3A_621 : vector<16xi1>, vector<16xi32>
              %ge3A_623 = arith.cmpi sge, %select_n3A_622, %xor3A_471 : vector<16xi32>
              %exp3A_624 = math.exp %get3A_614 : vector<16xf32>
              %jit3A_625 = arith.constant 0.000000e+00 : f32
              %broadcast_in_dim3A_626 = vector.broadcast %jit3A_625 : f32 to vector<16xf32>
              %select_n3A_627 = arith.select %ge3A_623, %exp3A_624, %broadcast_in_dim3A_626 : vector<16xi1>, vector<16xf32>
              %add3A_628 = arith.addf %scan3A_587, %select_n3A_627 : vector<16xf32>
              %get3A_629 = arith.index_cast %scan3A_585 : i32 to index
              %get3A_630 = arith.constant 32 : index
              %get3A_631 = tpu.vector_load %run_scoped3A[%get3A_629, %get3A_630] {strides = array<i32>} : memref<512x128xf32, #tpu.memory_space<vmem>>, vector<1x16xf32>,
              %get3A_632 = vector.shape_cast %get3A_631 : vector<1x16xf32> to vector<16xf32>
              %bitcast_convert_type3A_633 = tpu.bitcast %get3A_632 : vector<16xf32> -> vector<16xi32>
              %ge3A_634 = arith.constant 0 : i32
              %ge3A_635 = vector.broadcast %ge3A_634 : i32 to vector<16xi32>
              %ge3A_636 = arith.cmpi sge, %bitcast_convert_type3A_633, %ge3A_635 : vector<16xi32>
              %xor3A_637 = arith.constant 2147483647 : i32
              %xor3A_638 = vector.broadcast %xor3A_637 : i32 to vector<16xi32>
              %xor3A_639 = arith.xori %bitcast_convert_type3A_633, %xor3A_638 : vector<16xi32>
              %select_n3A_640 = arith.select %ge3A_636, %bitcast_convert_type3A_633, %xor3A_639 : vector<16xi1>, vector<16xi32>
              %ge3A_641 = arith.cmpi sge, %select_n3A_640, %xor3A_474 : vector<16xi32>
              %exp3A_642 = math.exp %get3A_632 : vector<16xf32>
              %jit3A_643 = arith.constant 0.000000e+00 : f32
              %broadcast_in_dim3A_644 = vector.broadcast %jit3A_643 : f32 to vector<16xf32>
              %select_n3A_645 = arith.select %ge3A_641, %exp3A_642, %broadcast_in_dim3A_644 : vector<16xi1>, vector<16xf32>
              %add3A_646 = arith.addf %scan3A_588, %select_n3A_645 : vector<16xf32>
              %get3A_647 = arith.index_cast %scan3A_585 : i32 to index
              %get3A_648 = arith.constant 48 : index
              %get3A_649 = tpu.vector_load %run_scoped3A[%get3A_647, %get3A_648] {strides = array<i32>} : memref<512x128xf32, #tpu.memory_space<vmem>>, vector<1x16xf32>,
              %get3A_650 = vector.shape_cast %get3A_649 : vector<1x16xf32> to vector<16xf32>
              %bitcast_convert_type3A_651 = tpu.bitcast %get3A_650 : vector<16xf32> -> vector<16xi32>
              %ge3A_652 = arith.constant 0 : i32
              %ge3A_653 = vector.broadcast %ge3A_652 : i32 to vector<16xi32>
              %ge3A_654 = arith.cmpi sge, %bitcast_convert_type3A_651, %ge3A_653 : vector<16xi32>
              %xor3A_655 = arith.constant 2147483647 : i32
              %xor3A_656 = vector.broadcast %xor3A_655 : i32 to vector<16xi32>
              %xor3A_657 = arith.xori %bitcast_convert_type3A_651, %xor3A_656 : vector<16xi32>
              %select_n3A_658 = arith.select %ge3A_654, %bitcast_convert_type3A_651, %xor3A_657 : vector<16xi1>, vector<16xi32>
              %ge3A_659 = arith.cmpi sge, %select_n3A_658, %xor3A_477 : vector<16xi32>
              %exp3A_660 = math.exp %get3A_650 : vector<16xf32>
              %jit3A_661 = arith.constant 0.000000e+00 : f32
              %broadcast_in_dim3A_662 = vector.broadcast %jit3A_661 : f32 to vector<16xf32>
              %select_n3A_663 = arith.select %ge3A_659, %exp3A_660, %broadcast_in_dim3A_662 : vector<16xi1>, vector<16xf32>
              %add3A_664 = arith.addf %scan3A_589, %select_n3A_663 : vector<16xf32>
              %get3A_665 = arith.index_cast %scan3A_585 : i32 to index
              %get3A_666 = arith.constant 64 : index
              %get3A_667 = tpu.vector_load %run_scoped3A[%get3A_665, %get3A_666] {strides = array<i32>} : memref<512x128xf32, #tpu.memory_space<vmem>>, vector<1x16xf32>,
              %get3A_668 = vector.shape_cast %get3A_667 : vector<1x16xf32> to vector<16xf32>
              %bitcast_convert_type3A_669 = tpu.bitcast %get3A_668 : vector<16xf32> -> vector<16xi32>
              %ge3A_670 = arith.constant 0 : i32
              %ge3A_671 = vector.broadcast %ge3A_670 : i32 to vector<16xi32>
              %ge3A_672 = arith.cmpi sge, %bitcast_convert_type3A_669, %ge3A_671 : vector<16xi32>
              %xor3A_673 = arith.constant 2147483647 : i32
              %xor3A_674 = vector.broadcast %xor3A_673 : i32 to vector<16xi32>
              %xor3A_675 = arith.xori %bitcast_convert_type3A_669, %xor3A_674 : vector<16xi32>
              %select_n3A_676 = arith.select %ge3A_672, %bitcast_convert_type3A_669, %xor3A_675 : vector<16xi1>, vector<16xi32>
              %ge3A_677 = arith.cmpi sge, %select_n3A_676, %xor3A_480 : vector<16xi32>
              %exp3A_678 = math.exp %get3A_668 : vector<16xf32>
              %jit3A_679 = arith.constant 0.000000e+00 : f32
              %broadcast_in_dim3A_680 = vector.broadcast %jit3A_679 : f32 to vector<16xf32>
              %select_n3A_681 = arith.select %ge3A_677, %exp3A_678, %broadcast_in_dim3A_680 : vector<16xi1>, vector<16xf32>
              %add3A_682 = arith.addf %scan3A_590, %select_n3A_681 : vector<16xf32>
              %get3A_683 = arith.index_cast %scan3A_585 : i32 to index
              %get3A_684 = arith.constant 80 : index
              %get3A_685 = tpu.vector_load %run_scoped3A[%get3A_683, %get3A_684] {strides = array<i32>} : memref<512x128xf32, #tpu.memory_space<vmem>>, vector<1x16xf32>,
              %get3A_686 = vector.shape_cast %get3A_685 : vector<1x16xf32> to vector<16xf32>
              %bitcast_convert_type3A_687 = tpu.bitcast %get3A_686 : vector<16xf32> -> vector<16xi32>
              %ge3A_688 = arith.constant 0 : i32
              %ge3A_689 = vector.broadcast %ge3A_688 : i32 to vector<16xi32>
              %ge3A_690 = arith.cmpi sge, %bitcast_convert_type3A_687, %ge3A_689 : vector<16xi32>
              %xor3A_691 = arith.constant 2147483647 : i32
              %xor3A_692 = vector.broadcast %xor3A_691 : i32 to vector<16xi32>
              %xor3A_693 = arith.xori %bitcast_convert_type3A_687, %xor3A_692 : vector<16xi32>
              %select_n3A_694 = arith.select %ge3A_690, %bitcast_convert_type3A_687, %xor3A_693 : vector<16xi1>, vector<16xi32>
              %ge3A_695 = arith.cmpi sge, %select_n3A_694, %xor3A_483 : vector<16xi32>
              %exp3A_696 = math.exp %get3A_686 : vector<16xf32>
              %jit3A_697 = arith.constant 0.000000e+00 : f32
              %broadcast_in_dim3A_698 = vector.broadcast %jit3A_697 : f32 to vector<16xf32>
              %select_n3A_699 = arith.select %ge3A_695, %exp3A_696, %broadcast_in_dim3A_698 : vector<16xi1>, vector<16xf32>
              %add3A_700 = arith.addf %scan3A_591, %select_n3A_699 : vector<16xf32>
              %get3A_701 = arith.index_cast %scan3A_585 : i32 to index
              %get3A_702 = arith.constant 96 : index
              %get3A_703 = tpu.vector_load %run_scoped3A[%get3A_701, %get3A_702] {strides = array<i32>} : memref<512x128xf32, #tpu.memory_space<vmem>>, vector<1x16xf32>,
              %get3A_704 = vector.shape_cast %get3A_703 : vector<1x16xf32> to vector<16xf32>
              %bitcast_convert_type3A_705 = tpu.bitcast %get3A_704 : vector<16xf32> -> vector<16xi32>
              %ge3A_706 = arith.constant 0 : i32
              %ge3A_707 = vector.broadcast %ge3A_706 : i32 to vector<16xi32>
              %ge3A_708 = arith.cmpi sge, %bitcast_convert_type3A_705, %ge3A_707 : vector<16xi32>
              %xor3A_709 = arith.constant 2147483647 : i32
              %xor3A_710 = vector.broadcast %xor3A_709 : i32 to vector<16xi32>
              %xor3A_711 = arith.xori %bitcast_convert_type3A_705, %xor3A_710 : vector<16xi32>
              %select_n3A_712 = arith.select %ge3A_708, %bitcast_convert_type3A_705, %xor3A_711 : vector<16xi1>, vector<16xi32>
              %ge3A_713 = arith.cmpi sge, %select_n3A_712, %xor3A_486 : vector<16xi32>
              %exp3A_714 = math.exp %get3A_704 : vector<16xf32>
              %jit3A_715 = arith.constant 0.000000e+00 : f32
              %broadcast_in_dim3A_716 = vector.broadcast %jit3A_715 : f32 to vector<16xf32>
              %select_n3A_717 = arith.select %ge3A_713, %exp3A_714, %broadcast_in_dim3A_716 : vector<16xi1>, vector<16xf32>
              %add3A_718 = arith.addf %scan3A_592, %select_n3A_717 : vector<16xf32>
              %get3A_719 = arith.index_cast %scan3A_585 : i32 to index
              %get3A_720 = arith.constant 112 : index
              %get3A_721 = tpu.vector_load %run_scoped3A[%get3A_719, %get3A_720] {strides = array<i32>} : memref<512x128xf32, #tpu.memory_space<vmem>>, vector<1x16xf32>,
              %get3A_722 = vector.shape_cast %get3A_721 : vector<1x16xf32> to vector<16xf32>
              %bitcast_convert_type3A_723 = tpu.bitcast %get3A_722 : vector<16xf32> -> vector<16xi32>
              %ge3A_724 = arith.constant 0 : i32
              %ge3A_725 = vector.broadcast %ge3A_724 : i32 to vector<16xi32>
              %ge3A_726 = arith.cmpi sge, %bitcast_convert_type3A_723, %ge3A_725 : vector<16xi32>
              %xor3A_727 = arith.constant 2147483647 : i32
              %xor3A_728 = vector.broadcast %xor3A_727 : i32 to vector<16xi32>
              %xor3A_729 = arith.xori %bitcast_convert_type3A_723, %xor3A_728 : vector<16xi32>
              %select_n3A_730 = arith.select %ge3A_726, %bitcast_convert_type3A_723, %xor3A_729 : vector<16xi1>, vector<16xi32>
              %ge3A_731 = arith.cmpi sge, %select_n3A_730, %xor3A_489 : vector<16xi32>
              %exp3A_732 = math.exp %get3A_722 : vector<16xf32>
              %jit3A_733 = arith.constant 0.000000e+00 : f32
              %broadcast_in_dim3A_734 = vector.broadcast %jit3A_733 : f32 to vector<16xf32>
              %select_n3A_735 = arith.select %ge3A_731, %exp3A_732, %broadcast_in_dim3A_734 : vector<16xi1>, vector<16xf32>
              %add3A_736 = arith.addf %scan3A_593, %select_n3A_735 : vector<16xf32>
              scf.yield %add3A_610, %add3A_628, %add3A_646, %add3A_664, %add3A_682, %add3A_700, %add3A_718, %add3A_736 : vector<16xf32>, vector<16xf32>, vector<16xf32>, vector<16xf32>, vector<16xf32>, vector<16xf32>, vector<16xf32>, vector<16xf32>
            }
            %scan3A_584 = arith.constant 512 : i32
            scf.yield %scan3A_583#0, %scan3A_583#1, %scan3A_583#2, %scan3A_583#3, %scan3A_583#4, %scan3A_583#5, %scan3A_583#6, %scan3A_583#7 : vector<16xf32>, vector<16xf32>, vector<16xf32>, vector<16xf32>, vector<16xf32>, vector<16xf32>, vector<16xf32>, vector<16xf32>
          }
          %scan3A_535 = arith.constant 8 : i32
          %ge3A_536 = arith.constant 8.500000e-01 : f32
          %ge3A_537 = vector.broadcast %ge3A_536 : f32 to vector<16xf32>
          %ge3A_538 = arith.cmpf oge, %scan3A_534#0, %ge3A_537 : vector<16xf32>
          %select_n3A_539 = arith.select %ge3A_538, %or3A_451, %scan3A_440 : vector<16xi1>, vector<16xi32>
          %ge3A_540 = arith.constant 8.500000e-01 : f32
          %ge3A_541 = vector.broadcast %ge3A_540 : f32 to vector<16xf32>
          %ge3A_542 = arith.cmpf oge, %scan3A_534#1, %ge3A_541 : vector<16xf32>
          %select_n3A_543 = arith.select %ge3A_542, %or3A_453, %scan3A_441 : vector<16xi1>, vector<16xi32>
          %ge3A_544 = arith.constant 8.500000e-01 : f32
          %ge3A_545 = vector.broadcast %ge3A_544 : f32 to vector<16xf32>
          %ge3A_546 = arith.cmpf oge, %scan3A_534#2, %ge3A_545 : vector<16xf32>
          %select_n3A_547 = arith.select %ge3A_546, %or3A_455, %scan3A_442 : vector<16xi1>, vector<16xi32>
          %ge3A_548 = arith.constant 8.500000e-01 : f32
          %ge3A_549 = vector.broadcast %ge3A_548 : f32 to vector<16xf32>
          %ge3A_550 = arith.cmpf oge, %scan3A_534#3, %ge3A_549 : vector<16xf32>
          %select_n3A_551 = arith.select %ge3A_550, %or3A_457, %scan3A_443 : vector<16xi1>, vector<16xi32>
          %ge3A_552 = arith.constant 8.500000e-01 : f32
          %ge3A_553 = vector.broadcast %ge3A_552 : f32 to vector<16xf32>
          %ge3A_554 = arith.cmpf oge, %scan3A_534#4, %ge3A_553 : vector<16xf32>
          %select_n3A_555 = arith.select %ge3A_554, %or3A_459, %scan3A_444 : vector<16xi1>, vector<16xi32>
          %ge3A_556 = arith.constant 8.500000e-01 : f32
          %ge3A_557 = vector.broadcast %ge3A_556 : f32 to vector<16xf32>
          %ge3A_558 = arith.cmpf oge, %scan3A_534#5, %ge3A_557 : vector<16xf32>
          %select_n3A_559 = arith.select %ge3A_558, %or3A_461, %scan3A_445 : vector<16xi1>, vector<16xi32>
          %ge3A_560 = arith.constant 8.500000e-01 : f32
          %ge3A_561 = vector.broadcast %ge3A_560 : f32 to vector<16xf32>
          %ge3A_562 = arith.cmpf oge, %scan3A_534#6, %ge3A_561 : vector<16xf32>
          %select_n3A_563 = arith.select %ge3A_562, %or3A_463, %scan3A_446 : vector<16xi1>, vector<16xi32>
          %ge3A_564 = arith.constant 8.500000e-01 : f32
          %ge3A_565 = vector.broadcast %ge3A_564 : f32 to vector<16xf32>
          %ge3A_566 = arith.cmpf oge, %scan3A_534#7, %ge3A_565 : vector<16xf32>
          %select_n3A_567 = arith.select %ge3A_566, %or3A_465, %scan3A_447 : vector<16xi1>, vector<16xi32>
          scf.yield %select_n3A_539, %select_n3A_543, %select_n3A_547, %select_n3A_551, %select_n3A_555, %select_n3A_559, %select_n3A_563, %select_n3A_567 : vector<16xi32>, vector<16xi32>, vector<16xi32>, vector<16xi32>, vector<16xi32>, vector<16xi32>, vector<16xi32>, vector<16xi32>
        }
        %scan3A_246 = arith.constant 32 : i32
        %xor3A = arith.constant -2147483648 : i32
        %xor3A_247 = vector.broadcast %xor3A : i32 to vector<16xi32>
        %xor3A_248 = arith.xori %scan3A_245#0, %xor3A_247 : vector<16xi32>
        %xor3A_249 = arith.constant -2147483648 : i32
        %xor3A_250 = vector.broadcast %xor3A_249 : i32 to vector<16xi32>
        %xor3A_251 = arith.xori %scan3A_245#1, %xor3A_250 : vector<16xi32>
        %xor3A_252 = arith.constant -2147483648 : i32
        %xor3A_253 = vector.broadcast %xor3A_252 : i32 to vector<16xi32>
        %xor3A_254 = arith.xori %scan3A_245#2, %xor3A_253 : vector<16xi32>
        %xor3A_255 = arith.constant -2147483648 : i32
        %xor3A_256 = vector.broadcast %xor3A_255 : i32 to vector<16xi32>
        %xor3A_257 = arith.xori %scan3A_245#3, %xor3A_256 : vector<16xi32>
        %xor3A_258 = arith.constant -2147483648 : i32
        %xor3A_259 = vector.broadcast %xor3A_258 : i32 to vector<16xi32>
        %xor3A_260 = arith.xori %scan3A_245#4, %xor3A_259 : vector<16xi32>
        %xor3A_261 = arith.constant -2147483648 : i32
        %xor3A_262 = vector.broadcast %xor3A_261 : i32 to vector<16xi32>
        %xor3A_263 = arith.xori %scan3A_245#5, %xor3A_262 : vector<16xi32>
        %xor3A_264 = arith.constant -2147483648 : i32
        %xor3A_265 = vector.broadcast %xor3A_264 : i32 to vector<16xi32>
        %xor3A_266 = arith.xori %scan3A_245#6, %xor3A_265 : vector<16xi32>
        %xor3A_267 = arith.constant -2147483648 : i32
        %xor3A_268 = vector.broadcast %xor3A_267 : i32 to vector<16xi32>
        %xor3A_269 = arith.xori %scan3A_245#7, %xor3A_268 : vector<16xi32>
        %broadcast_in_dim3A_270 = arith.constant 0.000000e+00 : f32
        %broadcast_in_dim3A_271 = vector.broadcast %broadcast_in_dim3A_270 : f32 to vector<16xf32>
        %add3A_272 = arith.constant 0.000000e+00 : f32
        %add3A_273 = vector.broadcast %add3A_272 : f32 to vector<16xf32>
        %add3A_274 = arith.addf %broadcast_in_dim3A_271, %add3A_273 : vector<16xf32>
        %broadcast_in_dim3A_275 = arith.constant 0.000000e+00 : f32
        %broadcast_in_dim3A_276 = vector.broadcast %broadcast_in_dim3A_275 : f32 to vector<16xf32>
        %add3A_277 = arith.constant 0.000000e+00 : f32
        %add3A_278 = vector.broadcast %add3A_277 : f32 to vector<16xf32>
        %add3A_279 = arith.addf %broadcast_in_dim3A_276, %add3A_278 : vector<16xf32>
        %broadcast_in_dim3A_280 = arith.constant 0.000000e+00 : f32
        %broadcast_in_dim3A_281 = vector.broadcast %broadcast_in_dim3A_280 : f32 to vector<16xf32>
        %add3A_282 = arith.constant 0.000000e+00 : f32
        %add3A_283 = vector.broadcast %add3A_282 : f32 to vector<16xf32>
        %add3A_284 = arith.addf %broadcast_in_dim3A_281, %add3A_283 : vector<16xf32>
        %broadcast_in_dim3A_285 = arith.constant 0.000000e+00 : f32
        %broadcast_in_dim3A_286 = vector.broadcast %broadcast_in_dim3A_285 : f32 to vector<16xf32>
        %add3A_287 = arith.constant 0.000000e+00 : f32
        %add3A_288 = vector.broadcast %add3A_287 : f32 to vector<16xf32>
        %add3A_289 = arith.addf %broadcast_in_dim3A_286, %add3A_288 : vector<16xf32>
        %broadcast_in_dim3A_290 = arith.constant 0.000000e+00 : f32
        %broadcast_in_dim3A_291 = vector.broadcast %broadcast_in_dim3A_290 : f32 to vector<16xf32>
        %add3A_292 = arith.constant 0.000000e+00 : f32
        %add3A_293 = vector.broadcast %add3A_292 : f32 to vector<16xf32>
        %add3A_294 = arith.addf %broadcast_in_dim3A_291, %add3A_293 : vector<16xf32>
        %broadcast_in_dim3A_295 = arith.constant 0.000000e+00 : f32
        %broadcast_in_dim3A_296 = vector.broadcast %broadcast_in_dim3A_295 : f32 to vector<16xf32>
        %add3A_297 = arith.constant 0.000000e+00 : f32
        %add3A_298 = vector.broadcast %add3A_297 : f32 to vector<16xf32>
        %add3A_299 = arith.addf %broadcast_in_dim3A_296, %add3A_298 : vector<16xf32>
        %broadcast_in_dim3A_300 = arith.constant 0.000000e+00 : f32
        %broadcast_in_dim3A_301 = vector.broadcast %broadcast_in_dim3A_300 : f32 to vector<16xf32>
        %add3A_302 = arith.constant 0.000000e+00 : f32
        %add3A_303 = vector.broadcast %add3A_302 : f32 to vector<16xf32>
        %add3A_304 = arith.addf %broadcast_in_dim3A_301, %add3A_303 : vector<16xf32>
        %broadcast_in_dim3A_305 = arith.constant 0.000000e+00 : f32
        %broadcast_in_dim3A_306 = vector.broadcast %broadcast_in_dim3A_305 : f32 to vector<16xf32>
        %add3A_307 = arith.constant 0.000000e+00 : f32
        %add3A_308 = vector.broadcast %add3A_307 : f32 to vector<16xf32>
        %add3A_309 = arith.addf %broadcast_in_dim3A_306, %add3A_308 : vector<16xf32>
        %scan3A_310 = arith.constant 0 : i32
        %scan3A_311 = arith.constant 8 : i32
        %scan3A_312 = arith.addi %scan3A_310, %scan3A_311 : i32
        %scan3A_313 = arith.constant 1 : i32
        %scan3A_314:8 = scf.for %scan3A_439 = %scan3A_310 to %scan3A_312 step %scan3A_313 iter_args(%scan3A_440 = %add3A_274, %scan3A_441 = %add3A_279, %scan3A_442 = %add3A_284, %scan3A_443 = %add3A_289, %scan3A_444 = %add3A_294, %scan3A_445 = %add3A_299, %scan3A_446 = %add3A_304, %scan3A_447 = %add3A_309) -> (vector<16xf32>, vector<16xf32>, vector<16xf32>, vector<16xf32>, vector<16xf32>, vector<16xf32>, vector<16xf32>, vector<16xf32>)  : i32 {
          %mul3A_448 = arith.constant 512 : i32
          %mul3A_449 = arith.muli %scan3A_439, %mul3A_448 : i32
          "tpu.region"() ({
            %run_scoped3A_456 = tpu.sem_alloc : memref<!tpu.dma_semaphore, #tpu.memory_space<semaphore_mem>>
            %dma_start3A = tpu.memref_slice %arg2[%select_n3A, %mul3A_449, %mul3A_33] : memref<8x4096x512xf32, #tpu.memory_space<hbm>> -> memref<1x512x128xf32, #tpu.memory_space<hbm>>
            %dma_start3A_457 = tpu.memref_squeeze %dma_start3A : memref<1x512x128xf32, #tpu.memory_space<hbm>> -> memref<512x128xf32, #tpu.memory_space<hbm>>
            %dma_start3A_458 = tpu.memref_slice %arg2[%select_n3A, %mul3A_449, %mul3A_33] : memref<8x4096x512xf32, #tpu.memory_space<hbm>> -> memref<1x512x128xf32, #tpu.memory_space<hbm>>
            %dma_start3A_459 = tpu.memref_squeeze %dma_start3A_458 : memref<1x512x128xf32, #tpu.memory_space<hbm>> -> memref<512x128xf32, #tpu.memory_space<hbm>>
            tpu.enqueue_dma source(%dma_start3A_459 : memref<512x128xf32, #tpu.memory_space<hbm>>) target(%run_scoped3A : memref<512x128xf32, #tpu.memory_space<vmem>>) target_semaphore(%run_scoped3A_456 : memref<!tpu.dma_semaphore, #tpu.memory_space<semaphore_mem>>)
            %dma_wait3A = tpu.memref_slice %arg2[%select_n3A, %mul3A_449, %mul3A_33] : memref<8x4096x512xf32, #tpu.memory_space<hbm>> -> memref<1x512x128xf32, #tpu.memory_space<hbm>>
            %dma_wait3A_460 = tpu.memref_squeeze %dma_wait3A : memref<1x512x128xf32, #tpu.memory_space<hbm>> -> memref<512x128xf32, #tpu.memory_space<hbm>>
            %dma_wait3A_461 = tpu.memref_slice %arg2[%select_n3A, %mul3A_449, %mul3A_33] : memref<8x4096x512xf32, #tpu.memory_space<hbm>> -> memref<1x512x128xf32, #tpu.memory_space<hbm>>
            %dma_wait3A_462 = tpu.memref_squeeze %dma_wait3A_461 : memref<1x512x128xf32, #tpu.memory_space<hbm>> -> memref<512x128xf32, #tpu.memory_space<hbm>>
            tpu.wait_dma2 semaphore(%run_scoped3A_456 : memref<!tpu.dma_semaphore, #tpu.memory_space<semaphore_mem>>) src(%dma_wait3A_462 : memref<512x128xf32, #tpu.memory_space<hbm>>) dst(%run_scoped3A : memref<512x128xf32, #tpu.memory_space<vmem>>)
            tpu.yield
          }) : () -> ()
          %scan3A_450 = arith.constant 0 : i32
          %scan3A_451 = arith.constant 512 : i32
          %scan3A_452 = arith.addi %scan3A_450, %scan3A_451 : i32
          %scan3A_453 = arith.constant 1 : i32
          %scan3A_454:8 = scf.for %scan3A_456 = %scan3A_450 to %scan3A_452 step %scan3A_453 iter_args(%scan3A_457 = %scan3A_440, %scan3A_458 = %scan3A_441, %scan3A_459 = %scan3A_442, %scan3A_460 = %scan3A_443, %scan3A_461 = %scan3A_444, %scan3A_462 = %scan3A_445, %scan3A_463 = %scan3A_446, %scan3A_464 = %scan3A_447) -> (vector<16xf32>, vector<16xf32>, vector<16xf32>, vector<16xf32>, vector<16xf32>, vector<16xf32>, vector<16xf32>, vector<16xf32>)  : i32 {
            %get3A = arith.index_cast %scan3A_456 : i32 to index
            %get3A_465 = arith.constant 0 : index
            %get3A_466 = tpu.vector_load %run_scoped3A[%get3A, %get3A_465] {strides = array<i32>} : memref<512x128xf32, #tpu.memory_space<vmem>>, vector<1x16xf32>,
            %get3A_467 = vector.shape_cast %get3A_466 : vector<1x16xf32> to vector<16xf32>
            %bitcast_convert_type3A_468 = tpu.bitcast %get3A_467 : vector<16xf32> -> vector<16xi32>
            %ge3A_469 = arith.constant 0 : i32
            %ge3A_470 = vector.broadcast %ge3A_469 : i32 to vector<16xi32>
            %ge3A_471 = arith.cmpi sge, %bitcast_convert_type3A_468, %ge3A_470 : vector<16xi32>
            %xor3A_472 = arith.constant 2147483647 : i32
            %xor3A_473 = vector.broadcast %xor3A_472 : i32 to vector<16xi32>
            %xor3A_474 = arith.xori %bitcast_convert_type3A_468, %xor3A_473 : vector<16xi32>
            %select_n3A_475 = arith.select %ge3A_471, %bitcast_convert_type3A_468, %xor3A_474 : vector<16xi1>, vector<16xi32>
            %gt3A = arith.cmpi sgt, %select_n3A_475, %xor3A_248 : vector<16xi32>
            %exp3A_476 = math.exp %get3A_467 : vector<16xf32>
            %jit3A_477 = arith.constant 0.000000e+00 : f32
            %broadcast_in_dim3A_478 = vector.broadcast %jit3A_477 : f32 to vector<16xf32>
            %select_n3A_479 = arith.select %gt3A, %exp3A_476, %broadcast_in_dim3A_478 : vector<16xi1>, vector<16xf32>
            %add3A_480 = arith.addf %scan3A_457, %select_n3A_479 : vector<16xf32>
            %get3A_481 = arith.index_cast %scan3A_456 : i32 to index
            %get3A_482 = arith.constant 16 : index
            %get3A_483 = tpu.vector_load %run_scoped3A[%get3A_481, %get3A_482] {strides = array<i32>} : memref<512x128xf32, #tpu.memory_space<vmem>>, vector<1x16xf32>,
            %get3A_484 = vector.shape_cast %get3A_483 : vector<1x16xf32> to vector<16xf32>
            %bitcast_convert_type3A_485 = tpu.bitcast %get3A_484 : vector<16xf32> -> vector<16xi32>
            %ge3A_486 = arith.constant 0 : i32
            %ge3A_487 = vector.broadcast %ge3A_486 : i32 to vector<16xi32>
            %ge3A_488 = arith.cmpi sge, %bitcast_convert_type3A_485, %ge3A_487 : vector<16xi32>
            %xor3A_489 = arith.constant 2147483647 : i32
            %xor3A_490 = vector.broadcast %xor3A_489 : i32 to vector<16xi32>
            %xor3A_491 = arith.xori %bitcast_convert_type3A_485, %xor3A_490 : vector<16xi32>
            %select_n3A_492 = arith.select %ge3A_488, %bitcast_convert_type3A_485, %xor3A_491 : vector<16xi1>, vector<16xi32>
            %gt3A_493 = arith.cmpi sgt, %select_n3A_492, %xor3A_251 : vector<16xi32>
            %exp3A_494 = math.exp %get3A_484 : vector<16xf32>
            %jit3A_495 = arith.constant 0.000000e+00 : f32
            %broadcast_in_dim3A_496 = vector.broadcast %jit3A_495 : f32 to vector<16xf32>
            %select_n3A_497 = arith.select %gt3A_493, %exp3A_494, %broadcast_in_dim3A_496 : vector<16xi1>, vector<16xf32>
            %add3A_498 = arith.addf %scan3A_458, %select_n3A_497 : vector<16xf32>
            %get3A_499 = arith.index_cast %scan3A_456 : i32 to index
            %get3A_500 = arith.constant 32 : index
            %get3A_501 = tpu.vector_load %run_scoped3A[%get3A_499, %get3A_500] {strides = array<i32>} : memref<512x128xf32, #tpu.memory_space<vmem>>, vector<1x16xf32>,
            %get3A_502 = vector.shape_cast %get3A_501 : vector<1x16xf32> to vector<16xf32>
            %bitcast_convert_type3A_503 = tpu.bitcast %get3A_502 : vector<16xf32> -> vector<16xi32>
            %ge3A_504 = arith.constant 0 : i32
            %ge3A_505 = vector.broadcast %ge3A_504 : i32 to vector<16xi32>
            %ge3A_506 = arith.cmpi sge, %bitcast_convert_type3A_503, %ge3A_505 : vector<16xi32>
            %xor3A_507 = arith.constant 2147483647 : i32
            %xor3A_508 = vector.broadcast %xor3A_507 : i32 to vector<16xi32>
            %xor3A_509 = arith.xori %bitcast_convert_type3A_503, %xor3A_508 : vector<16xi32>
            %select_n3A_510 = arith.select %ge3A_506, %bitcast_convert_type3A_503, %xor3A_509 : vector<16xi1>, vector<16xi32>
            %gt3A_511 = arith.cmpi sgt, %select_n3A_510, %xor3A_254 : vector<16xi32>
            %exp3A_512 = math.exp %get3A_502 : vector<16xf32>
            %jit3A_513 = arith.constant 0.000000e+00 : f32
            %broadcast_in_dim3A_514 = vector.broadcast %jit3A_513 : f32 to vector<16xf32>
            %select_n3A_515 = arith.select %gt3A_511, %exp3A_512, %broadcast_in_dim3A_514 : vector<16xi1>, vector<16xf32>
            %add3A_516 = arith.addf %scan3A_459, %select_n3A_515 : vector<16xf32>
            %get3A_517 = arith.index_cast %scan3A_456 : i32 to index
            %get3A_518 = arith.constant 48 : index
            %get3A_519 = tpu.vector_load %run_scoped3A[%get3A_517, %get3A_518] {strides = array<i32>} : memref<512x128xf32, #tpu.memory_space<vmem>>, vector<1x16xf32>,
            %get3A_520 = vector.shape_cast %get3A_519 : vector<1x16xf32> to vector<16xf32>
            %bitcast_convert_type3A_521 = tpu.bitcast %get3A_520 : vector<16xf32> -> vector<16xi32>
            %ge3A_522 = arith.constant 0 : i32
            %ge3A_523 = vector.broadcast %ge3A_522 : i32 to vector<16xi32>
            %ge3A_524 = arith.cmpi sge, %bitcast_convert_type3A_521, %ge3A_523 : vector<16xi32>
            %xor3A_525 = arith.constant 2147483647 : i32
            %xor3A_526 = vector.broadcast %xor3A_525 : i32 to vector<16xi32>
            %xor3A_527 = arith.xori %bitcast_convert_type3A_521, %xor3A_526 : vector<16xi32>
            %select_n3A_528 = arith.select %ge3A_524, %bitcast_convert_type3A_521, %xor3A_527 : vector<16xi1>, vector<16xi32>
            %gt3A_529 = arith.cmpi sgt, %select_n3A_528, %xor3A_257 : vector<16xi32>
            %exp3A_530 = math.exp %get3A_520 : vector<16xf32>
            %jit3A_531 = arith.constant 0.000000e+00 : f32
            %broadcast_in_dim3A_532 = vector.broadcast %jit3A_531 : f32 to vector<16xf32>
            %select_n3A_533 = arith.select %gt3A_529, %exp3A_530, %broadcast_in_dim3A_532 : vector<16xi1>, vector<16xf32>
            %add3A_534 = arith.addf %scan3A_460, %select_n3A_533 : vector<16xf32>
            %get3A_535 = arith.index_cast %scan3A_456 : i32 to index
            %get3A_536 = arith.constant 64 : index
            %get3A_537 = tpu.vector_load %run_scoped3A[%get3A_535, %get3A_536] {strides = array<i32>} : memref<512x128xf32, #tpu.memory_space<vmem>>, vector<1x16xf32>,
            %get3A_538 = vector.shape_cast %get3A_537 : vector<1x16xf32> to vector<16xf32>
            %bitcast_convert_type3A_539 = tpu.bitcast %get3A_538 : vector<16xf32> -> vector<16xi32>
            %ge3A_540 = arith.constant 0 : i32
            %ge3A_541 = vector.broadcast %ge3A_540 : i32 to vector<16xi32>
            %ge3A_542 = arith.cmpi sge, %bitcast_convert_type3A_539, %ge3A_541 : vector<16xi32>
            %xor3A_543 = arith.constant 2147483647 : i32
            %xor3A_544 = vector.broadcast %xor3A_543 : i32 to vector<16xi32>
            %xor3A_545 = arith.xori %bitcast_convert_type3A_539, %xor3A_544 : vector<16xi32>
            %select_n3A_546 = arith.select %ge3A_542, %bitcast_convert_type3A_539, %xor3A_545 : vector<16xi1>, vector<16xi32>
            %gt3A_547 = arith.cmpi sgt, %select_n3A_546, %xor3A_260 : vector<16xi32>
            %exp3A_548 = math.exp %get3A_538 : vector<16xf32>
            %jit3A_549 = arith.constant 0.000000e+00 : f32
            %broadcast_in_dim3A_550 = vector.broadcast %jit3A_549 : f32 to vector<16xf32>
            %select_n3A_551 = arith.select %gt3A_547, %exp3A_548, %broadcast_in_dim3A_550 : vector<16xi1>, vector<16xf32>
            %add3A_552 = arith.addf %scan3A_461, %select_n3A_551 : vector<16xf32>
            %get3A_553 = arith.index_cast %scan3A_456 : i32 to index
            %get3A_554 = arith.constant 80 : index
            %get3A_555 = tpu.vector_load %run_scoped3A[%get3A_553, %get3A_554] {strides = array<i32>} : memref<512x128xf32, #tpu.memory_space<vmem>>, vector<1x16xf32>,
            %get3A_556 = vector.shape_cast %get3A_555 : vector<1x16xf32> to vector<16xf32>
            %bitcast_convert_type3A_557 = tpu.bitcast %get3A_556 : vector<16xf32> -> vector<16xi32>
            %ge3A_558 = arith.constant 0 : i32
            %ge3A_559 = vector.broadcast %ge3A_558 : i32 to vector<16xi32>
            %ge3A_560 = arith.cmpi sge, %bitcast_convert_type3A_557, %ge3A_559 : vector<16xi32>
            %xor3A_561 = arith.constant 2147483647 : i32
            %xor3A_562 = vector.broadcast %xor3A_561 : i32 to vector<16xi32>
            %xor3A_563 = arith.xori %bitcast_convert_type3A_557, %xor3A_562 : vector<16xi32>
            %select_n3A_564 = arith.select %ge3A_560, %bitcast_convert_type3A_557, %xor3A_563 : vector<16xi1>, vector<16xi32>
            %gt3A_565 = arith.cmpi sgt, %select_n3A_564, %xor3A_263 : vector<16xi32>
            %exp3A_566 = math.exp %get3A_556 : vector<16xf32>
            %jit3A_567 = arith.constant 0.000000e+00 : f32
            %broadcast_in_dim3A_568 = vector.broadcast %jit3A_567 : f32 to vector<16xf32>
            %select_n3A_569 = arith.select %gt3A_565, %exp3A_566, %broadcast_in_dim3A_568 : vector<16xi1>, vector<16xf32>
            %add3A_570 = arith.addf %scan3A_462, %select_n3A_569 : vector<16xf32>
            %get3A_571 = arith.index_cast %scan3A_456 : i32 to index
            %get3A_572 = arith.constant 96 : index
            %get3A_573 = tpu.vector_load %run_scoped3A[%get3A_571, %get3A_572] {strides = array<i32>} : memref<512x128xf32, #tpu.memory_space<vmem>>, vector<1x16xf32>,
            %get3A_574 = vector.shape_cast %get3A_573 : vector<1x16xf32> to vector<16xf32>
            %bitcast_convert_type3A_575 = tpu.bitcast %get3A_574 : vector<16xf32> -> vector<16xi32>
            %ge3A_576 = arith.constant 0 : i32
            %ge3A_577 = vector.broadcast %ge3A_576 : i32 to vector<16xi32>
            %ge3A_578 = arith.cmpi sge, %bitcast_convert_type3A_575, %ge3A_577 : vector<16xi32>
            %xor3A_579 = arith.constant 2147483647 : i32
            %xor3A_580 = vector.broadcast %xor3A_579 : i32 to vector<16xi32>
            %xor3A_581 = arith.xori %bitcast_convert_type3A_575, %xor3A_580 : vector<16xi32>
            %select_n3A_582 = arith.select %ge3A_578, %bitcast_convert_type3A_575, %xor3A_581 : vector<16xi1>, vector<16xi32>
            %gt3A_583 = arith.cmpi sgt, %select_n3A_582, %xor3A_266 : vector<16xi32>
            %exp3A_584 = math.exp %get3A_574 : vector<16xf32>
            %jit3A_585 = arith.constant 0.000000e+00 : f32
            %broadcast_in_dim3A_586 = vector.broadcast %jit3A_585 : f32 to vector<16xf32>
            %select_n3A_587 = arith.select %gt3A_583, %exp3A_584, %broadcast_in_dim3A_586 : vector<16xi1>, vector<16xf32>
            %add3A_588 = arith.addf %scan3A_463, %select_n3A_587 : vector<16xf32>
            %get3A_589 = arith.index_cast %scan3A_456 : i32 to index
            %get3A_590 = arith.constant 112 : index
            %get3A_591 = tpu.vector_load %run_scoped3A[%get3A_589, %get3A_590] {strides = array<i32>} : memref<512x128xf32, #tpu.memory_space<vmem>>, vector<1x16xf32>,
            %get3A_592 = vector.shape_cast %get3A_591 : vector<1x16xf32> to vector<16xf32>
            %bitcast_convert_type3A_593 = tpu.bitcast %get3A_592 : vector<16xf32> -> vector<16xi32>
            %ge3A_594 = arith.constant 0 : i32
            %ge3A_595 = vector.broadcast %ge3A_594 : i32 to vector<16xi32>
            %ge3A_596 = arith.cmpi sge, %bitcast_convert_type3A_593, %ge3A_595 : vector<16xi32>
            %xor3A_597 = arith.constant 2147483647 : i32
            %xor3A_598 = vector.broadcast %xor3A_597 : i32 to vector<16xi32>
            %xor3A_599 = arith.xori %bitcast_convert_type3A_593, %xor3A_598 : vector<16xi32>
            %select_n3A_600 = arith.select %ge3A_596, %bitcast_convert_type3A_593, %xor3A_599 : vector<16xi1>, vector<16xi32>
            %gt3A_601 = arith.cmpi sgt, %select_n3A_600, %xor3A_269 : vector<16xi32>
            %exp3A_602 = math.exp %get3A_592 : vector<16xf32>
            %jit3A_603 = arith.constant 0.000000e+00 : f32
            %broadcast_in_dim3A_604 = vector.broadcast %jit3A_603 : f32 to vector<16xf32>
            %select_n3A_605 = arith.select %gt3A_601, %exp3A_602, %broadcast_in_dim3A_604 : vector<16xi1>, vector<16xf32>
            %add3A_606 = arith.addf %scan3A_464, %select_n3A_605 : vector<16xf32>
            scf.yield %add3A_480, %add3A_498, %add3A_516, %add3A_534, %add3A_552, %add3A_570, %add3A_588, %add3A_606 : vector<16xf32>, vector<16xf32>, vector<16xf32>, vector<16xf32>, vector<16xf32>, vector<16xf32>, vector<16xf32>, vector<16xf32>
          }
          %scan3A_455 = arith.constant 512 : i32
          scf.yield %scan3A_454#0, %scan3A_454#1, %scan3A_454#2, %scan3A_454#3, %scan3A_454#4, %scan3A_454#5, %scan3A_454#6, %scan3A_454#7 : vector<16xf32>, vector<16xf32>, vector<16xf32>, vector<16xf32>, vector<16xf32>, vector<16xf32>, vector<16xf32>, vector<16xf32>
        }
        %scan3A_315 = arith.constant 8 : i32
        %ge3A_316 = arith.constant 0 : i32
        %ge3A_317 = vector.broadcast %ge3A_316 : i32 to vector<16xi32>
        %ge3A_318 = arith.cmpi sge, %xor3A_248, %ge3A_317 : vector<16xi32>
        %xor3A_319 = arith.constant 2147483647 : i32
        %xor3A_320 = vector.broadcast %xor3A_319 : i32 to vector<16xi32>
        %xor3A_321 = arith.xori %xor3A_248, %xor3A_320 : vector<16xi32>
        %select_n3A_322 = arith.select %ge3A_318, %xor3A_248, %xor3A_321 : vector<16xi1>, vector<16xi32>
        %bitcast_convert_type3A = tpu.bitcast %select_n3A_322 : vector<16xi32> -> vector<16xf32>
        %exp3A = math.exp %bitcast_convert_type3A : vector<16xf32>
        %ge3A_323 = arith.constant 0 : i32
        %ge3A_324 = vector.broadcast %ge3A_323 : i32 to vector<16xi32>
        %ge3A_325 = arith.cmpi sge, %xor3A_251, %ge3A_324 : vector<16xi32>
        %xor3A_326 = arith.constant 2147483647 : i32
        %xor3A_327 = vector.broadcast %xor3A_326 : i32 to vector<16xi32>
        %xor3A_328 = arith.xori %xor3A_251, %xor3A_327 : vector<16xi32>
        %select_n3A_329 = arith.select %ge3A_325, %xor3A_251, %xor3A_328 : vector<16xi1>, vector<16xi32>
        %bitcast_convert_type3A_330 = tpu.bitcast %select_n3A_329 : vector<16xi32> -> vector<16xf32>
        %exp3A_331 = math.exp %bitcast_convert_type3A_330 : vector<16xf32>
        %ge3A_332 = arith.constant 0 : i32
        %ge3A_333 = vector.broadcast %ge3A_332 : i32 to vector<16xi32>
        %ge3A_334 = arith.cmpi sge, %xor3A_254, %ge3A_333 : vector<16xi32>
        %xor3A_335 = arith.constant 2147483647 : i32
        %xor3A_336 = vector.broadcast %xor3A_335 : i32 to vector<16xi32>
        %xor3A_337 = arith.xori %xor3A_254, %xor3A_336 : vector<16xi32>
        %select_n3A_338 = arith.select %ge3A_334, %xor3A_254, %xor3A_337 : vector<16xi1>, vector<16xi32>
        %bitcast_convert_type3A_339 = tpu.bitcast %select_n3A_338 : vector<16xi32> -> vector<16xf32>
        %exp3A_340 = math.exp %bitcast_convert_type3A_339 : vector<16xf32>
        %ge3A_341 = arith.constant 0 : i32
        %ge3A_342 = vector.broadcast %ge3A_341 : i32 to vector<16xi32>
        %ge3A_343 = arith.cmpi sge, %xor3A_257, %ge3A_342 : vector<16xi32>
        %xor3A_344 = arith.constant 2147483647 : i32
        %xor3A_345 = vector.broadcast %xor3A_344 : i32 to vector<16xi32>
        %xor3A_346 = arith.xori %xor3A_257, %xor3A_345 : vector<16xi32>
        %select_n3A_347 = arith.select %ge3A_343, %xor3A_257, %xor3A_346 : vector<16xi1>, vector<16xi32>
        %bitcast_convert_type3A_348 = tpu.bitcast %select_n3A_347 : vector<16xi32> -> vector<16xf32>
        %exp3A_349 = math.exp %bitcast_convert_type3A_348 : vector<16xf32>
        %ge3A_350 = arith.constant 0 : i32
        %ge3A_351 = vector.broadcast %ge3A_350 : i32 to vector<16xi32>
        %ge3A_352 = arith.cmpi sge, %xor3A_260, %ge3A_351 : vector<16xi32>
        %xor3A_353 = arith.constant 2147483647 : i32
        %xor3A_354 = vector.broadcast %xor3A_353 : i32 to vector<16xi32>
        %xor3A_355 = arith.xori %xor3A_260, %xor3A_354 : vector<16xi32>
        %select_n3A_356 = arith.select %ge3A_352, %xor3A_260, %xor3A_355 : vector<16xi1>, vector<16xi32>
        %bitcast_convert_type3A_357 = tpu.bitcast %select_n3A_356 : vector<16xi32> -> vector<16xf32>
        %exp3A_358 = math.exp %bitcast_convert_type3A_357 : vector<16xf32>
        %ge3A_359 = arith.constant 0 : i32
        %ge3A_360 = vector.broadcast %ge3A_359 : i32 to vector<16xi32>
        %ge3A_361 = arith.cmpi sge, %xor3A_263, %ge3A_360 : vector<16xi32>
        %xor3A_362 = arith.constant 2147483647 : i32
        %xor3A_363 = vector.broadcast %xor3A_362 : i32 to vector<16xi32>
        %xor3A_364 = arith.xori %xor3A_263, %xor3A_363 : vector<16xi32>
        %select_n3A_365 = arith.select %ge3A_361, %xor3A_263, %xor3A_364 : vector<16xi1>, vector<16xi32>
        %bitcast_convert_type3A_366 = tpu.bitcast %select_n3A_365 : vector<16xi32> -> vector<16xf32>
        %exp3A_367 = math.exp %bitcast_convert_type3A_366 : vector<16xf32>
        %ge3A_368 = arith.constant 0 : i32
        %ge3A_369 = vector.broadcast %ge3A_368 : i32 to vector<16xi32>
        %ge3A_370 = arith.cmpi sge, %xor3A_266, %ge3A_369 : vector<16xi32>
        %xor3A_371 = arith.constant 2147483647 : i32
        %xor3A_372 = vector.broadcast %xor3A_371 : i32 to vector<16xi32>
        %xor3A_373 = arith.xori %xor3A_266, %xor3A_372 : vector<16xi32>
        %select_n3A_374 = arith.select %ge3A_370, %xor3A_266, %xor3A_373 : vector<16xi1>, vector<16xi32>
        %bitcast_convert_type3A_375 = tpu.bitcast %select_n3A_374 : vector<16xi32> -> vector<16xf32>
        %exp3A_376 = math.exp %bitcast_convert_type3A_375 : vector<16xf32>
        %ge3A_377 = arith.constant 0 : i32
        %ge3A_378 = vector.broadcast %ge3A_377 : i32 to vector<16xi32>
        %ge3A_379 = arith.cmpi sge, %xor3A_269, %ge3A_378 : vector<16xi32>
        %xor3A_380 = arith.constant 2147483647 : i32
        %xor3A_381 = vector.broadcast %xor3A_380 : i32 to vector<16xi32>
        %xor3A_382 = arith.xori %xor3A_269, %xor3A_381 : vector<16xi32>
        %select_n3A_383 = arith.select %ge3A_379, %xor3A_269, %xor3A_382 : vector<16xi1>, vector<16xi32>
        %bitcast_convert_type3A_384 = tpu.bitcast %select_n3A_383 : vector<16xi32> -> vector<16xf32>
        %exp3A_385 = math.exp %bitcast_convert_type3A_384 : vector<16xf32>
        %broadcast_in_dim3A_386 = arith.constant 0 : i32
        %broadcast_in_dim3A_387 = vector.broadcast %broadcast_in_dim3A_386 : i32 to vector<16xi32>
        %add3A_388 = arith.constant 0 : i32
        %add3A_389 = vector.broadcast %add3A_388 : i32 to vector<16xi32>
        %add3A_390 = arith.addi %broadcast_in_dim3A_387, %add3A_389 : vector<16xi32>
        %broadcast_in_dim3A_391 = arith.constant 0 : i32
        %broadcast_in_dim3A_392 = vector.broadcast %broadcast_in_dim3A_391 : i32 to vector<16xi32>
        %add3A_393 = arith.constant 0 : i32
        %add3A_394 = vector.broadcast %add3A_393 : i32 to vector<16xi32>
        %add3A_395 = arith.addi %broadcast_in_dim3A_392, %add3A_394 : vector<16xi32>
        %broadcast_in_dim3A_396 = arith.constant 0 : i32
        %broadcast_in_dim3A_397 = vector.broadcast %broadcast_in_dim3A_396 : i32 to vector<16xi32>
        %add3A_398 = arith.constant 0 : i32
        %add3A_399 = vector.broadcast %add3A_398 : i32 to vector<16xi32>
        %add3A_400 = arith.addi %broadcast_in_dim3A_397, %add3A_399 : vector<16xi32>
        %broadcast_in_dim3A_401 = arith.constant 0 : i32
        %broadcast_in_dim3A_402 = vector.broadcast %broadcast_in_dim3A_401 : i32 to vector<16xi32>
        %add3A_403 = arith.constant 0 : i32
        %add3A_404 = vector.broadcast %add3A_403 : i32 to vector<16xi32>
        %add3A_405 = arith.addi %broadcast_in_dim3A_402, %add3A_404 : vector<16xi32>
        %broadcast_in_dim3A_406 = arith.constant 0 : i32
        %broadcast_in_dim3A_407 = vector.broadcast %broadcast_in_dim3A_406 : i32 to vector<16xi32>
        %add3A_408 = arith.constant 0 : i32
        %add3A_409 = vector.broadcast %add3A_408 : i32 to vector<16xi32>
        %add3A_410 = arith.addi %broadcast_in_dim3A_407, %add3A_409 : vector<16xi32>
        %broadcast_in_dim3A_411 = arith.constant 0 : i32
        %broadcast_in_dim3A_412 = vector.broadcast %broadcast_in_dim3A_411 : i32 to vector<16xi32>
        %add3A_413 = arith.constant 0 : i32
        %add3A_414 = vector.broadcast %add3A_413 : i32 to vector<16xi32>
        %add3A_415 = arith.addi %broadcast_in_dim3A_412, %add3A_414 : vector<16xi32>
        %broadcast_in_dim3A_416 = arith.constant 0 : i32
        %broadcast_in_dim3A_417 = vector.broadcast %broadcast_in_dim3A_416 : i32 to vector<16xi32>
        %add3A_418 = arith.constant 0 : i32
        %add3A_419 = vector.broadcast %add3A_418 : i32 to vector<16xi32>
        %add3A_420 = arith.addi %broadcast_in_dim3A_417, %add3A_419 : vector<16xi32>
        %broadcast_in_dim3A_421 = arith.constant 0 : i32
        %broadcast_in_dim3A_422 = vector.broadcast %broadcast_in_dim3A_421 : i32 to vector<16xi32>
        %add3A_423 = arith.constant 0 : i32
        %add3A_424 = vector.broadcast %add3A_423 : i32 to vector<16xi32>
        %add3A_425 = arith.addi %broadcast_in_dim3A_422, %add3A_424 : vector<16xi32>
        %scan3A_426 = arith.constant 0 : i32
        %scan3A_427 = arith.constant 13 : i32
        %scan3A_428 = arith.addi %scan3A_426, %scan3A_427 : i32
        %scan3A_429 = arith.constant 1 : i32
        %scan3A_430:8 = scf.for %scan3A_439 = %scan3A_426 to %scan3A_428 step %scan3A_429 iter_args(%scan3A_440 = %add3A_390, %scan3A_441 = %add3A_395, %scan3A_442 = %add3A_400, %scan3A_443 = %add3A_405, %scan3A_444 = %add3A_410, %scan3A_445 = %add3A_415, %scan3A_446 = %add3A_420, %scan3A_447 = %add3A_425) -> (vector<16xi32>, vector<16xi32>, vector<16xi32>, vector<16xi32>, vector<16xi32>, vector<16xi32>, vector<16xi32>, vector<16xi32>)  : i32 {
          %sub3A_448 = arith.constant 12 : i32
          %sub3A_449 = arith.subi %sub3A_448, %scan3A_439 : i32
          %shift_left3A = arith.constant 1 : i32
          %shift_left3A_450 = arith.shli %shift_left3A, %sub3A_449 : i32
          %or3A = vector.broadcast %shift_left3A_450 : i32 to vector<16xi32>
          %or3A_451 = arith.ori %scan3A_440, %or3A : vector<16xi32>
          %or3A_452 = vector.broadcast %shift_left3A_450 : i32 to vector<16xi32>
          %or3A_453 = arith.ori %scan3A_441, %or3A_452 : vector<16xi32>
          %or3A_454 = vector.broadcast %shift_left3A_450 : i32 to vector<16xi32>
          %or3A_455 = arith.ori %scan3A_442, %or3A_454 : vector<16xi32>
          %or3A_456 = vector.broadcast %shift_left3A_450 : i32 to vector<16xi32>
          %or3A_457 = arith.ori %scan3A_443, %or3A_456 : vector<16xi32>
          %or3A_458 = vector.broadcast %shift_left3A_450 : i32 to vector<16xi32>
          %or3A_459 = arith.ori %scan3A_444, %or3A_458 : vector<16xi32>
          %or3A_460 = vector.broadcast %shift_left3A_450 : i32 to vector<16xi32>
          %or3A_461 = arith.ori %scan3A_445, %or3A_460 : vector<16xi32>
          %or3A_462 = vector.broadcast %shift_left3A_450 : i32 to vector<16xi32>
          %or3A_463 = arith.ori %scan3A_446, %or3A_462 : vector<16xi32>
          %or3A_464 = vector.broadcast %shift_left3A_450 : i32 to vector<16xi32>
          %or3A_465 = arith.ori %scan3A_447, %or3A_464 : vector<16xi32>
          %broadcast_in_dim3A_466 = arith.constant 0.000000e+00 : f32
          %broadcast_in_dim3A_467 = vector.broadcast %broadcast_in_dim3A_466 : f32 to vector<16xf32>
          %add3A_468 = arith.constant 0.000000e+00 : f32
          %add3A_469 = vector.broadcast %add3A_468 : f32 to vector<16xf32>
          %add3A_470 = arith.addf %broadcast_in_dim3A_467, %add3A_469 : vector<16xf32>
          %broadcast_in_dim3A_471 = arith.constant 0.000000e+00 : f32
          %broadcast_in_dim3A_472 = vector.broadcast %broadcast_in_dim3A_471 : f32 to vector<16xf32>
          %add3A_473 = arith.constant 0.000000e+00 : f32
          %add3A_474 = vector.broadcast %add3A_473 : f32 to vector<16xf32>
          %add3A_475 = arith.addf %broadcast_in_dim3A_472, %add3A_474 : vector<16xf32>
          %broadcast_in_dim3A_476 = arith.constant 0.000000e+00 : f32
          %broadcast_in_dim3A_477 = vector.broadcast %broadcast_in_dim3A_476 : f32 to vector<16xf32>
          %add3A_478 = arith.constant 0.000000e+00 : f32
          %add3A_479 = vector.broadcast %add3A_478 : f32 to vector<16xf32>
          %add3A_480 = arith.addf %broadcast_in_dim3A_477, %add3A_479 : vector<16xf32>
          %broadcast_in_dim3A_481 = arith.constant 0.000000e+00 : f32
          %broadcast_in_dim3A_482 = vector.broadcast %broadcast_in_dim3A_481 : f32 to vector<16xf32>
          %add3A_483 = arith.constant 0.000000e+00 : f32
          %add3A_484 = vector.broadcast %add3A_483 : f32 to vector<16xf32>
          %add3A_485 = arith.addf %broadcast_in_dim3A_482, %add3A_484 : vector<16xf32>
          %broadcast_in_dim3A_486 = arith.constant 0.000000e+00 : f32
          %broadcast_in_dim3A_487 = vector.broadcast %broadcast_in_dim3A_486 : f32 to vector<16xf32>
          %add3A_488 = arith.constant 0.000000e+00 : f32
          %add3A_489 = vector.broadcast %add3A_488 : f32 to vector<16xf32>
          %add3A_490 = arith.addf %broadcast_in_dim3A_487, %add3A_489 : vector<16xf32>
          %broadcast_in_dim3A_491 = arith.constant 0.000000e+00 : f32
          %broadcast_in_dim3A_492 = vector.broadcast %broadcast_in_dim3A_491 : f32 to vector<16xf32>
          %add3A_493 = arith.constant 0.000000e+00 : f32
          %add3A_494 = vector.broadcast %add3A_493 : f32 to vector<16xf32>
          %add3A_495 = arith.addf %broadcast_in_dim3A_492, %add3A_494 : vector<16xf32>
          %broadcast_in_dim3A_496 = arith.constant 0.000000e+00 : f32
          %broadcast_in_dim3A_497 = vector.broadcast %broadcast_in_dim3A_496 : f32 to vector<16xf32>
          %add3A_498 = arith.constant 0.000000e+00 : f32
          %add3A_499 = vector.broadcast %add3A_498 : f32 to vector<16xf32>
          %add3A_500 = arith.addf %broadcast_in_dim3A_497, %add3A_499 : vector<16xf32>
          %broadcast_in_dim3A_501 = arith.constant 0.000000e+00 : f32
          %broadcast_in_dim3A_502 = vector.broadcast %broadcast_in_dim3A_501 : f32 to vector<16xf32>
          %add3A_503 = arith.constant 0.000000e+00 : f32
          %add3A_504 = vector.broadcast %add3A_503 : f32 to vector<16xf32>
          %add3A_505 = arith.addf %broadcast_in_dim3A_502, %add3A_504 : vector<16xf32>
          %scan3A_506 = arith.constant 0 : i32
          %scan3A_507 = arith.constant 8 : i32
          %scan3A_508 = arith.addi %scan3A_506, %scan3A_507 : i32
          %scan3A_509 = arith.constant 1 : i32
          %scan3A_510:8 = scf.for %scan3A_607 = %scan3A_506 to %scan3A_508 step %scan3A_509 iter_args(%scan3A_608 = %add3A_470, %scan3A_609 = %add3A_475, %scan3A_610 = %add3A_480, %scan3A_611 = %add3A_485, %scan3A_612 = %add3A_490, %scan3A_613 = %add3A_495, %scan3A_614 = %add3A_500, %scan3A_615 = %add3A_505) -> (vector<16xf32>, vector<16xf32>, vector<16xf32>, vector<16xf32>, vector<16xf32>, vector<16xf32>, vector<16xf32>, vector<16xf32>)  : i32 {
            %mul3A_616 = arith.constant 512 : i32
            %mul3A_617 = arith.muli %scan3A_607, %mul3A_616 : i32
            "tpu.region"() ({
              %run_scoped3A_624 = tpu.sem_alloc : memref<!tpu.dma_semaphore, #tpu.memory_space<semaphore_mem>>
              %dma_start3A = tpu.memref_slice %arg2[%select_n3A, %mul3A_617, %mul3A_33] : memref<8x4096x512xf32, #tpu.memory_space<hbm>> -> memref<1x512x128xf32, #tpu.memory_space<hbm>>
              %dma_start3A_625 = tpu.memref_squeeze %dma_start3A : memref<1x512x128xf32, #tpu.memory_space<hbm>> -> memref<512x128xf32, #tpu.memory_space<hbm>>
              %dma_start3A_626 = tpu.memref_slice %arg2[%select_n3A, %mul3A_617, %mul3A_33] : memref<8x4096x512xf32, #tpu.memory_space<hbm>> -> memref<1x512x128xf32, #tpu.memory_space<hbm>>
              %dma_start3A_627 = tpu.memref_squeeze %dma_start3A_626 : memref<1x512x128xf32, #tpu.memory_space<hbm>> -> memref<512x128xf32, #tpu.memory_space<hbm>>
              tpu.enqueue_dma source(%dma_start3A_627 : memref<512x128xf32, #tpu.memory_space<hbm>>) target(%run_scoped3A : memref<512x128xf32, #tpu.memory_space<vmem>>) target_semaphore(%run_scoped3A_624 : memref<!tpu.dma_semaphore, #tpu.memory_space<semaphore_mem>>)
              %dma_wait3A = tpu.memref_slice %arg2[%select_n3A, %mul3A_617, %mul3A_33] : memref<8x4096x512xf32, #tpu.memory_space<hbm>> -> memref<1x512x128xf32, #tpu.memory_space<hbm>>
              %dma_wait3A_628 = tpu.memref_squeeze %dma_wait3A : memref<1x512x128xf32, #tpu.memory_space<hbm>> -> memref<512x128xf32, #tpu.memory_space<hbm>>
              %dma_wait3A_629 = tpu.memref_slice %arg2[%select_n3A, %mul3A_617, %mul3A_33] : memref<8x4096x512xf32, #tpu.memory_space<hbm>> -> memref<1x512x128xf32, #tpu.memory_space<hbm>>
              %dma_wait3A_630 = tpu.memref_squeeze %dma_wait3A_629 : memref<1x512x128xf32, #tpu.memory_space<hbm>> -> memref<512x128xf32, #tpu.memory_space<hbm>>
              tpu.wait_dma2 semaphore(%run_scoped3A_624 : memref<!tpu.dma_semaphore, #tpu.memory_space<semaphore_mem>>) src(%dma_wait3A_630 : memref<512x128xf32, #tpu.memory_space<hbm>>) dst(%run_scoped3A : memref<512x128xf32, #tpu.memory_space<vmem>>)
              tpu.yield
            }) : () -> ()
            %scan3A_618 = arith.constant 0 : i32
            %scan3A_619 = arith.constant 512 : i32
            %scan3A_620 = arith.addi %scan3A_618, %scan3A_619 : i32
            %scan3A_621 = arith.constant 1 : i32
            %scan3A_622:8 = scf.for %scan3A_624 = %scan3A_618 to %scan3A_620 step %scan3A_621 iter_args(%scan3A_625 = %scan3A_608, %scan3A_626 = %scan3A_609, %scan3A_627 = %scan3A_610, %scan3A_628 = %scan3A_611, %scan3A_629 = %scan3A_612, %scan3A_630 = %scan3A_613, %scan3A_631 = %scan3A_614, %scan3A_632 = %scan3A_615) -> (vector<16xf32>, vector<16xf32>, vector<16xf32>, vector<16xf32>, vector<16xf32>, vector<16xf32>, vector<16xf32>, vector<16xf32>)  : i32 {
              %get3A = arith.index_cast %scan3A_624 : i32 to index
              %get3A_633 = arith.constant 0 : index
              %get3A_634 = tpu.vector_load %run_scoped3A[%get3A, %get3A_633] {strides = array<i32>} : memref<512x128xf32, #tpu.memory_space<vmem>>, vector<1x16xf32>,
              %get3A_635 = vector.shape_cast %get3A_634 : vector<1x16xf32> to vector<16xf32>
              %bitcast_convert_type3A_636 = tpu.bitcast %get3A_635 : vector<16xf32> -> vector<16xi32>
              %ge3A_637 = arith.constant 0 : i32
              %ge3A_638 = vector.broadcast %ge3A_637 : i32 to vector<16xi32>
              %ge3A_639 = arith.cmpi sge, %bitcast_convert_type3A_636, %ge3A_638 : vector<16xi32>
              %xor3A_640 = arith.constant 2147483647 : i32
              %xor3A_641 = vector.broadcast %xor3A_640 : i32 to vector<16xi32>
              %xor3A_642 = arith.xori %bitcast_convert_type3A_636, %xor3A_641 : vector<16xi32>
              %select_n3A_643 = arith.select %ge3A_639, %bitcast_convert_type3A_636, %xor3A_642 : vector<16xi1>, vector<16xi32>
              %eq3A_644 = arith.cmpi eq, %select_n3A_643, %xor3A_248 : vector<16xi32>
              %mul3A_645 = arith.constant 512 : i32
              %mul3A_646 = arith.muli %scan3A_607, %mul3A_645 : i32
              %add3A_647 = arith.addi %mul3A_646, %scan3A_624 : i32
              %lt3A_648 = vector.broadcast %add3A_647 : i32 to vector<16xi32>
              %lt3A_649 = arith.cmpi slt, %lt3A_648, %or3A_451 : vector<16xi32>
              %and3A_650 = arith.andi %eq3A_644, %lt3A_649 : vector<16xi1>
              %jit3A_651 = arith.constant 1.000000e+00 : f32
              %jit3A_652 = arith.constant 0.000000e+00 : f32
              %broadcast_in_dim3A_653 = vector.broadcast %jit3A_651 : f32 to vector<16xf32>
              %broadcast_in_dim3A_654 = vector.broadcast %jit3A_652 : f32 to vector<16xf32>
              %select_n3A_655 = arith.select %and3A_650, %broadcast_in_dim3A_653, %broadcast_in_dim3A_654 : vector<16xi1>, vector<16xf32>
              %add3A_656 = arith.addf %scan3A_625, %select_n3A_655 : vector<16xf32>
              %get3A_657 = arith.index_cast %scan3A_624 : i32 to index
              %get3A_658 = arith.constant 16 : index
              %get3A_659 = tpu.vector_load %run_scoped3A[%get3A_657, %get3A_658] {strides = array<i32>} : memref<512x128xf32, #tpu.memory_space<vmem>>, vector<1x16xf32>,
              %get3A_660 = vector.shape_cast %get3A_659 : vector<1x16xf32> to vector<16xf32>
              %bitcast_convert_type3A_661 = tpu.bitcast %get3A_660 : vector<16xf32> -> vector<16xi32>
              %ge3A_662 = arith.constant 0 : i32
              %ge3A_663 = vector.broadcast %ge3A_662 : i32 to vector<16xi32>
              %ge3A_664 = arith.cmpi sge, %bitcast_convert_type3A_661, %ge3A_663 : vector<16xi32>
              %xor3A_665 = arith.constant 2147483647 : i32
              %xor3A_666 = vector.broadcast %xor3A_665 : i32 to vector<16xi32>
              %xor3A_667 = arith.xori %bitcast_convert_type3A_661, %xor3A_666 : vector<16xi32>
              %select_n3A_668 = arith.select %ge3A_664, %bitcast_convert_type3A_661, %xor3A_667 : vector<16xi1>, vector<16xi32>
              %eq3A_669 = arith.cmpi eq, %select_n3A_668, %xor3A_251 : vector<16xi32>
              %mul3A_670 = arith.constant 512 : i32
              %mul3A_671 = arith.muli %scan3A_607, %mul3A_670 : i32
              %add3A_672 = arith.addi %mul3A_671, %scan3A_624 : i32
              %lt3A_673 = vector.broadcast %add3A_672 : i32 to vector<16xi32>
              %lt3A_674 = arith.cmpi slt, %lt3A_673, %or3A_453 : vector<16xi32>
              %and3A_675 = arith.andi %eq3A_669, %lt3A_674 : vector<16xi1>
              %jit3A_676 = arith.constant 1.000000e+00 : f32
              %jit3A_677 = arith.constant 0.000000e+00 : f32
              %broadcast_in_dim3A_678 = vector.broadcast %jit3A_676 : f32 to vector<16xf32>
              %broadcast_in_dim3A_679 = vector.broadcast %jit3A_677 : f32 to vector<16xf32>
              %select_n3A_680 = arith.select %and3A_675, %broadcast_in_dim3A_678, %broadcast_in_dim3A_679 : vector<16xi1>, vector<16xf32>
              %add3A_681 = arith.addf %scan3A_626, %select_n3A_680 : vector<16xf32>
              %get3A_682 = arith.index_cast %scan3A_624 : i32 to index
              %get3A_683 = arith.constant 32 : index
              %get3A_684 = tpu.vector_load %run_scoped3A[%get3A_682, %get3A_683] {strides = array<i32>} : memref<512x128xf32, #tpu.memory_space<vmem>>, vector<1x16xf32>,
              %get3A_685 = vector.shape_cast %get3A_684 : vector<1x16xf32> to vector<16xf32>
              %bitcast_convert_type3A_686 = tpu.bitcast %get3A_685 : vector<16xf32> -> vector<16xi32>
              %ge3A_687 = arith.constant 0 : i32
              %ge3A_688 = vector.broadcast %ge3A_687 : i32 to vector<16xi32>
              %ge3A_689 = arith.cmpi sge, %bitcast_convert_type3A_686, %ge3A_688 : vector<16xi32>
              %xor3A_690 = arith.constant 2147483647 : i32
              %xor3A_691 = vector.broadcast %xor3A_690 : i32 to vector<16xi32>
              %xor3A_692 = arith.xori %bitcast_convert_type3A_686, %xor3A_691 : vector<16xi32>
              %select_n3A_693 = arith.select %ge3A_689, %bitcast_convert_type3A_686, %xor3A_692 : vector<16xi1>, vector<16xi32>
              %eq3A_694 = arith.cmpi eq, %select_n3A_693, %xor3A_254 : vector<16xi32>
              %mul3A_695 = arith.constant 512 : i32
              %mul3A_696 = arith.muli %scan3A_607, %mul3A_695 : i32
              %add3A_697 = arith.addi %mul3A_696, %scan3A_624 : i32
              %lt3A_698 = vector.broadcast %add3A_697 : i32 to vector<16xi32>
              %lt3A_699 = arith.cmpi slt, %lt3A_698, %or3A_455 : vector<16xi32>
              %and3A_700 = arith.andi %eq3A_694, %lt3A_699 : vector<16xi1>
              %jit3A_701 = arith.constant 1.000000e+00 : f32
              %jit3A_702 = arith.constant 0.000000e+00 : f32
              %broadcast_in_dim3A_703 = vector.broadcast %jit3A_701 : f32 to vector<16xf32>
              %broadcast_in_dim3A_704 = vector.broadcast %jit3A_702 : f32 to vector<16xf32>
              %select_n3A_705 = arith.select %and3A_700, %broadcast_in_dim3A_703, %broadcast_in_dim3A_704 : vector<16xi1>, vector<16xf32>
              %add3A_706 = arith.addf %scan3A_627, %select_n3A_705 : vector<16xf32>
              %get3A_707 = arith.index_cast %scan3A_624 : i32 to index
              %get3A_708 = arith.constant 48 : index
              %get3A_709 = tpu.vector_load %run_scoped3A[%get3A_707, %get3A_708] {strides = array<i32>} : memref<512x128xf32, #tpu.memory_space<vmem>>, vector<1x16xf32>,
              %get3A_710 = vector.shape_cast %get3A_709 : vector<1x16xf32> to vector<16xf32>
              %bitcast_convert_type3A_711 = tpu.bitcast %get3A_710 : vector<16xf32> -> vector<16xi32>
              %ge3A_712 = arith.constant 0 : i32
              %ge3A_713 = vector.broadcast %ge3A_712 : i32 to vector<16xi32>
              %ge3A_714 = arith.cmpi sge, %bitcast_convert_type3A_711, %ge3A_713 : vector<16xi32>
              %xor3A_715 = arith.constant 2147483647 : i32
              %xor3A_716 = vector.broadcast %xor3A_715 : i32 to vector<16xi32>
              %xor3A_717 = arith.xori %bitcast_convert_type3A_711, %xor3A_716 : vector<16xi32>
              %select_n3A_718 = arith.select %ge3A_714, %bitcast_convert_type3A_711, %xor3A_717 : vector<16xi1>, vector<16xi32>
              %eq3A_719 = arith.cmpi eq, %select_n3A_718, %xor3A_257 : vector<16xi32>
              %mul3A_720 = arith.constant 512 : i32
              %mul3A_721 = arith.muli %scan3A_607, %mul3A_720 : i32
              %add3A_722 = arith.addi %mul3A_721, %scan3A_624 : i32
              %lt3A_723 = vector.broadcast %add3A_722 : i32 to vector<16xi32>
              %lt3A_724 = arith.cmpi slt, %lt3A_723, %or3A_457 : vector<16xi32>
              %and3A_725 = arith.andi %eq3A_719, %lt3A_724 : vector<16xi1>
              %jit3A_726 = arith.constant 1.000000e+00 : f32
              %jit3A_727 = arith.constant 0.000000e+00 : f32
              %broadcast_in_dim3A_728 = vector.broadcast %jit3A_726 : f32 to vector<16xf32>
              %broadcast_in_dim3A_729 = vector.broadcast %jit3A_727 : f32 to vector<16xf32>
              %select_n3A_730 = arith.select %and3A_725, %broadcast_in_dim3A_728, %broadcast_in_dim3A_729 : vector<16xi1>, vector<16xf32>
              %add3A_731 = arith.addf %scan3A_628, %select_n3A_730 : vector<16xf32>
              %get3A_732 = arith.index_cast %scan3A_624 : i32 to index
              %get3A_733 = arith.constant 64 : index
              %get3A_734 = tpu.vector_load %run_scoped3A[%get3A_732, %get3A_733] {strides = array<i32>} : memref<512x128xf32, #tpu.memory_space<vmem>>, vector<1x16xf32>,
              %get3A_735 = vector.shape_cast %get3A_734 : vector<1x16xf32> to vector<16xf32>
              %bitcast_convert_type3A_736 = tpu.bitcast %get3A_735 : vector<16xf32> -> vector<16xi32>
              %ge3A_737 = arith.constant 0 : i32
              %ge3A_738 = vector.broadcast %ge3A_737 : i32 to vector<16xi32>
              %ge3A_739 = arith.cmpi sge, %bitcast_convert_type3A_736, %ge3A_738 : vector<16xi32>
              %xor3A_740 = arith.constant 2147483647 : i32
              %xor3A_741 = vector.broadcast %xor3A_740 : i32 to vector<16xi32>
              %xor3A_742 = arith.xori %bitcast_convert_type3A_736, %xor3A_741 : vector<16xi32>
              %select_n3A_743 = arith.select %ge3A_739, %bitcast_convert_type3A_736, %xor3A_742 : vector<16xi1>, vector<16xi32>
              %eq3A_744 = arith.cmpi eq, %select_n3A_743, %xor3A_260 : vector<16xi32>
              %mul3A_745 = arith.constant 512 : i32
              %mul3A_746 = arith.muli %scan3A_607, %mul3A_745 : i32
              %add3A_747 = arith.addi %mul3A_746, %scan3A_624 : i32
              %lt3A_748 = vector.broadcast %add3A_747 : i32 to vector<16xi32>
              %lt3A_749 = arith.cmpi slt, %lt3A_748, %or3A_459 : vector<16xi32>
              %and3A_750 = arith.andi %eq3A_744, %lt3A_749 : vector<16xi1>
              %jit3A_751 = arith.constant 1.000000e+00 : f32
              %jit3A_752 = arith.constant 0.000000e+00 : f32
              %broadcast_in_dim3A_753 = vector.broadcast %jit3A_751 : f32 to vector<16xf32>
              %broadcast_in_dim3A_754 = vector.broadcast %jit3A_752 : f32 to vector<16xf32>
              %select_n3A_755 = arith.select %and3A_750, %broadcast_in_dim3A_753, %broadcast_in_dim3A_754 : vector<16xi1>, vector<16xf32>
              %add3A_756 = arith.addf %scan3A_629, %select_n3A_755 : vector<16xf32>
              %get3A_757 = arith.index_cast %scan3A_624 : i32 to index
              %get3A_758 = arith.constant 80 : index
              %get3A_759 = tpu.vector_load %run_scoped3A[%get3A_757, %get3A_758] {strides = array<i32>} : memref<512x128xf32, #tpu.memory_space<vmem>>, vector<1x16xf32>,
              %get3A_760 = vector.shape_cast %get3A_759 : vector<1x16xf32> to vector<16xf32>
              %bitcast_convert_type3A_761 = tpu.bitcast %get3A_760 : vector<16xf32> -> vector<16xi32>
              %ge3A_762 = arith.constant 0 : i32
              %ge3A_763 = vector.broadcast %ge3A_762 : i32 to vector<16xi32>
              %ge3A_764 = arith.cmpi sge, %bitcast_convert_type3A_761, %ge3A_763 : vector<16xi32>
              %xor3A_765 = arith.constant 2147483647 : i32
              %xor3A_766 = vector.broadcast %xor3A_765 : i32 to vector<16xi32>
              %xor3A_767 = arith.xori %bitcast_convert_type3A_761, %xor3A_766 : vector<16xi32>
              %select_n3A_768 = arith.select %ge3A_764, %bitcast_convert_type3A_761, %xor3A_767 : vector<16xi1>, vector<16xi32>
              %eq3A_769 = arith.cmpi eq, %select_n3A_768, %xor3A_263 : vector<16xi32>
              %mul3A_770 = arith.constant 512 : i32
              %mul3A_771 = arith.muli %scan3A_607, %mul3A_770 : i32
              %add3A_772 = arith.addi %mul3A_771, %scan3A_624 : i32
              %lt3A_773 = vector.broadcast %add3A_772 : i32 to vector<16xi32>
              %lt3A_774 = arith.cmpi slt, %lt3A_773, %or3A_461 : vector<16xi32>
              %and3A_775 = arith.andi %eq3A_769, %lt3A_774 : vector<16xi1>
              %jit3A_776 = arith.constant 1.000000e+00 : f32
              %jit3A_777 = arith.constant 0.000000e+00 : f32
              %broadcast_in_dim3A_778 = vector.broadcast %jit3A_776 : f32 to vector<16xf32>
              %broadcast_in_dim3A_779 = vector.broadcast %jit3A_777 : f32 to vector<16xf32>
              %select_n3A_780 = arith.select %and3A_775, %broadcast_in_dim3A_778, %broadcast_in_dim3A_779 : vector<16xi1>, vector<16xf32>
              %add3A_781 = arith.addf %scan3A_630, %select_n3A_780 : vector<16xf32>
              %get3A_782 = arith.index_cast %scan3A_624 : i32 to index
              %get3A_783 = arith.constant 96 : index
              %get3A_784 = tpu.vector_load %run_scoped3A[%get3A_782, %get3A_783] {strides = array<i32>} : memref<512x128xf32, #tpu.memory_space<vmem>>, vector<1x16xf32>,
              %get3A_785 = vector.shape_cast %get3A_784 : vector<1x16xf32> to vector<16xf32>
              %bitcast_convert_type3A_786 = tpu.bitcast %get3A_785 : vector<16xf32> -> vector<16xi32>
              %ge3A_787 = arith.constant 0 : i32
              %ge3A_788 = vector.broadcast %ge3A_787 : i32 to vector<16xi32>
              %ge3A_789 = arith.cmpi sge, %bitcast_convert_type3A_786, %ge3A_788 : vector<16xi32>
              %xor3A_790 = arith.constant 2147483647 : i32
              %xor3A_791 = vector.broadcast %xor3A_790 : i32 to vector<16xi32>
              %xor3A_792 = arith.xori %bitcast_convert_type3A_786, %xor3A_791 : vector<16xi32>
              %select_n3A_793 = arith.select %ge3A_789, %bitcast_convert_type3A_786, %xor3A_792 : vector<16xi1>, vector<16xi32>
              %eq3A_794 = arith.cmpi eq, %select_n3A_793, %xor3A_266 : vector<16xi32>
              %mul3A_795 = arith.constant 512 : i32
              %mul3A_796 = arith.muli %scan3A_607, %mul3A_795 : i32
              %add3A_797 = arith.addi %mul3A_796, %scan3A_624 : i32
              %lt3A_798 = vector.broadcast %add3A_797 : i32 to vector<16xi32>
              %lt3A_799 = arith.cmpi slt, %lt3A_798, %or3A_463 : vector<16xi32>
              %and3A_800 = arith.andi %eq3A_794, %lt3A_799 : vector<16xi1>
              %jit3A_801 = arith.constant 1.000000e+00 : f32
              %jit3A_802 = arith.constant 0.000000e+00 : f32
              %broadcast_in_dim3A_803 = vector.broadcast %jit3A_801 : f32 to vector<16xf32>
              %broadcast_in_dim3A_804 = vector.broadcast %jit3A_802 : f32 to vector<16xf32>
              %select_n3A_805 = arith.select %and3A_800, %broadcast_in_dim3A_803, %broadcast_in_dim3A_804 : vector<16xi1>, vector<16xf32>
              %add3A_806 = arith.addf %scan3A_631, %select_n3A_805 : vector<16xf32>
              %get3A_807 = arith.index_cast %scan3A_624 : i32 to index
              %get3A_808 = arith.constant 112 : index
              %get3A_809 = tpu.vector_load %run_scoped3A[%get3A_807, %get3A_808] {strides = array<i32>} : memref<512x128xf32, #tpu.memory_space<vmem>>, vector<1x16xf32>,
              %get3A_810 = vector.shape_cast %get3A_809 : vector<1x16xf32> to vector<16xf32>
              %bitcast_convert_type3A_811 = tpu.bitcast %get3A_810 : vector<16xf32> -> vector<16xi32>
              %ge3A_812 = arith.constant 0 : i32
              %ge3A_813 = vector.broadcast %ge3A_812 : i32 to vector<16xi32>
              %ge3A_814 = arith.cmpi sge, %bitcast_convert_type3A_811, %ge3A_813 : vector<16xi32>
              %xor3A_815 = arith.constant 2147483647 : i32
              %xor3A_816 = vector.broadcast %xor3A_815 : i32 to vector<16xi32>
              %xor3A_817 = arith.xori %bitcast_convert_type3A_811, %xor3A_816 : vector<16xi32>
              %select_n3A_818 = arith.select %ge3A_814, %bitcast_convert_type3A_811, %xor3A_817 : vector<16xi1>, vector<16xi32>
              %eq3A_819 = arith.cmpi eq, %select_n3A_818, %xor3A_269 : vector<16xi32>
              %mul3A_820 = arith.constant 512 : i32
              %mul3A_821 = arith.muli %scan3A_607, %mul3A_820 : i32
              %add3A_822 = arith.addi %mul3A_821, %scan3A_624 : i32
              %lt3A_823 = vector.broadcast %add3A_822 : i32 to vector<16xi32>
              %lt3A_824 = arith.cmpi slt, %lt3A_823, %or3A_465 : vector<16xi32>
              %and3A_825 = arith.andi %eq3A_819, %lt3A_824 : vector<16xi1>
              %jit3A_826 = arith.constant 1.000000e+00 : f32
              %jit3A_827 = arith.constant 0.000000e+00 : f32
              %broadcast_in_dim3A_828 = vector.broadcast %jit3A_826 : f32 to vector<16xf32>
              %broadcast_in_dim3A_829 = vector.broadcast %jit3A_827 : f32 to vector<16xf32>
              %select_n3A_830 = arith.select %and3A_825, %broadcast_in_dim3A_828, %broadcast_in_dim3A_829 : vector<16xi1>, vector<16xf32>
              %add3A_831 = arith.addf %scan3A_632, %select_n3A_830 : vector<16xf32>
              scf.yield %add3A_656, %add3A_681, %add3A_706, %add3A_731, %add3A_756, %add3A_781, %add3A_806, %add3A_831 : vector<16xf32>, vector<16xf32>, vector<16xf32>, vector<16xf32>, vector<16xf32>, vector<16xf32>, vector<16xf32>, vector<16xf32>
            }
            %scan3A_623 = arith.constant 512 : i32
            scf.yield %scan3A_622#0, %scan3A_622#1, %scan3A_622#2, %scan3A_622#3, %scan3A_622#4, %scan3A_622#5, %scan3A_622#6, %scan3A_622#7 : vector<16xf32>, vector<16xf32>, vector<16xf32>, vector<16xf32>, vector<16xf32>, vector<16xf32>, vector<16xf32>, vector<16xf32>
          }
          %scan3A_511 = arith.constant 8 : i32
          %sub3A_512 = arith.constant 1.000000e+00 : f32
          %sub3A_513 = vector.broadcast %sub3A_512 : f32 to vector<16xf32>
          %sub3A_514 = arith.subf %scan3A_510#0, %sub3A_513 : vector<16xf32>
          %max3A = arith.constant 0.000000e+00 : f32
          %max3A_515 = vector.broadcast %max3A : f32 to vector<16xf32>
          %max3A_516 = arith.maximumf %sub3A_514, %max3A_515 : vector<16xf32>
          %mul3A_517 = arith.mulf %max3A_516, %exp3A : vector<16xf32>
          %add3A_518 = arith.addf %scan3A_314#0, %mul3A_517 : vector<16xf32>
          %lt3A_519 = arith.constant 8.500000e-01 : f32
          %lt3A_520 = vector.broadcast %lt3A_519 : f32 to vector<16xf32>
          %lt3A_521 = arith.cmpf olt, %add3A_518, %lt3A_520 : vector<16xf32>
          %select_n3A_522 = arith.select %lt3A_521, %or3A_451, %scan3A_440 : vector<16xi1>, vector<16xi32>
          %sub3A_523 = arith.constant 1.000000e+00 : f32
          %sub3A_524 = vector.broadcast %sub3A_523 : f32 to vector<16xf32>
          %sub3A_525 = arith.subf %scan3A_510#1, %sub3A_524 : vector<16xf32>
          %max3A_526 = arith.constant 0.000000e+00 : f32
          %max3A_527 = vector.broadcast %max3A_526 : f32 to vector<16xf32>
          %max3A_528 = arith.maximumf %sub3A_525, %max3A_527 : vector<16xf32>
          %mul3A_529 = arith.mulf %max3A_528, %exp3A_331 : vector<16xf32>
          %add3A_530 = arith.addf %scan3A_314#1, %mul3A_529 : vector<16xf32>
          %lt3A_531 = arith.constant 8.500000e-01 : f32
          %lt3A_532 = vector.broadcast %lt3A_531 : f32 to vector<16xf32>
          %lt3A_533 = arith.cmpf olt, %add3A_530, %lt3A_532 : vector<16xf32>
          %select_n3A_534 = arith.select %lt3A_533, %or3A_453, %scan3A_441 : vector<16xi1>, vector<16xi32>
          %sub3A_535 = arith.constant 1.000000e+00 : f32
          %sub3A_536 = vector.broadcast %sub3A_535 : f32 to vector<16xf32>
          %sub3A_537 = arith.subf %scan3A_510#2, %sub3A_536 : vector<16xf32>
          %max3A_538 = arith.constant 0.000000e+00 : f32
          %max3A_539 = vector.broadcast %max3A_538 : f32 to vector<16xf32>
          %max3A_540 = arith.maximumf %sub3A_537, %max3A_539 : vector<16xf32>
          %mul3A_541 = arith.mulf %max3A_540, %exp3A_340 : vector<16xf32>
          %add3A_542 = arith.addf %scan3A_314#2, %mul3A_541 : vector<16xf32>
          %lt3A_543 = arith.constant 8.500000e-01 : f32
          %lt3A_544 = vector.broadcast %lt3A_543 : f32 to vector<16xf32>
          %lt3A_545 = arith.cmpf olt, %add3A_542, %lt3A_544 : vector<16xf32>
          %select_n3A_546 = arith.select %lt3A_545, %or3A_455, %scan3A_442 : vector<16xi1>, vector<16xi32>
          %sub3A_547 = arith.constant 1.000000e+00 : f32
          %sub3A_548 = vector.broadcast %sub3A_547 : f32 to vector<16xf32>
          %sub3A_549 = arith.subf %scan3A_510#3, %sub3A_548 : vector<16xf32>
          %max3A_550 = arith.constant 0.000000e+00 : f32
          %max3A_551 = vector.broadcast %max3A_550 : f32 to vector<16xf32>
          %max3A_552 = arith.maximumf %sub3A_549, %max3A_551 : vector<16xf32>
          %mul3A_553 = arith.mulf %max3A_552, %exp3A_349 : vector<16xf32>
          %add3A_554 = arith.addf %scan3A_314#3, %mul3A_553 : vector<16xf32>
          %lt3A_555 = arith.constant 8.500000e-01 : f32
          %lt3A_556 = vector.broadcast %lt3A_555 : f32 to vector<16xf32>
          %lt3A_557 = arith.cmpf olt, %add3A_554, %lt3A_556 : vector<16xf32>
          %select_n3A_558 = arith.select %lt3A_557, %or3A_457, %scan3A_443 : vector<16xi1>, vector<16xi32>
          %sub3A_559 = arith.constant 1.000000e+00 : f32
          %sub3A_560 = vector.broadcast %sub3A_559 : f32 to vector<16xf32>
          %sub3A_561 = arith.subf %scan3A_510#4, %sub3A_560 : vector<16xf32>
          %max3A_562 = arith.constant 0.000000e+00 : f32
          %max3A_563 = vector.broadcast %max3A_562 : f32 to vector<16xf32>
          %max3A_564 = arith.maximumf %sub3A_561, %max3A_563 : vector<16xf32>
          %mul3A_565 = arith.mulf %max3A_564, %exp3A_358 : vector<16xf32>
          %add3A_566 = arith.addf %scan3A_314#4, %mul3A_565 : vector<16xf32>
          %lt3A_567 = arith.constant 8.500000e-01 : f32
          %lt3A_568 = vector.broadcast %lt3A_567 : f32 to vector<16xf32>
          %lt3A_569 = arith.cmpf olt, %add3A_566, %lt3A_568 : vector<16xf32>
          %select_n3A_570 = arith.select %lt3A_569, %or3A_459, %scan3A_444 : vector<16xi1>, vector<16xi32>
          %sub3A_571 = arith.constant 1.000000e+00 : f32
          %sub3A_572 = vector.broadcast %sub3A_571 : f32 to vector<16xf32>
          %sub3A_573 = arith.subf %scan3A_510#5, %sub3A_572 : vector<16xf32>
          %max3A_574 = arith.constant 0.000000e+00 : f32
          %max3A_575 = vector.broadcast %max3A_574 : f32 to vector<16xf32>
          %max3A_576 = arith.maximumf %sub3A_573, %max3A_575 : vector<16xf32>
          %mul3A_577 = arith.mulf %max3A_576, %exp3A_367 : vector<16xf32>
          %add3A_578 = arith.addf %scan3A_314#5, %mul3A_577 : vector<16xf32>
          %lt3A_579 = arith.constant 8.500000e-01 : f32
          %lt3A_580 = vector.broadcast %lt3A_579 : f32 to vector<16xf32>
          %lt3A_581 = arith.cmpf olt, %add3A_578, %lt3A_580 : vector<16xf32>
          %select_n3A_582 = arith.select %lt3A_581, %or3A_461, %scan3A_445 : vector<16xi1>, vector<16xi32>
          %sub3A_583 = arith.constant 1.000000e+00 : f32
          %sub3A_584 = vector.broadcast %sub3A_583 : f32 to vector<16xf32>
          %sub3A_585 = arith.subf %scan3A_510#6, %sub3A_584 : vector<16xf32>
          %max3A_586 = arith.constant 0.000000e+00 : f32
          %max3A_587 = vector.broadcast %max3A_586 : f32 to vector<16xf32>
          %max3A_588 = arith.maximumf %sub3A_585, %max3A_587 : vector<16xf32>
          %mul3A_589 = arith.mulf %max3A_588, %exp3A_376 : vector<16xf32>
          %add3A_590 = arith.addf %scan3A_314#6, %mul3A_589 : vector<16xf32>
          %lt3A_591 = arith.constant 8.500000e-01 : f32
          %lt3A_592 = vector.broadcast %lt3A_591 : f32 to vector<16xf32>
          %lt3A_593 = arith.cmpf olt, %add3A_590, %lt3A_592 : vector<16xf32>
          %select_n3A_594 = arith.select %lt3A_593, %or3A_463, %scan3A_446 : vector<16xi1>, vector<16xi32>
          %sub3A_595 = arith.constant 1.000000e+00 : f32
          %sub3A_596 = vector.broadcast %sub3A_595 : f32 to vector<16xf32>
          %sub3A_597 = arith.subf %scan3A_510#7, %sub3A_596 : vector<16xf32>
          %max3A_598 = arith.constant 0.000000e+00 : f32
          %max3A_599 = vector.broadcast %max3A_598 : f32 to vector<16xf32>
          %max3A_600 = arith.maximumf %sub3A_597, %max3A_599 : vector<16xf32>
          %mul3A_601 = arith.mulf %max3A_600, %exp3A_385 : vector<16xf32>
          %add3A_602 = arith.addf %scan3A_314#7, %mul3A_601 : vector<16xf32>
          %lt3A_603 = arith.constant 8.500000e-01 : f32
          %lt3A_604 = vector.broadcast %lt3A_603 : f32 to vector<16xf32>
          %lt3A_605 = arith.cmpf olt, %add3A_602, %lt3A_604 : vector<16xf32>
          %select_n3A_606 = arith.select %lt3A_605, %or3A_465, %scan3A_447 : vector<16xi1>, vector<16xi32>
          scf.yield %select_n3A_522, %select_n3A_534, %select_n3A_546, %select_n3A_558, %select_n3A_570, %select_n3A_582, %select_n3A_594, %select_n3A_606 : vector<16xi32>, vector<16xi32>, vector<16xi32>, vector<16xi32>, vector<16xi32>, vector<16xi32>, vector<16xi32>, vector<16xi32>
        }
        %scan3A_431 = arith.constant 13 : i32
        %scan3A_432 = arith.constant 0 : i32
        %scan3A_433 = arith.constant 0 : i32
        %scan3A_434 = arith.constant 8 : i32
        %scan3A_435 = arith.addi %scan3A_433, %scan3A_434 : i32
        %scan3A_436 = arith.constant 1 : i32
        %scan3A_437 = scf.for %scan3A_439 = %scan3A_433 to %scan3A_435 step %scan3A_436 iter_args(%scan3A_440 = %scan3A_432) -> (i32)  : i32 {
          %mul3A_441 = arith.constant 512 : i32
          %mul3A_442 = arith.muli %scan3A_439, %mul3A_441 : i32
          "tpu.region"() ({
            %run_scoped3A_453 = tpu.sem_alloc : memref<!tpu.dma_semaphore, #tpu.memory_space<semaphore_mem>>
            %dma_start3A = tpu.memref_slice %arg2[%select_n3A, %mul3A_442, %mul3A_33] : memref<8x4096x512xf32, #tpu.memory_space<hbm>> -> memref<1x512x128xf32, #tpu.memory_space<hbm>>
            %dma_start3A_454 = tpu.memref_squeeze %dma_start3A : memref<1x512x128xf32, #tpu.memory_space<hbm>> -> memref<512x128xf32, #tpu.memory_space<hbm>>
            %dma_start3A_455 = tpu.memref_slice %arg2[%select_n3A, %mul3A_442, %mul3A_33] : memref<8x4096x512xf32, #tpu.memory_space<hbm>> -> memref<1x512x128xf32, #tpu.memory_space<hbm>>
            %dma_start3A_456 = tpu.memref_squeeze %dma_start3A_455 : memref<1x512x128xf32, #tpu.memory_space<hbm>> -> memref<512x128xf32, #tpu.memory_space<hbm>>
            tpu.enqueue_dma source(%dma_start3A_456 : memref<512x128xf32, #tpu.memory_space<hbm>>) target(%run_scoped3A : memref<512x128xf32, #tpu.memory_space<vmem>>) target_semaphore(%run_scoped3A_453 : memref<!tpu.dma_semaphore, #tpu.memory_space<semaphore_mem>>)
            %dma_wait3A = tpu.memref_slice %arg2[%select_n3A, %mul3A_442, %mul3A_33] : memref<8x4096x512xf32, #tpu.memory_space<hbm>> -> memref<1x512x128xf32, #tpu.memory_space<hbm>>
            %dma_wait3A_457 = tpu.memref_squeeze %dma_wait3A : memref<1x512x128xf32, #tpu.memory_space<hbm>> -> memref<512x128xf32, #tpu.memory_space<hbm>>
            %dma_wait3A_458 = tpu.memref_slice %arg2[%select_n3A, %mul3A_442, %mul3A_33] : memref<8x4096x512xf32, #tpu.memory_space<hbm>> -> memref<1x512x128xf32, #tpu.memory_space<hbm>>
            %dma_wait3A_459 = tpu.memref_squeeze %dma_wait3A_458 : memref<1x512x128xf32, #tpu.memory_space<hbm>> -> memref<512x128xf32, #tpu.memory_space<hbm>>
            tpu.wait_dma2 semaphore(%run_scoped3A_453 : memref<!tpu.dma_semaphore, #tpu.memory_space<semaphore_mem>>) src(%dma_wait3A_459 : memref<512x128xf32, #tpu.memory_space<hbm>>) dst(%run_scoped3A : memref<512x128xf32, #tpu.memory_space<vmem>>)
            tpu.yield
          }) : () -> ()
          %scan3A_443 = arith.constant 0 : i32
          %scan3A_444 = arith.constant 0 : i32
          %scan3A_445 = arith.constant 512 : i32
          %scan3A_446 = arith.addi %scan3A_444, %scan3A_445 : i32
          %scan3A_447 = arith.constant 1 : i32
          %scan3A_448 = scf.for %scan3A_453 = %scan3A_444 to %scan3A_446 step %scan3A_447 iter_args(%scan3A_454 = %scan3A_443) -> (i32)  : i32 {
            %get3A = arith.index_cast %scan3A_453 : i32 to index
            %get3A_455 = arith.constant 0 : index
            %get3A_456 = tpu.vector_load %run_scoped3A[%get3A, %get3A_455] {strides = array<i32>} : memref<512x128xf32, #tpu.memory_space<vmem>>, vector<1x16xf32>,
            %get3A_457 = vector.shape_cast %get3A_456 : vector<1x16xf32> to vector<16xf32>
            %bitcast_convert_type3A_458 = tpu.bitcast %get3A_457 : vector<16xf32> -> vector<16xi32>
            %ge3A_459 = arith.constant 0 : i32
            %ge3A_460 = vector.broadcast %ge3A_459 : i32 to vector<16xi32>
            %ge3A_461 = arith.cmpi sge, %bitcast_convert_type3A_458, %ge3A_460 : vector<16xi32>
            %xor3A_462 = arith.constant 2147483647 : i32
            %xor3A_463 = vector.broadcast %xor3A_462 : i32 to vector<16xi32>
            %xor3A_464 = arith.xori %bitcast_convert_type3A_458, %xor3A_463 : vector<16xi32>
            %select_n3A_465 = arith.select %ge3A_461, %bitcast_convert_type3A_458, %xor3A_464 : vector<16xi1>, vector<16xi32>
            %gt3A = arith.cmpi sgt, %select_n3A_465, %xor3A_248 : vector<16xi32>
            %eq3A_466 = arith.cmpi eq, %select_n3A_465, %xor3A_248 : vector<16xi32>
            %mul3A_467 = arith.constant 512 : i32
            %mul3A_468 = arith.muli %scan3A_439, %mul3A_467 : i32
            %add3A_469 = arith.addi %mul3A_468, %scan3A_453 : i32
            %lt3A_470 = vector.broadcast %add3A_469 : i32 to vector<16xi32>
            %lt3A_471 = arith.cmpi slt, %lt3A_470, %scan3A_430#0 : vector<16xi32>
            %and3A_472 = arith.andi %eq3A_466, %lt3A_471 : vector<16xi1>
            %or3A = arith.ori %gt3A, %and3A_472 : vector<16xi1>
            %jit3A_473 = arith.constant -7.000000e+01 : f32
            %broadcast_in_dim3A_474 = vector.broadcast %jit3A_473 : f32 to vector<16xf32>
            %select_n3A_475 = arith.select %or3A, %get3A_457, %broadcast_in_dim3A_474 : vector<16xi1>, vector<16xf32>
            %swap3A = arith.index_cast %scan3A_453 : i32 to index
            %swap3A_476 = arith.constant 0 : index
            %swap3A_477 = tpu.vector_load %run_scoped3A[%swap3A, %swap3A_476] {strides = array<i32>} : memref<512x128xf32, #tpu.memory_space<vmem>>, vector<1x16xf32>,
            %swap3A_478 = vector.shape_cast %swap3A_477 : vector<1x16xf32> to vector<16xf32>
            %swap3A_479 = vector.shape_cast %select_n3A_475 : vector<16xf32> to vector<1x16xf32>
            tpu.vector_store %run_scoped3A[%swap3A, %swap3A_476], %swap3A_479 {strides = array<i32>} : memref<512x128xf32, #tpu.memory_space<vmem>>, vector<1x16xf32>,
            %get3A_480 = arith.index_cast %scan3A_453 : i32 to index
            %get3A_481 = arith.constant 16 : index
            %get3A_482 = tpu.vector_load %run_scoped3A[%get3A_480, %get3A_481] {strides = array<i32>} : memref<512x128xf32, #tpu.memory_space<vmem>>, vector<1x16xf32>,
            %get3A_483 = vector.shape_cast %get3A_482 : vector<1x16xf32> to vector<16xf32>
            %bitcast_convert_type3A_484 = tpu.bitcast %get3A_483 : vector<16xf32> -> vector<16xi32>
            %ge3A_485 = arith.constant 0 : i32
            %ge3A_486 = vector.broadcast %ge3A_485 : i32 to vector<16xi32>
            %ge3A_487 = arith.cmpi sge, %bitcast_convert_type3A_484, %ge3A_486 : vector<16xi32>
            %xor3A_488 = arith.constant 2147483647 : i32
            %xor3A_489 = vector.broadcast %xor3A_488 : i32 to vector<16xi32>
            %xor3A_490 = arith.xori %bitcast_convert_type3A_484, %xor3A_489 : vector<16xi32>
            %select_n3A_491 = arith.select %ge3A_487, %bitcast_convert_type3A_484, %xor3A_490 : vector<16xi1>, vector<16xi32>
            %gt3A_492 = arith.cmpi sgt, %select_n3A_491, %xor3A_251 : vector<16xi32>
            %eq3A_493 = arith.cmpi eq, %select_n3A_491, %xor3A_251 : vector<16xi32>
            %mul3A_494 = arith.constant 512 : i32
            %mul3A_495 = arith.muli %scan3A_439, %mul3A_494 : i32
            %add3A_496 = arith.addi %mul3A_495, %scan3A_453 : i32
            %lt3A_497 = vector.broadcast %add3A_496 : i32 to vector<16xi32>
            %lt3A_498 = arith.cmpi slt, %lt3A_497, %scan3A_430#1 : vector<16xi32>
            %and3A_499 = arith.andi %eq3A_493, %lt3A_498 : vector<16xi1>
            %or3A_500 = arith.ori %gt3A_492, %and3A_499 : vector<16xi1>
            %jit3A_501 = arith.constant -7.000000e+01 : f32
            %broadcast_in_dim3A_502 = vector.broadcast %jit3A_501 : f32 to vector<16xf32>
            %select_n3A_503 = arith.select %or3A_500, %get3A_483, %broadcast_in_dim3A_502 : vector<16xi1>, vector<16xf32>
            %swap3A_504 = arith.index_cast %scan3A_453 : i32 to index
            %swap3A_505 = arith.constant 16 : index
            %swap3A_506 = tpu.vector_load %run_scoped3A[%swap3A_504, %swap3A_505] {strides = array<i32>} : memref<512x128xf32, #tpu.memory_space<vmem>>, vector<1x16xf32>,
            %swap3A_507 = vector.shape_cast %swap3A_506 : vector<1x16xf32> to vector<16xf32>
            %swap3A_508 = vector.shape_cast %select_n3A_503 : vector<16xf32> to vector<1x16xf32>
            tpu.vector_store %run_scoped3A[%swap3A_504, %swap3A_505], %swap3A_508 {strides = array<i32>} : memref<512x128xf32, #tpu.memory_space<vmem>>, vector<1x16xf32>,
            %get3A_509 = arith.index_cast %scan3A_453 : i32 to index
            %get3A_510 = arith.constant 32 : index
            %get3A_511 = tpu.vector_load %run_scoped3A[%get3A_509, %get3A_510] {strides = array<i32>} : memref<512x128xf32, #tpu.memory_space<vmem>>, vector<1x16xf32>,
            %get3A_512 = vector.shape_cast %get3A_511 : vector<1x16xf32> to vector<16xf32>
            %bitcast_convert_type3A_513 = tpu.bitcast %get3A_512 : vector<16xf32> -> vector<16xi32>
            %ge3A_514 = arith.constant 0 : i32
            %ge3A_515 = vector.broadcast %ge3A_514 : i32 to vector<16xi32>
            %ge3A_516 = arith.cmpi sge, %bitcast_convert_type3A_513, %ge3A_515 : vector<16xi32>
            %xor3A_517 = arith.constant 2147483647 : i32
            %xor3A_518 = vector.broadcast %xor3A_517 : i32 to vector<16xi32>
            %xor3A_519 = arith.xori %bitcast_convert_type3A_513, %xor3A_518 : vector<16xi32>
            %select_n3A_520 = arith.select %ge3A_516, %bitcast_convert_type3A_513, %xor3A_519 : vector<16xi1>, vector<16xi32>
            %gt3A_521 = arith.cmpi sgt, %select_n3A_520, %xor3A_254 : vector<16xi32>
            %eq3A_522 = arith.cmpi eq, %select_n3A_520, %xor3A_254 : vector<16xi32>
            %mul3A_523 = arith.constant 512 : i32
            %mul3A_524 = arith.muli %scan3A_439, %mul3A_523 : i32
            %add3A_525 = arith.addi %mul3A_524, %scan3A_453 : i32
            %lt3A_526 = vector.broadcast %add3A_525 : i32 to vector<16xi32>
            %lt3A_527 = arith.cmpi slt, %lt3A_526, %scan3A_430#2 : vector<16xi32>
            %and3A_528 = arith.andi %eq3A_522, %lt3A_527 : vector<16xi1>
            %or3A_529 = arith.ori %gt3A_521, %and3A_528 : vector<16xi1>
            %jit3A_530 = arith.constant -7.000000e+01 : f32
            %broadcast_in_dim3A_531 = vector.broadcast %jit3A_530 : f32 to vector<16xf32>
            %select_n3A_532 = arith.select %or3A_529, %get3A_512, %broadcast_in_dim3A_531 : vector<16xi1>, vector<16xf32>
            %swap3A_533 = arith.index_cast %scan3A_453 : i32 to index
            %swap3A_534 = arith.constant 32 : index
            %swap3A_535 = tpu.vector_load %run_scoped3A[%swap3A_533, %swap3A_534] {strides = array<i32>} : memref<512x128xf32, #tpu.memory_space<vmem>>, vector<1x16xf32>,
            %swap3A_536 = vector.shape_cast %swap3A_535 : vector<1x16xf32> to vector<16xf32>
            %swap3A_537 = vector.shape_cast %select_n3A_532 : vector<16xf32> to vector<1x16xf32>
            tpu.vector_store %run_scoped3A[%swap3A_533, %swap3A_534], %swap3A_537 {strides = array<i32>} : memref<512x128xf32, #tpu.memory_space<vmem>>, vector<1x16xf32>,
            %get3A_538 = arith.index_cast %scan3A_453 : i32 to index
            %get3A_539 = arith.constant 48 : index
            %get3A_540 = tpu.vector_load %run_scoped3A[%get3A_538, %get3A_539] {strides = array<i32>} : memref<512x128xf32, #tpu.memory_space<vmem>>, vector<1x16xf32>,
            %get3A_541 = vector.shape_cast %get3A_540 : vector<1x16xf32> to vector<16xf32>
            %bitcast_convert_type3A_542 = tpu.bitcast %get3A_541 : vector<16xf32> -> vector<16xi32>
            %ge3A_543 = arith.constant 0 : i32
            %ge3A_544 = vector.broadcast %ge3A_543 : i32 to vector<16xi32>
            %ge3A_545 = arith.cmpi sge, %bitcast_convert_type3A_542, %ge3A_544 : vector<16xi32>
            %xor3A_546 = arith.constant 2147483647 : i32
            %xor3A_547 = vector.broadcast %xor3A_546 : i32 to vector<16xi32>
            %xor3A_548 = arith.xori %bitcast_convert_type3A_542, %xor3A_547 : vector<16xi32>
            %select_n3A_549 = arith.select %ge3A_545, %bitcast_convert_type3A_542, %xor3A_548 : vector<16xi1>, vector<16xi32>
            %gt3A_550 = arith.cmpi sgt, %select_n3A_549, %xor3A_257 : vector<16xi32>
            %eq3A_551 = arith.cmpi eq, %select_n3A_549, %xor3A_257 : vector<16xi32>
            %mul3A_552 = arith.constant 512 : i32
            %mul3A_553 = arith.muli %scan3A_439, %mul3A_552 : i32
            %add3A_554 = arith.addi %mul3A_553, %scan3A_453 : i32
            %lt3A_555 = vector.broadcast %add3A_554 : i32 to vector<16xi32>
            %lt3A_556 = arith.cmpi slt, %lt3A_555, %scan3A_430#3 : vector<16xi32>
            %and3A_557 = arith.andi %eq3A_551, %lt3A_556 : vector<16xi1>
            %or3A_558 = arith.ori %gt3A_550, %and3A_557 : vector<16xi1>
            %jit3A_559 = arith.constant -7.000000e+01 : f32
            %broadcast_in_dim3A_560 = vector.broadcast %jit3A_559 : f32 to vector<16xf32>
            %select_n3A_561 = arith.select %or3A_558, %get3A_541, %broadcast_in_dim3A_560 : vector<16xi1>, vector<16xf32>
            %swap3A_562 = arith.index_cast %scan3A_453 : i32 to index
            %swap3A_563 = arith.constant 48 : index
            %swap3A_564 = tpu.vector_load %run_scoped3A[%swap3A_562, %swap3A_563] {strides = array<i32>} : memref<512x128xf32, #tpu.memory_space<vmem>>, vector<1x16xf32>,
            %swap3A_565 = vector.shape_cast %swap3A_564 : vector<1x16xf32> to vector<16xf32>
            %swap3A_566 = vector.shape_cast %select_n3A_561 : vector<16xf32> to vector<1x16xf32>
            tpu.vector_store %run_scoped3A[%swap3A_562, %swap3A_563], %swap3A_566 {strides = array<i32>} : memref<512x128xf32, #tpu.memory_space<vmem>>, vector<1x16xf32>,
            %get3A_567 = arith.index_cast %scan3A_453 : i32 to index
            %get3A_568 = arith.constant 64 : index
            %get3A_569 = tpu.vector_load %run_scoped3A[%get3A_567, %get3A_568] {strides = array<i32>} : memref<512x128xf32, #tpu.memory_space<vmem>>, vector<1x16xf32>,
            %get3A_570 = vector.shape_cast %get3A_569 : vector<1x16xf32> to vector<16xf32>
            %bitcast_convert_type3A_571 = tpu.bitcast %get3A_570 : vector<16xf32> -> vector<16xi32>
            %ge3A_572 = arith.constant 0 : i32
            %ge3A_573 = vector.broadcast %ge3A_572 : i32 to vector<16xi32>
            %ge3A_574 = arith.cmpi sge, %bitcast_convert_type3A_571, %ge3A_573 : vector<16xi32>
            %xor3A_575 = arith.constant 2147483647 : i32
            %xor3A_576 = vector.broadcast %xor3A_575 : i32 to vector<16xi32>
            %xor3A_577 = arith.xori %bitcast_convert_type3A_571, %xor3A_576 : vector<16xi32>
            %select_n3A_578 = arith.select %ge3A_574, %bitcast_convert_type3A_571, %xor3A_577 : vector<16xi1>, vector<16xi32>
            %gt3A_579 = arith.cmpi sgt, %select_n3A_578, %xor3A_260 : vector<16xi32>
            %eq3A_580 = arith.cmpi eq, %select_n3A_578, %xor3A_260 : vector<16xi32>
            %mul3A_581 = arith.constant 512 : i32
            %mul3A_582 = arith.muli %scan3A_439, %mul3A_581 : i32
            %add3A_583 = arith.addi %mul3A_582, %scan3A_453 : i32
            %lt3A_584 = vector.broadcast %add3A_583 : i32 to vector<16xi32>
            %lt3A_585 = arith.cmpi slt, %lt3A_584, %scan3A_430#4 : vector<16xi32>
            %and3A_586 = arith.andi %eq3A_580, %lt3A_585 : vector<16xi1>
            %or3A_587 = arith.ori %gt3A_579, %and3A_586 : vector<16xi1>
            %jit3A_588 = arith.constant -7.000000e+01 : f32
            %broadcast_in_dim3A_589 = vector.broadcast %jit3A_588 : f32 to vector<16xf32>
            %select_n3A_590 = arith.select %or3A_587, %get3A_570, %broadcast_in_dim3A_589 : vector<16xi1>, vector<16xf32>
            %swap3A_591 = arith.index_cast %scan3A_453 : i32 to index
            %swap3A_592 = arith.constant 64 : index
            %swap3A_593 = tpu.vector_load %run_scoped3A[%swap3A_591, %swap3A_592] {strides = array<i32>} : memref<512x128xf32, #tpu.memory_space<vmem>>, vector<1x16xf32>,
            %swap3A_594 = vector.shape_cast %swap3A_593 : vector<1x16xf32> to vector<16xf32>
            %swap3A_595 = vector.shape_cast %select_n3A_590 : vector<16xf32> to vector<1x16xf32>
            tpu.vector_store %run_scoped3A[%swap3A_591, %swap3A_592], %swap3A_595 {strides = array<i32>} : memref<512x128xf32, #tpu.memory_space<vmem>>, vector<1x16xf32>,
            %get3A_596 = arith.index_cast %scan3A_453 : i32 to index
            %get3A_597 = arith.constant 80 : index
            %get3A_598 = tpu.vector_load %run_scoped3A[%get3A_596, %get3A_597] {strides = array<i32>} : memref<512x128xf32, #tpu.memory_space<vmem>>, vector<1x16xf32>,
            %get3A_599 = vector.shape_cast %get3A_598 : vector<1x16xf32> to vector<16xf32>
            %bitcast_convert_type3A_600 = tpu.bitcast %get3A_599 : vector<16xf32> -> vector<16xi32>
            %ge3A_601 = arith.constant 0 : i32
            %ge3A_602 = vector.broadcast %ge3A_601 : i32 to vector<16xi32>
            %ge3A_603 = arith.cmpi sge, %bitcast_convert_type3A_600, %ge3A_602 : vector<16xi32>
            %xor3A_604 = arith.constant 2147483647 : i32
            %xor3A_605 = vector.broadcast %xor3A_604 : i32 to vector<16xi32>
            %xor3A_606 = arith.xori %bitcast_convert_type3A_600, %xor3A_605 : vector<16xi32>
            %select_n3A_607 = arith.select %ge3A_603, %bitcast_convert_type3A_600, %xor3A_606 : vector<16xi1>, vector<16xi32>
            %gt3A_608 = arith.cmpi sgt, %select_n3A_607, %xor3A_263 : vector<16xi32>
            %eq3A_609 = arith.cmpi eq, %select_n3A_607, %xor3A_263 : vector<16xi32>
            %mul3A_610 = arith.constant 512 : i32
            %mul3A_611 = arith.muli %scan3A_439, %mul3A_610 : i32
            %add3A_612 = arith.addi %mul3A_611, %scan3A_453 : i32
            %lt3A_613 = vector.broadcast %add3A_612 : i32 to vector<16xi32>
            %lt3A_614 = arith.cmpi slt, %lt3A_613, %scan3A_430#5 : vector<16xi32>
            %and3A_615 = arith.andi %eq3A_609, %lt3A_614 : vector<16xi1>
            %or3A_616 = arith.ori %gt3A_608, %and3A_615 : vector<16xi1>
            %jit3A_617 = arith.constant -7.000000e+01 : f32
            %broadcast_in_dim3A_618 = vector.broadcast %jit3A_617 : f32 to vector<16xf32>
            %select_n3A_619 = arith.select %or3A_616, %get3A_599, %broadcast_in_dim3A_618 : vector<16xi1>, vector<16xf32>
            %swap3A_620 = arith.index_cast %scan3A_453 : i32 to index
            %swap3A_621 = arith.constant 80 : index
            %swap3A_622 = tpu.vector_load %run_scoped3A[%swap3A_620, %swap3A_621] {strides = array<i32>} : memref<512x128xf32, #tpu.memory_space<vmem>>, vector<1x16xf32>,
            %swap3A_623 = vector.shape_cast %swap3A_622 : vector<1x16xf32> to vector<16xf32>
            %swap3A_624 = vector.shape_cast %select_n3A_619 : vector<16xf32> to vector<1x16xf32>
            tpu.vector_store %run_scoped3A[%swap3A_620, %swap3A_621], %swap3A_624 {strides = array<i32>} : memref<512x128xf32, #tpu.memory_space<vmem>>, vector<1x16xf32>,
            %get3A_625 = arith.index_cast %scan3A_453 : i32 to index
            %get3A_626 = arith.constant 96 : index
            %get3A_627 = tpu.vector_load %run_scoped3A[%get3A_625, %get3A_626] {strides = array<i32>} : memref<512x128xf32, #tpu.memory_space<vmem>>, vector<1x16xf32>,
            %get3A_628 = vector.shape_cast %get3A_627 : vector<1x16xf32> to vector<16xf32>
            %bitcast_convert_type3A_629 = tpu.bitcast %get3A_628 : vector<16xf32> -> vector<16xi32>
            %ge3A_630 = arith.constant 0 : i32
            %ge3A_631 = vector.broadcast %ge3A_630 : i32 to vector<16xi32>
            %ge3A_632 = arith.cmpi sge, %bitcast_convert_type3A_629, %ge3A_631 : vector<16xi32>
            %xor3A_633 = arith.constant 2147483647 : i32
            %xor3A_634 = vector.broadcast %xor3A_633 : i32 to vector<16xi32>
            %xor3A_635 = arith.xori %bitcast_convert_type3A_629, %xor3A_634 : vector<16xi32>
            %select_n3A_636 = arith.select %ge3A_632, %bitcast_convert_type3A_629, %xor3A_635 : vector<16xi1>, vector<16xi32>
            %gt3A_637 = arith.cmpi sgt, %select_n3A_636, %xor3A_266 : vector<16xi32>
            %eq3A_638 = arith.cmpi eq, %select_n3A_636, %xor3A_266 : vector<16xi32>
            %mul3A_639 = arith.constant 512 : i32
            %mul3A_640 = arith.muli %scan3A_439, %mul3A_639 : i32
            %add3A_641 = arith.addi %mul3A_640, %scan3A_453 : i32
            %lt3A_642 = vector.broadcast %add3A_641 : i32 to vector<16xi32>
            %lt3A_643 = arith.cmpi slt, %lt3A_642, %scan3A_430#6 : vector<16xi32>
            %and3A_644 = arith.andi %eq3A_638, %lt3A_643 : vector<16xi1>
            %or3A_645 = arith.ori %gt3A_637, %and3A_644 : vector<16xi1>
            %jit3A_646 = arith.constant -7.000000e+01 : f32
            %broadcast_in_dim3A_647 = vector.broadcast %jit3A_646 : f32 to vector<16xf32>
            %select_n3A_648 = arith.select %or3A_645, %get3A_628, %broadcast_in_dim3A_647 : vector<16xi1>, vector<16xf32>
            %swap3A_649 = arith.index_cast %scan3A_453 : i32 to index
            %swap3A_650 = arith.constant 96 : index
            %swap3A_651 = tpu.vector_load %run_scoped3A[%swap3A_649, %swap3A_650] {strides = array<i32>} : memref<512x128xf32, #tpu.memory_space<vmem>>, vector<1x16xf32>,
            %swap3A_652 = vector.shape_cast %swap3A_651 : vector<1x16xf32> to vector<16xf32>
            %swap3A_653 = vector.shape_cast %select_n3A_648 : vector<16xf32> to vector<1x16xf32>
            tpu.vector_store %run_scoped3A[%swap3A_649, %swap3A_650], %swap3A_653 {strides = array<i32>} : memref<512x128xf32, #tpu.memory_space<vmem>>, vector<1x16xf32>,
            %get3A_654 = arith.index_cast %scan3A_453 : i32 to index
            %get3A_655 = arith.constant 112 : index
            %get3A_656 = tpu.vector_load %run_scoped3A[%get3A_654, %get3A_655] {strides = array<i32>} : memref<512x128xf32, #tpu.memory_space<vmem>>, vector<1x16xf32>,
            %get3A_657 = vector.shape_cast %get3A_656 : vector<1x16xf32> to vector<16xf32>
            %bitcast_convert_type3A_658 = tpu.bitcast %get3A_657 : vector<16xf32> -> vector<16xi32>
            %ge3A_659 = arith.constant 0 : i32
            %ge3A_660 = vector.broadcast %ge3A_659 : i32 to vector<16xi32>
            %ge3A_661 = arith.cmpi sge, %bitcast_convert_type3A_658, %ge3A_660 : vector<16xi32>
            %xor3A_662 = arith.constant 2147483647 : i32
            %xor3A_663 = vector.broadcast %xor3A_662 : i32 to vector<16xi32>
            %xor3A_664 = arith.xori %bitcast_convert_type3A_658, %xor3A_663 : vector<16xi32>
            %select_n3A_665 = arith.select %ge3A_661, %bitcast_convert_type3A_658, %xor3A_664 : vector<16xi1>, vector<16xi32>
            %gt3A_666 = arith.cmpi sgt, %select_n3A_665, %xor3A_269 : vector<16xi32>
            %eq3A_667 = arith.cmpi eq, %select_n3A_665, %xor3A_269 : vector<16xi32>
            %mul3A_668 = arith.constant 512 : i32
            %mul3A_669 = arith.muli %scan3A_439, %mul3A_668 : i32
            %add3A_670 = arith.addi %mul3A_669, %scan3A_453 : i32
            %lt3A_671 = vector.broadcast %add3A_670 : i32 to vector<16xi32>
            %lt3A_672 = arith.cmpi slt, %lt3A_671, %scan3A_430#7 : vector<16xi32>
            %and3A_673 = arith.andi %eq3A_667, %lt3A_672 : vector<16xi1>
            %or3A_674 = arith.ori %gt3A_666, %and3A_673 : vector<16xi1>
            %jit3A_675 = arith.constant -7.000000e+01 : f32
            %broadcast_in_dim3A_676 = vector.broadcast %jit3A_675 : f32 to vector<16xf32>
            %select_n3A_677 = arith.select %or3A_674, %get3A_657, %broadcast_in_dim3A_676 : vector<16xi1>, vector<16xf32>
            %swap3A_678 = arith.index_cast %scan3A_453 : i32 to index
            %swap3A_679 = arith.constant 112 : index
            %swap3A_680 = tpu.vector_load %run_scoped3A[%swap3A_678, %swap3A_679] {strides = array<i32>} : memref<512x128xf32, #tpu.memory_space<vmem>>, vector<1x16xf32>,
            %swap3A_681 = vector.shape_cast %swap3A_680 : vector<1x16xf32> to vector<16xf32>
            %swap3A_682 = vector.shape_cast %select_n3A_677 : vector<16xf32> to vector<1x16xf32>
            tpu.vector_store %run_scoped3A[%swap3A_678, %swap3A_679], %swap3A_682 {strides = array<i32>} : memref<512x128xf32, #tpu.memory_space<vmem>>, vector<1x16xf32>,
            %scan3A_683 = arith.constant 0 : i32
            scf.yield %scan3A_683 : i32
          }
          %scan3A_449 = arith.constant 512 : i32
          %mul3A_450 = arith.constant 512 : i32
          %mul3A_451 = arith.muli %scan3A_439, %mul3A_450 : i32
          "tpu.region"() ({
            %run_scoped3A_453 = tpu.sem_alloc : memref<!tpu.dma_semaphore, #tpu.memory_space<semaphore_mem>>
            %dma_start3A = tpu.memref_slice %arg3[%select_n3A, %mul3A_451, %mul3A_33] : memref<8x4096x512xf32, #tpu.memory_space<hbm>> -> memref<1x512x128xf32, #tpu.memory_space<hbm>>
            %dma_start3A_454 = tpu.memref_squeeze %dma_start3A : memref<1x512x128xf32, #tpu.memory_space<hbm>> -> memref<512x128xf32, #tpu.memory_space<hbm>>
            %dma_start3A_455 = tpu.memref_slice %arg3[%select_n3A, %mul3A_451, %mul3A_33] : memref<8x4096x512xf32, #tpu.memory_space<hbm>> -> memref<1x512x128xf32, #tpu.memory_space<hbm>>
            %dma_start3A_456 = tpu.memref_squeeze %dma_start3A_455 : memref<1x512x128xf32, #tpu.memory_space<hbm>> -> memref<512x128xf32, #tpu.memory_space<hbm>>
            tpu.enqueue_dma source(%run_scoped3A : memref<512x128xf32, #tpu.memory_space<vmem>>) target(%dma_start3A_456 : memref<512x128xf32, #tpu.memory_space<hbm>>) target_semaphore(%run_scoped3A_453 : memref<!tpu.dma_semaphore, #tpu.memory_space<semaphore_mem>>)
            %dma_wait3A = tpu.memref_slice %arg3[%select_n3A, %mul3A_451, %mul3A_33] : memref<8x4096x512xf32, #tpu.memory_space<hbm>> -> memref<1x512x128xf32, #tpu.memory_space<hbm>>
            %dma_wait3A_457 = tpu.memref_squeeze %dma_wait3A : memref<1x512x128xf32, #tpu.memory_space<hbm>> -> memref<512x128xf32, #tpu.memory_space<hbm>>
            %dma_wait3A_458 = tpu.memref_slice %arg3[%select_n3A, %mul3A_451, %mul3A_33] : memref<8x4096x512xf32, #tpu.memory_space<hbm>> -> memref<1x512x128xf32, #tpu.memory_space<hbm>>
            %dma_wait3A_459 = tpu.memref_squeeze %dma_wait3A_458 : memref<1x512x128xf32, #tpu.memory_space<hbm>> -> memref<512x128xf32, #tpu.memory_space<hbm>>
            tpu.wait_dma2 semaphore(%run_scoped3A_453 : memref<!tpu.dma_semaphore, #tpu.memory_space<semaphore_mem>>) src(%run_scoped3A : memref<512x128xf32, #tpu.memory_space<vmem>>) dst(%dma_wait3A_459 : memref<512x128xf32, #tpu.memory_space<hbm>>)
            tpu.yield
          }) : () -> ()
          %scan3A_452 = arith.constant 0 : i32
          scf.yield %scan3A_452 : i32
        }
        %scan3A_438 = arith.constant 8 : i32
      }
      tpu.yield
    }) : () -> ()
    return
  }
}

</mosaic_0001>

<sc_bundles>
// kernel: kernel.3.cloned.1.call-start
scs
__scs_entry_jumppad:
0x0: {  	(pc) =	sbr.rel $0x88, $3  }
0x1: {  	(tag) =	ssettag $0x0;
	lr =	simm.s32 $0x1  }
0x2: {  	[smem:$0x3FA0] =	sst lr;
	_ =	strace $0xD0000000  }
0x3: {  	_ = 	snop  }
0x4: {  	_ = 	snop  }
0x5: {  	_ = 	snop  }
0x6: {  	_ = 	snop  }
0x7: {  	_ = 	snop  }
__scs_overlays_trampoline_lowered:
0x8: {  	[smem:$0x3FAF] =	sst s0  }
0x9: {  	[smem:$0x3FB0] =	sst s1  }
0xa: {  	[smem:$0x3FB1] =	sst s2  }
0xb: {  	[smem:$0x3FB2] =	sst s3  }
0xc: {  	[smem:$0x3FB3] =	sst s4  }
0xd: {  	[smem:$0x3FB4] =	sst s5  }
0xe: {  	[smem:$0x3FB5] =	sst s6  }
0xf: {  	[smem:$0x3FB6] =	sst s7  }
0x10: {  	[smem:$0x3FB7] =	sst s8  }
0x11: {  	[smem:$0x3FB8] =	sst s9;
	s0 =	simm.s32 @!p0 $0x0  }
0x12: {  	s1 =	sld [smem:$0x3F9E];
	s0 =	simm.s32 @p0 $0x1  }
0x13: {  	[smem:$0x3FB9] =	sst s0;
	s0 =	simm.s32 @!p1 $0x0  }
0x14: {  	s2 =	sld [smem:$0x3F9D];
	s0 =	simm.s32 @p1 $0x1  }
0x15: {  	[smem:$0x3FBA] =	sst s0;
	s0 =	simm.s32 @!p2 $0x0  }
0x16: {  	s3 =	sld [smem:$0x3FDB];
	s0 =	simm.s32 @p2 $0x1  }
0x17: {  	s4 =	simm.s32 $0x1BF5;
	[smem:$0x3FBC] =	sst s0  }
0x18: {  	s0 =	sld [smem:$0x3F9F];
	_ =	swait.ge [sflag:s4], $0x0  }
0x19: {  	s7 =	sld [smem:$0x3FA0]  }
0x1a: {  	s8 =	sadd.s32 $0xFFFFE003, lr  }
0x1b: {  	s9 =	sadd.s32 $0xFFFFFEF7, lr;
	s5 =	simm.s32 $0xFFFFFFFF;
	p2 =	slt.u32 s8, $0xFFFFF086  }
0x1c: {  	p1 =	slt.u32 s9, $0xF7A;
	s5 =	simm.s32 @!p2 $0x0  }
0x1d: {  	s5 =	simm.s32 @p1 $0x1;
	p0 =	seq.s32 s7, s2  }
0x1e: {  	s7 =	smul.u32 @!p0 $0xF7A, s2;
	p2 =	seq.s32 @!p0 s5, $0x0  }
0x1f: {  	s9 =	smul.u32 $0xF7A, s1;
	s8 =	simm.s32 @!p0 $0x1BF5;
	p2 =	por !p2, p0  }
0x20: {  	[sflag:s8] =	ssyncset.s32 @!p0 $0xFFFFF086;
	s6 =	sadd.s32 @!p0 s3, s7;
	s7 =	simm.s32 @!p0 $0x108  }
0x21: {  	s3 =	sadd.s32 s3, s9;
	s6 =	sadd.s32 @!p0 $0x88, s6;
	s7 =	simm.s32 @p2 $0x1082  }
0x22: {  	[simem:s7], [sflag:s8] =	dma.local @!p0 [hbm:s6], $0xF7A  }
0x23: {  	s9 =	sor.u32 $0xD0000000, s2;
	s6 =	simm.s32 $0x108;
	_ =	swait.ge @!p0 [sflag:s8], $0x0  }
0x24: {  	s3 =	sadd.s32 $0x88, s3;
	s6 =	simm.s32 @!p1 $0x1082;
	[sflag:s4] =	ssyncset.s32 $0xFFFFF086  }
0x25: {  	[simem:s6], [sflag:s4] =	dma.local [hbm:s3], $0xF7A  }
0x26: {  	[smem:$0x3FA0] =	sst s1;
	(tag) =	ssettag s2;
	_ =	strace s9  }
0x27: {  	s1 =	sld [smem:$0x3FB0]  }
0x28: {  	s2 =	sld [smem:$0x3FB1]  }
0x29: {  	s4 =	sld [smem:$0x3FB3]  }
0x2a: {  	p0 =	seq.s32 s5, $0x0;
	s5 =	sld [smem:$0x3FB4]  }
0x2b: {  	s6 =	sld [smem:$0x3FB5]  }
0x2c: {  	s7 =	sld [smem:$0x3FB6]  }
0x2d: {  	s3 =	simm.s32 $0x108;
	s8 =	sld [smem:$0x3FB7]  }
0x2e: {  	s3 =	simm.s32 @!p0 $0x1082;
	s9 =	sld [smem:$0x3FB8]  }
0x2f: {  	lr =	sadd.s32 s0, s3;
	s0 =	sld [smem:$0x3FAF]  }
0x30: {  	s3 =	sld [smem:$0x3FB2]  }
0x31: {  	[smem:$0x3FBB] =	sst s10  }
0x32: {  	s10 =	sld [smem:$0x3FB9];
	_ =	sdelay $0x3  }
0x33: {  	p0 =	seq.s32 s10, $0x1;
	s10 =	sld [smem:$0x3FBB];
	_ =	sdelay $0x3  }
0x34: {  	[smem:$0x3FBB] =	sst s10  }
0x35: {  	s10 =	sld [smem:$0x3FBA];
	_ =	sdelay $0x3  }
0x36: {  	p1 =	seq.s32 s10, $0x1;
	s10 =	sld [smem:$0x3FBB];
	_ =	sdelay $0x3  }
0x37: {  	[smem:$0x3FBB] =	sst s10  }
0x38: {  	s10 =	sld [smem:$0x3FBC]  }
0x39: {  	_ = 	snop;
	(pc) =	sbr.ind lr, $3  }
0x3a: {  	_ = 	snop  }
0x3b: {  	_ = 	snop  }
0x3c: {  	p2 =	seq.s32 s10, $0x1;
	s10 =	sld [smem:$0x3FBB]  }
0x3d: {  	_ =	shalt  }
0x3e: {  	_ =	shalt  }
0x3f: {  	_ =	shalt  }
0x40: {  	_ =	shalt  }
0x41: {  	_ =	shalt  }
0x42: {  	_ =	shalt  }
0x43: {  	_ =	shalt  }
0x44: {  	_ =	shalt  }
0x45: {  	_ =	shalt  }
0x46: {  	_ =	shalt  }
0x47: {  	_ =	shalt  }
0x48: {  	_ =	shalt  }
0x49: {  	_ =	shalt  }
0x4a: {  	_ =	shalt  }
0x4b: {  	_ =	shalt  }
0x4c: {  	_ =	shalt  }
0x4d: {  	_ =	shalt  }
0x4e: {  	_ =	shalt  }
0x4f: {  	_ =	shalt  }
0x50: {  	_ =	shalt  }
0x51: {  	_ =	shalt  }
0x52: {  	_ =	shalt  }
0x53: {  	_ =	shalt  }
0x54: {  	_ =	shalt  }
0x55: {  	_ =	shalt  }
0x56: {  	_ =	shalt  }
0x57: {  	_ =	shalt  }
0x58: {  	_ =	shalt  }
0x59: {  	_ =	shalt  }
0x5a: {  	_ =	shalt  }
0x5b: {  	_ =	shalt  }
0x5c: {  	_ =	shalt  }
0x5d: {  	_ =	shalt  }
0x5e: {  	_ =	shalt  }
0x5f: {  	_ =	shalt  }
0x60: {  	_ =	shalt  }
0x61: {  	_ =	shalt  }
0x62: {  	_ =	shalt  }
0x63: {  	_ =	shalt  }
0x64: {  	_ =	shalt  }
0x65: {  	_ =	shalt  }
0x66: {  	_ =	shalt  }
0x67: {  	_ =	shalt  }
0x68: {  	_ =	shalt  }
0x69: {  	_ =	shalt  }
0x6a: {  	_ =	shalt  }
0x6b: {  	_ =	shalt  }
0x6c: {  	_ =	shalt  }
0x6d: {  	_ =	shalt  }
0x6e: {  	_ =	shalt  }
0x6f: {  	_ =	shalt  }
0x70: {  	_ =	shalt  }
0x71: {  	_ =	shalt  }
0x72: {  	_ =	shalt  }
0x73: {  	_ =	shalt  }
0x74: {  	_ =	shalt  }
0x75: {  	_ =	shalt  }
0x76: {  	_ =	shalt  }
0x77: {  	_ =	shalt  }
0x78: {  	_ =	shalt  }
0x79: {  	_ =	shalt  }
0x7a: {  	_ =	shalt  }
0x7b: {  	_ =	shalt  }
0x7c: {  	_ =	shalt  }
0x7d: {  	_ =	shalt  }
0x7e: {  	_ =	shalt  }
0x7f: {  	_ =	shalt  }
0x80: {  	_ =	shalt  }
0x81: {  	_ =	shalt  }
0x82: {  	_ =	shalt  }
0x83: {  	_ =	shalt  }
0x84: {  	_ =	shalt  }
0x85: {  	_ =	shalt  }
0x86: {  	_ =	shalt  }
0x87: {  	_ =	shalt  }
.Lfunc_end0:
.L_simem_size_0:
called_computation_lowered:
.L_overlay_start_0:
0x88: {  	s2 =	sld [smem:$0x3FD9]  }
0x89: {  	s3 =	sld [smem:$0x3FFE];
	_ =	sdelay $0x1  }
0x8a: {  	s1 =	srdreg.scid  }
0x8b: {  	s0 =	sand.u32 $0x1, s1  }
0x8c: {  	s18 =	sshll.u32 s0, $0xA;
	s2 =	sadd.s32 s3, s2  }
0x8d: {  	s2 =	sadd.s32 s2, s18  }
0x8e: {  	[smem:$0x3FC7] =	sst s2  }
0x8f: {  	_ = 	snop  }
0x90: {  	s2 =	sld [smem:$0x3FC9]  }
0x91: {  	s19 =	sld [smem:$0x3FD0];
	(tm) =	ssettm $0x1  }
0x92: {  	s4 =	sld [smem:$0x3FFB];
	_ =	sdelay $0x3  }
0x93: {  	_ =	strace s4  }
0x94: {  	s4 =	sld [smem:$0x3FFC];
	_ =	sdelay $0x3  }
0x95: {  	_ =	strace s4  }
0x96: {  	s4 =	sld [smem:$0x3FFD];
	_ =	sdelay $0x3  }
0x97: {  	_ =	strace s4  }
0x98: {  	_ =	strace $0x8FFFFFFF  }
0x99: {  	s20 =	sld [smem:$0x3FDB];
	_ =	sdelay $0x1  }
0x9a: {  	s5 =	simm.s32 $_scs_section_size  }
0x9b: {  	s6 =	simm.s32 $_size__tile_overlayer_lowered;
	s7 =	simm.s32 $_tile_overlayer_lowered  }
0x9c: {  	s23 =	simm.s32 $0x1BFF;
	s22 =	sshll.u32 s7, $0x1;
	s4 =	sadd.s32 s5, s20  }
0x9d: {  	s8 =	simm.s32 $0x0;
	s21 =	sshll.u32 s6, $0x1;
	s6 =	sadd.s32 s22, s4  }
0x9e: {  	[timem:s8], [sflag:s23] =	dma.local [hbm:s6], s21  }
0x9f: {  	_ =	swait.ge [sflag:s23], s21  }
0xa0: {  	s5 =	ssub.s32 $0x0, s21;
	[sflag:s23] =	ssyncset.done $0x0  }
0xa1: {  	[sflag:s23] =	ssyncadd.s32 s5;
	_ =	sdelay $0x1  }
0xa2: {  	s24 =	simm.s32 $0x1B8B  }
0xa3: {  	_ =	swait.ge [sflag:s24], $0x1  }
0xa4: {  	[sflag:s24] =	ssyncset.done $0x0  }
0xa5: {  	s25 =	simm.s32 $0x1B8E;
	[sflag:s24] =	ssyncadd.s32 $0xFFFFFFFF  }
0xa6: {  	s26 =	simm.s32 $execute0_lowered;
	[smem:$0x3FD2] =	sst s25  }
0xa7: {  	s5 =	sshll.u32 s26, $0x1;
	_ =	strace $0x80000046;
	[dreg:$0x1] =	wrdreg $0xFFFFFFFF  }
0xa8: {  	s28 =	simm.s32 $_size_execute0_lowered;
	s4 =	sadd.s32 s4, s5;
	[dreg:$0x0] =	wrdreg $0x0  }
0xa9: {  	s5 =	sshll.u32 s28, $0x1;
	[dreg:$0x2] =	wrdreg s4  }
0xaa: {  	[dreg:$0x3] =	wrdreg s5  }
0xab: {  	[dreg:$0x4] =	wrdreg $0xC0  }
0xac: {  	_ =	task [dreg:s8], $0x5FFFF  }
0xad: {  	[dreg:$0x1] =	wrdreg $0xFFFFFFFF  }
0xae: {  	[dreg:$0x0] =	wrdreg $0x60  }
0xaf: {  	[dreg:$0x2] =	wrdreg s2  }
0xb0: {  	[dreg:$0x3] =	wrdreg s19  }
0xb1: {  	[dreg:$0x4] =	wrdreg $0x9  }
0xb2: {  	_ =	task.clear_ibuf [dreg:s8], $0x5FFFF;
	_ =	strace $0x90000046  }
0xb3: {  	s29 =	simm.s32 $0x9;
	_ =	strace $0x80000048  }
0xb4: {  	_ =	swait.ge [sflag:s29], $0x1  }
0xb5: {  	[sflag:s29] =	ssyncadd.s32 $0xFFFFFFFF  }
0xb6: {  	_ =	strace $0x90000048  }
0xb7: {  	_ =	sfence  }
0xb8: {  	s30 =	sld [smem:$0x0];
	_ =	sdelay $0x2  }
0xb9: {  	s31 =	sshll.u32 s1, $0xD;
	s1 =	sshrl.u32 s1, $0x2  }
0xba: {  	s3 =	sand.u32 $0x4000, s31;
	s1 =	sadd.s32 s1, s30  }
0xbb: {  	s0 =	sor.u32 s3, s0;
	s1 =	sshll.u32 s1, $0x11  }
0xbc: {  	s0 =	sor.u32 s1, s0  }
0xbd: {  	s0 =	sadd.s32 $0x8F2B, s0  }
0xbe: {  	[sflag:s0] =	ssyncadd.remote.s32 $0x1  }
0xbf: {  	_ =	sfence.sel $0xFFFF  }
0xc0: {  	[dreg:$0x0] =	wrdreg $0xFFFFFFFF;
	(pc) =	sbr.abs _section_cstart, $3  }
0xc1: {  	[dreg:$0x1] =	wrdreg $0xFFFFFFFF  }
0xc2: {  	_ =	task.clear_ibuf [dreg:s8], $0x2FFFF;
	_ =	strace $0x9FFFFFFF  }
0xc3: {  	(tm) =	ssettm $0x7FFFFFFF  }
tec
execute0_lowered:
.L_overlay_start_1:
0x0: {  	(tag) =	ssettag $0x1  }
0x1: {  	s1 =	rddreg [dreg:$0x0]  }
0x2: {  	s3 =	rddreg [dreg:$0x1]  }
0x3: {  	s0 =	rddreg [dreg:$0x2]  }
0x4: {  	s4 =	simm.s32 $0x0;
	s2 =	stileid.u32;
	s5 =	srdreg.scid  }
0x5: {  	s10 =	simm.s32 $0x1000;
	s11 =	simm.s32 $0x1;
	s12 =	simm.s32 $0x10000  }
0x6: {  	s13 =	simm.s32 $0x80000000;
	s14 =	simm.s32 $0x0;
	[smem:$0x7FF] =	sst s4  }
0x7: {  	s6 =	sshll.u32 s2, $0x1;
	s5 =	sand.u32 $0x1, s5;
	s7 =	sshll.u32 s2, $0x11  }
0x8: {  	_ =	strace $0x80000047;
	s6 =	sand.u32 $0x2, s6;
	s8 =	ssub.s32 $0x2, s5  }
0x9: {  	s28 =	sand.u32 $0x1C0000, s7;
	s5 =	sor.u32 s5, s6;
	s29 =	sshrl.u32 s8, $0x1  }
0xa: {  	s30 =	sadd.s32 s1, s28;
	s31 =	sadd.s32 s3, s28;
	s9 =	sshll.u32 s5, $0x7  }
0xb: {  	s8 =	ssub.s32 s8, s29;
	s5 =	sadd.s32 s9, s30;
	s6 =	sor.u32 s9, s28  }
0xc: {  	v0 =	vimm.s32 $0x0;
	v1 =	vimm.f32 $0.0e+00;
	s7 =	sadd.s32 s9, s31;
	s8 =	smax.u32 s8, $0x1;
	s9 =	simm.s32 $0x400  }
.LBB2_1:
0xd: {  	v6 =	vimm.f32 $-Inf  }
0xe: {  	v2 =	vimm.s32 $0x0;
	v3 =	vimm.s32 $0x0;
	v4 =	vimm.s32 $0x0  }
0xf: {  	v5 =	vimm.s32 $0x0;
	v7 =	vimm.s32 $0x0;
	v8 =	vimm.s32 $0x0  }
0x10: {  	v9 =	vimm.s32 $0x0;
	v12 =	vimm.s32 $0x0;
	v10 =	vimm.f32 $-Inf  }
0x11: {  	v11 =	vimm.f32 $-Inf;
	v13 =	vimm.f32 $-Inf;
	v14 =	vimm.f32 $-Inf  }
0x12: {  	s15 =	simm.s32 $0x0;
	v15 =	vimm.f32 $-Inf;
	v16 =	vimm.f32 $-Inf;
	v17 =	vimm.f32 $-Inf;
	s16 =	simm.s32 $0x0  }
.LBB2_2:
0x13: {  	s17 =	sshll.u32 s16, $0xF  }
0x14: {  	s18 =	simm.s32 $0x0;
	s17 =	sadd.s32 s17, s5  }
0x15: {  	[tilespmem:s18], [sflag:$0x1] =	stream.strided.gather [hbm4b:s17+s9], $0x10000, s10, s9, $0x38;
	[tilespmem:$0x18000] =	vst v63  }
0x16: {  	_ =	swait.ge [sflag:s11], $0x10000  }
0x17: {  	[sflag:s11] =	ssyncset.done $0x0  }
0x18: {  	s31 =	simm.s32 $0x40;
	[sflag:s11] =	ssyncadd.s32 $0xFFFF0000  }
0x19: {  	v19 =	vld [tilespmem:s31+$0xFFFFFFC0]  }
0x1a: {  	v20 =	vld [tilespmem:s31+$0xFFFFFFD0]  }
0x1b: {  	v21 =	vld [tilespmem:s31+$0xFFFFFFE0]  }
0x1c: {  	v22 =	vld [tilespmem:s31+$0xFFFFFFF0]  }
0x1d: {  	v23 =	vld [tilespmem:s31+$0x0]  }
0x1e: {  	v26 =	vld [tilespmem:s31+$0x10]  }
0x1f: {  	v27 =	vld [tilespmem:s31+$0x20];
	_ =	sdelay $0x1  }
0x20: {  	s19 =	simm.s32 $0xC0;
	v28 =	vld [tilespmem:s31+$0x30]  }
0x21: {  	v24 =	vld [tilespmem:s19+$0xFFFFFFC0];
	vm0 =	vgt.f32 v19, v17;
	vm1 =	vgt.f32 v20, v16  }
0x22: {  	v18 =	vld [tilespmem:s19+$0xFFFFFFD0];
	vm2 =	vgt.f32 v21, v15;
	vm3 =	vgt.f32 v22, v14;
	vm4 =	vgt.f32 v23, v13  }
0x23: {  	s17 =	sadd.s32 $0x0, s15;
	v25 =	vld [tilespmem:s19+$0xFFFFFFE0];
	vm5 =	vgt.f32 v26, v11;
	vm6 =	vgt.f32 v27, v10;
	v17 =	vsel vm0, v19, v17  }
0x24: {  	v12 =	vsel vm0, s17, v12;
	v16 =	vsel vm1, v20, v16;
	v19 =	vld [tilespmem:s19+$0xFFFFFFF0];
	v15 =	vsel vm2, v21, v15  }
0x25: {  	v14 =	vsel vm3, v22, v14;
	v13 =	vsel vm4, v23, v13;
	v21 =	vld [tilespmem:s19+$0x0];
	vm0 =	vgt.f32 v28, v6  }
0x26: {  	v20 =	vld [tilespmem:s19+$0x10];
	v11 =	vsel vm5, v26, v11;
	v10 =	vsel vm6, v27, v10;
	v9 =	vsel vm1, s17, v9  }
0x27: {  	v22 =	vld [tilespmem:s19+$0x20];
	v8 =	vsel vm2, s17, v8;
	v7 =	vsel vm3, s17, v7;
	v5 =	vsel vm4, s17, v5  }
0x28: {  	s20 =	simm.s32 $0x2;
	s18 =	simm.s32 $0x1;
	v23 =	vld [tilespmem:s19+$0x30];
	s19 =	simm.s32 $0x140;
	v4 =	vsel vm5, s17, v4;
	v3 =	vsel vm6, s17, v3;
	v6 =	vsel vm0, v28, v6  }
.LBB2_3:
0x29: {  	v26 =	vld [tilespmem:s19+$0xFFFFFFC0];
	p0 =	sne.s32 s20, $0x1FF;
	vm1 =	vgt.f32 v24, v17;
	vm2 =	vgt.f32 v18, v16;
	v2 =	vsel vm0, s17, v2;
	s17 =	sadd.s32 s18, s15;
	s18 =	smov.u32 s20  }
0x2a: {  	v17 =	vsel vm1, v24, v17;
	v12 =	vsel vm1, s17, v12;
	v16 =	vsel vm2, v18, v16;
	v18 =	vld [tilespmem:s19+$0xFFFFFFD0]  }
0x2b: {  	vm3 =	vgt.f32 v19, v14;
	vm1 =	vgt.f32 v25, v15;
	vm4 =	vgt.f32 v21, v13;
	v27 =	vld [tilespmem:s19+$0xFFFFFFE0]  }
.Ltmp0:
0x2c: {  	v14 =	vsel vm3, v19, v14;
	v15 =	vsel vm1, v25, v15;
	v13 =	vsel vm4, v21, v13;
	v19 =	vld [tilespmem:s19+$0xFFFFFFF0];
	(pc) =	sbr.rel @p0 .LBB2_3-.Ltmp0, $4  }
0x2d: {  	vm5 =	vgt.f32 v20, v11;
	vm6 =	vgt.f32 v22, v10;
	v21 =	vld [tilespmem:s19+$0x0];
	vm0 =	vgt.f32 v23, v6  }
0x2e: {  	v11 =	vsel vm5, v20, v11;
	v10 =	vsel vm6, v22, v10;
	v20 =	vld [tilespmem:s19+$0x10];
	v6 =	vsel vm0, v23, v6;
	v24 =	vmovc v26  }
0x2f: {  	v9 =	vsel vm2, s17, v9;
	v7 =	vsel vm3, s17, v7;
	v8 =	vsel vm1, s17, v8;
	v22 =	vld [tilespmem:s19+$0x20]  }
0x30: {  	s20 =	sadd.s32 $0x1, s20;
	v5 =	vsel vm4, s17, v5;
	v4 =	vsel vm5, s17, v4;
	v3 =	vsel vm6, s17, v3;
	v23 =	vld [tilespmem:s19+$0x30];
	s19 =	sadd.s32 $0x80, s19;
	v25 =	vmovc v27  }
0x31: {  	vm1 =	vgt.f32 v24, v17  }
0x32: {  	s18 =	sadd.s32 s18, s15;
	vm2 =	vgt.f32 v18, v16;
	v2 =	vsel vm0, s17, v2;
	vm14 =	vgt.f32 v25, v15  }
0x33: {  	vm15 =	vgt.f32 v19, v14;
	s16 =	sadd.s32 $0x1, s16;
	v17 =	vsel vm1, v24, v17;
	v12 =	vsel vm1, s18, v12  }
0x34: {  	v16 =	vsel vm2, v18, v16;
	vm3 =	vgt.f32 v21, v13;
	v15 =	vsel vm14, v25, v15;
	p0 =	sne.s32 s16, $0x8  }
.Ltmp1:
0x35: {  	v14 =	vsel vm15, v19, v14;
	v9 =	vsel vm2, s18, v9;
	v8 =	vsel vm14, s18, v8;
	(pc) =	sbr.rel @p0 .LBB2_2-.Ltmp1, $4  }
0x36: {  	v7 =	vsel vm15, s18, v7;
	v13 =	vsel vm3, v21, v13;
	vm4 =	vgt.f32 v20, v11  }
0x37: {  	v5 =	vsel vm3, s18, v5;
	vm5 =	vgt.f32 v22, v10;
	v11 =	vsel vm4, v20, v11  }
0x38: {  	v4 =	vsel vm4, s18, v4;
	vm6 =	vgt.f32 v23, v6;
	v10 =	vsel vm5, v22, v10  }
0x39: {  	s15 =	sadd.s32 $0x200, s15;
	v3 =	vsel vm5, s18, v3;
	v6 =	vsel vm6, v23, v6;
	v2 =	vsel vm6, s18, v2  }
0x3a: {  	v18 =	vmin.f32 v17, v16  }
0x3b: {  	v19 =	vmin.f32 v15, v14;
	v20 =	vmin.f32 v13, v11;
	v21 =	vmin.f32 v10, v6  }
0x3c: {  	v18 =	vmin.f32 v18, v19;
	v19 =	vmin.f32 v20, v21  }
0x3d: {  	v18 =	vmin.f32 v18, v19  }
0x3e: {  	(v2sf) =	vpush v18, $0x0  }
0x3f: {  	(v2sf) =	vpush v18, $0x1  }
0x40: {  	(v2sf) =	vpush v18, $0x2  }
0x41: {  	(v2sf) =	vpush v18, $0x3  }
0x42: {  	(v2sf) =	vpush v18, $0x4  }
0x43: {  	(v2sf) =	vpush v18, $0x5  }
0x44: {  	(v2sf) =	vpush v18, $0x6  }
0x45: {  	(v2sf) =	vpush v18, $0x7  }
0x46: {  	(v2sf) =	vpush v18, $0x8  }
0x47: {  	(v2sf) =	vpush v18, $0x9  }
0x48: {  	(v2sf) =	vpush v18, $0xA  }
0x49: {  	(v2sf) =	vpush v18, $0xB  }
0x4a: {  	(v2sf) =	vpush v18, $0xC  }
0x4b: {  	(v2sf) =	vpush v18, $0xD  }
0x4c: {  	(v2sf) =	vpush v18, $0xE  }
0x4d: {  	s15 =	spop (v2sf);
	(v2sf) =	vpush v18, $0xF  }
0x4e: {  	s16 =	spop (v2sf)  }
0x4f: {  	s17 =	spop (v2sf)  }
0x50: {  	s18 =	spop (v2sf)  }
0x51: {  	s19 =	spop (v2sf)  }
0x52: {  	s20 =	spop (v2sf)  }
0x53: {  	s21 =	spop (v2sf)  }
0x54: {  	s22 =	spop (v2sf)  }
0x55: {  	s23 =	spop (v2sf)  }
0x56: {  	s24 =	spop (v2sf)  }
0x57: {  	s25 =	spop (v2sf)  }
0x58: {  	s26 =	spop (v2sf)  }
0x59: {  	s28 =	spop (v2sf)  }
0x5a: {  	s29 =	spop (v2sf)  }
0x5b: {  	s30 =	spop (v2sf)  }
0x5c: {  	s31 =	spop (v2sf)  }
0x5d: {  	p2 =	sge.f32 s31, $-1.599999960e-01;
	_ =	sdelay $0x1  }
0x5e: {  	p0 =	sge.f32 @p2 s30, $-1.599999960e-01;
	_ =	sdelay $0x1  }
0x5f: {  	p3 =	por !p2, !p0  }
0x60: {  	p0 =	sge.f32 @!p3 s29, $-1.599999960e-01;
	_ =	sdelay $0x1  }
0x61: {  	p4 =	por p3, !p0  }
0x62: {  	p0 =	sge.f32 @!p4 s28, $-1.599999960e-01;
	_ =	sdelay $0x1  }
0x63: {  	p5 =	por p4, !p0  }
0x64: {  	p0 =	sge.f32 @!p5 s26, $-1.599999960e-01;
	_ =	sdelay $0x1  }
0x65: {  	p6 =	por p5, !p0  }
0x66: {  	p0 =	sge.f32 @!p6 s25, $-1.599999960e-01;
	_ =	sdelay $0x1  }
0x67: {  	p0 =	por p6, !p0  }
0x68: {  	p1 =	sge.f32 @!p0 s24, $-1.599999960e-01;
	_ =	sdelay $0x1  }
0x69: {  	s24 =	simm.s32 @!p0 $0x0;
	p1 =	por p0, !p1  }
0x6a: {  	s24 =	simm.s32 @p0 $0x1;
	p0 =	sge.f32 @!p1 s23, $-1.599999960e-01  }
0x6b: {  	s23 =	simm.s32 @!p1 $0x0  }
0x6c: {  	s23 =	simm.s32 @p1 $0x1;
	p1 =	por p1, !p0  }
0x6d: {  	p0 =	sge.f32 @!p1 s22, $-1.599999960e-01  }
0x6e: {  	s22 =	simm.s32 @!p1 $0x0  }
0x6f: {  	s22 =	simm.s32 @p1 $0x1;
	p1 =	por p1, !p0  }
0x70: {  	p0 =	sge.f32 @!p1 s21, $-1.599999960e-01  }
0x71: {  	s21 =	simm.s32 @!p1 $0x0  }
0x72: {  	s21 =	simm.s32 @p1 $0x1;
	p1 =	por p1, !p0  }
0x73: {  	p0 =	sge.f32 @!p1 s20, $-1.599999960e-01  }
0x74: {  	s20 =	simm.s32 @!p1 $0x0  }
0x75: {  	s20 =	simm.s32 @p1 $0x1;
	p1 =	por p1, !p0  }
0x76: {  	p0 =	sge.f32 @!p1 s19, $-1.599999960e-01  }
0x77: {  	s19 =	simm.s32 @!p1 $0x0  }
0x78: {  	s19 =	simm.s32 @p1 $0x1;
	p1 =	por p1, !p0  }
0x79: {  	p0 =	sge.f32 @!p1 s18, $-1.599999960e-01  }
0x7a: {  	s18 =	simm.s32 @!p1 $0x0  }
0x7b: {  	s18 =	simm.s32 @p1 $0x1;
	p1 =	por p1, !p0  }
0x7c: {  	p0 =	sge.f32 @!p1 s17, $-1.599999960e-01  }
0x7d: {  	s17 =	simm.s32 @!p1 $0x0  }
0x7e: {  	s17 =	simm.s32 @p1 $0x1;
	p1 =	por p1, !p0  }
0x7f: {  	p0 =	sge.f32 @!p1 s15, $-1.599999960e-01  }
0x80: {  	[smem:$0x7F4] =	sst s24;
	s15 =	simm.s32 @!p1 $0x0  }
0x81: {  	[smem:$0x7F5] =	sst s23;
	s15 =	simm.s32 @p1 $0x1;
	p1 =	por p1, !p0  }
0x82: {  	[smem:$0x7F6] =	sst s22;
	p0 =	sge.f32 @!p1 s16, $-1.599999960e-01  }
0x83: {  	[smem:$0x7F7] =	sst s21  }
0x84: {  	[smem:$0x7F8] =	sst s20;
	p0 =	por p1, !p0  }
.Ltmp2:
0x85: {  	[smem:$0x7F9] =	sst s19;
	(pc) =	sbr.rel @p0 .LBB2_10-.Ltmp2, $4  }
0x86: {  	[smem:$0x7FA] =	sst s18  }
0x87: {  	[smem:$0x7FC] =	sst s15;
	s15 =	simm.s32 @!p1 $0x0  }
0x88: {  	[smem:$0x7FB] =	sst s17;
	s15 =	simm.s32 @p1 $0x1  }
0x89: {  	[smem:$0x7FD] =	sst s15;
	s15 =	simm.s32 $0x0  }
0x8a: {  	s16 =	simm.s32 $0x0  }
.LBB2_7:
0x8b: {  	s18 =	sadd.s32 $0x0, s15  }
0x8c: {  	vm0 =	veq.s32 v2, s18  }
0x8d: {  	s17 =	simm.s32 $0x10040;
	vm12 =	veq.s32 v9, s18;
	v18 =	vnsel vm0, $0xC28C0000, v6  }
0x8e: {  	vm14 =	veq.s32 v7, s18;
	v19 =	vnsel vm12, $0xC28C0000, v16;
	[tilespmem:s17+$0x30] =	vst v18  }
0x8f: {  	vm1 =	veq.s32 v12, s18;
	v21 =	vnsel vm14, $0xC28C0000, v14;
	[tilespmem:s17+$0xFFFFFFD0] =	vst v19  }
0x90: {  	vm13 =	veq.s32 v8, s18;
	vm2 =	veq.s32 v5, s18;
	v18 =	vnsel vm1, $0xC28C0000, v17;
	[tilespmem:s17+$0xFFFFFFF0] =	vst v21  }
0x91: {  	vm15 =	veq.s32 v4, s18;
	vm3 =	veq.s32 v3, s18;
	[tilespmem:s17+$0xFFFFFFC0] =	vst v18;
	v18 =	vnsel vm13, $0xC28C0000, v15  }
0x92: {  	s19 =	sadd.s32 $0x1, s15;
	s20 =	simm.s32 $0x2;
	s18 =	simm.s32 $0x10040;
	v20 =	vnsel vm2, $0xC28C0000, v13;
	v19 =	vnsel vm15, $0xC28C0000, v11;
	[tilespmem:s17+$0xFFFFFFE0] =	vst v18;
	v18 =	vnsel vm3, $0xC28C0000, v10  }
.LBB2_8:
0x93: {  	p0 =	sne.s32 s20, $0xFF;
	vm0 =	veq.s32 v12, s19;
	vm1 =	veq.s32 v9, s19;
	vm2 =	veq.s32 v2, s19;
	[tilespmem:s17+$0x0] =	vst v20  }
0x94: {  	vm3 =	veq.s32 v8, s19;
	vm4 =	veq.s32 v7, s19;
	s17 =	sadd.s32 $0x80, s17;
	v20 =	vnsel vm2, $0xC28C0000, v6;
	[tilespmem:s18+$0x10] =	vst v19  }
0x95: {  	vm5 =	veq.s32 v4, s19;
	vm6 =	veq.s32 v3, s19;
	vm2 =	veq.s32 v5, s19;
	[tilespmem:s17+$0x30] =	vst v20  }
.Ltmp3:
0x96: {  	v19 =	vnsel vm0, $0xC28C0000, v17;
	v21 =	vnsel vm1, $0xC28C0000, v16;
	v22 =	vnsel vm3, $0xC28C0000, v15;
	[tilespmem:s18+$0x20] =	vst v18;
	s18 =	smov.u32 s17;
	(pc) =	sbr.rel @p0 .LBB2_8-.Ltmp3, $4  }
0x97: {  	v23 =	vnsel vm4, $0xC28C0000, v14;
	v20 =	vnsel vm2, $0xC28C0000, v13;
	[tilespmem:s17+$0xFFFFFFC0] =	vst v19;
	v19 =	vnsel vm5, $0xC28C0000, v11  }
0x98: {  	v18 =	vnsel vm6, $0xC28C0000, v10;
	[tilespmem:s17+$0xFFFFFFD0] =	vst v21  }
0x99: {  	[tilespmem:s17+$0xFFFFFFE0] =	vst v22  }
0x9a: {  	s19 =	sadd.s32 s20, s15;
	s20 =	sadd.s32 $0x1, s20;
	[tilespmem:s17+$0xFFFFFFF0] =	vst v23  }
0x9b: {  	vm0 =	veq.s32 v2, s19;
	[tilespmem:s17+$0x0] =	vst v20  }
0x9c: {  	s29 =	sadd.s32 $0x80, s17;
	vm10 =	veq.s32 v12, s19;
	v63 =	vnsel vm0, $0xC28C0000, v6;
	[tilespmem:s18+$0x10] =	vst v19  }
0x9d: {  	v19 =	vnsel vm10, $0xC28C0000, v17;
	[tilespmem:s29+$0x30] =	vst v63  }
0x9e: {  	vm11 =	veq.s32 v8, s19;
	[tilespmem:s29+$0xFFFFFFC0] =	vst v19  }
0x9f: {  	vm1 =	veq.s32 v9, s19;
	v19 =	vnsel vm11, $0xC28C0000, v15;
	[tilespmem:s18+$0x20] =	vst v18  }
0xa0: {  	vm13 =	veq.s32 v5, s19;
	v18 =	vnsel vm1, $0xC28C0000, v16;
	[tilespmem:s29+$0xFFFFFFE0] =	vst v19  }
0xa1: {  	vm12 =	veq.s32 v7, s19;
	v19 =	vnsel vm13, $0xC28C0000, v13;
	[tilespmem:s29+$0xFFFFFFD0] =	vst v18  }
0xa2: {  	vm15 =	veq.s32 v3, s19;
	v18 =	vnsel vm12, $0xC28C0000, v14;
	[tilespmem:s29+$0x0] =	vst v19  }
0xa3: {  	vm14 =	veq.s32 v4, s19;
	s30 =	sshll.u32 s16, $0xE;
	s16 =	sadd.s32 $0x1, s16;
	v19 =	vnsel vm15, $0xC28C0000, v10;
	[tilespmem:s29+$0xFFFFFFF0] =	vst v18  }
0xa4: {  	p0 =	seq.s32 s16, $0x10;
	v18 =	vnsel vm14, $0xC28C0000, v11;
	[tilespmem:s29+$0x20] =	vst v19  }
.Ltmp4:
0xa5: {  	s31 =	sadd.s32 s30, s7;
	[tilespmem:s29+$0x10] =	vst v18;
	(pc) =	sbr.rel @!p0 .LBB2_7-.Ltmp4, $4  }
0xa6: {  	[hbm4b:s31+s9] =	stream.strided.scatter [tilespmem:s12], [sflag:$0x1], $0x8000, s10, s9, $0x38;
	[tilespmem:$0x18000] =	vst v63  }
0xa7: {  	_ =	swait.ge [sflag:s11], $0x8000  }
0xa8: {  	[sflag:s11] =	ssyncset.done $0x0  }
0xa9: {  	s15 =	sadd.s32 $0x100, s15;
	[sflag:s11] =	ssyncadd.s32 $0xFFFF8000  }
.LBB2_30:
0xaa: {  	s14 =	sadd.s32 $0x1, s14  }
0xab: {  	p0 =	sne.s32 s14, s8  }
.Ltmp5:
0xac: {  	_ = 	snop;
	(pc) =	sbr.rel @p0 .LBB2_1-.Ltmp5, $4  }
.Ltmp6:
0xad: {  	_ = 	snop;
	(pc) =	sbr.rel @!p0 .LBB2_31-.Ltmp6, $4  }
0xae: {  	_ = 	snop  }
0xaf: {  	_ = 	snop  }
0xb0: {  	_ = 	snop  }
0xb1: {  	_ = 	snop  }
.LBB2_10:
0xb2: {  	v2 =	vpsel p2, $0x0, v0  }
0xb3: {  	s15 =	simm.s32 @p2 $0x0;
	s16 =	sld [smem:$0x7F4];
	v2 =	vpsel !p3, $0x0, v2  }
0xb4: {  	s22 =	sld [smem:$0x7F5];
	s15 =	simm.s32 @!p3 $0x0;
	v2 =	vpsel !p4, $0x0, v2  }
0xb5: {  	s23 =	sld [smem:$0x7F6];
	s15 =	simm.s32 @!p4 $0x0;
	v2 =	vpsel !p5, $0x0, v2  }
0xb6: {  	s24 =	sld [smem:$0x7F7];
	s15 =	simm.s32 @!p5 $0x0;
	p0 =	seq.s32 s16, $0x1;
	v2 =	vpsel !p6, $0x0, v2  }
0xb7: {  	s25 =	sld [smem:$0x7F8];
	p1 =	seq.s32 s22, $0x1;
	s15 =	simm.s32 @!p6 $0x0;
	v2 =	vpsel !p0, $0x0, v2  }
0xb8: {  	s26 =	sld [smem:$0x7F9];
	s15 =	simm.s32 @!p0 $0x0;
	p0 =	seq.s32 s23, $0x1;
	v2 =	vpsel !p1, $0x0, v2  }
0xb9: {  	s28 =	sld [smem:$0x7FA];
	s15 =	simm.s32 @!p1 $0x0;
	p1 =	seq.s32 s24, $0x1;
	v2 =	vpsel !p0, $0x0, v2  }
0xba: {  	s29 =	sld [smem:$0x7FB];
	s15 =	simm.s32 @!p0 $0x0;
	p0 =	seq.s32 s25, $0x1;
	v2 =	vpsel !p1, $0x0, v2  }
0xbb: {  	s30 =	sld [smem:$0x7FC];
	s15 =	simm.s32 @!p1 $0x0;
	p1 =	seq.s32 s26, $0x1;
	v2 =	vpsel !p0, $0x0, v2  }
0xbc: {  	s31 =	sld [smem:$0x7FD];
	s15 =	simm.s32 @!p0 $0x0;
	p0 =	seq.s32 s28, $0x1;
	v2 =	vpsel !p1, $0x0, v2  }
0xbd: {  	p2 =	seq.s32 s29, $0x1;
	v2 =	vpsel !p0, $0x0, v2  }
0xbe: {  	s15 =	simm.s32 @!p1 $0x0;
	p1 =	seq.s32 s30, $0x1;
	v2 =	vpsel !p2, $0x0, v2  }
0xbf: {  	s15 =	simm.s32 @!p0 $0x0;
	p0 =	seq.s32 s31, $0x1;
	v2 =	vpsel !p1, $0x0, v2  }
0xc0: {  	s15 =	simm.s32 @!p2 $0x0;
	v10 =	vpsel !p0, $0x0, v2;
	v11 =	vpsel !p0, $0x0, v2  }
0xc1: {  	s15 =	simm.s32 @!p1 $0x0;
	v12 =	vpsel !p0, $0x0, v2;
	v13 =	vpsel !p0, $0x0, v2;
	v14 =	vpsel !p0, $0x0, v2  }
0xc2: {  	v15 =	vpsel !p0, $0x0, v2;
	v16 =	vpsel !p0, $0x0, v2;
	v17 =	vpsel !p0, $0x0, v2;
	s15 =	simm.s32 @!p0 $0x0  }
.LBB2_11:
0xc3: {  	v33 =	vimm.f32 $0.0e+00;
	v26 =	vimm.f32 $0.0e+00;
	v27 =	vimm.f32 $0.0e+00  }
0xc4: {  	s16 =	sshrl.u32 s13, s15;
	v28 =	vimm.f32 $0.0e+00;
	v29 =	vimm.f32 $0.0e+00;
	v30 =	vimm.f32 $0.0e+00  }
0xc5: {  	v31 =	vimm.f32 $0.0e+00;
	v32 =	vimm.f32 $0.0e+00;
	v8 =	vor.u32 s16, v17  }
0xc6: {  	v9 =	vor.u32 s16, v16;
	v5 =	vor.u32 s16, v15;
	v6 =	vor.u32 s16, v14  }
0xc7: {  	v7 =	vor.u32 s16, v13;
	v2 =	vor.u32 s16, v12;
	v3 =	vor.u32 s16, v11  }
0xc8: {  	v4 =	vor.u32 s16, v10;
	v18 =	vxor.u32 $0x80000000, v8;
	v19 =	vxor.u32 $0x80000000, v9  }
0xc9: {  	v20 =	vxor.u32 $0x80000000, v5;
	v21 =	vxor.u32 $0x80000000, v6;
	v22 =	vxor.u32 $0x80000000, v7  }
0xca: {  	s17 =	simm.s32 $0x0;
	s16 =	simm.s32 $0x0;
	v23 =	vxor.u32 $0x80000000, v2;
	v24 =	vxor.u32 $0x80000000, v3;
	v25 =	vxor.u32 $0x80000000, v4  }
.LBB2_12:
0xcb: {  	s18 =	sshll.u32 s17, $0xF  }
0xcc: {  	s18 =	sadd.s32 s18, s5  }
0xcd: {  	[tilespmem:s16], [sflag:$0x1] =	stream.strided.gather [hbm4b:s18+s9], $0x10000, s10, s9, $0x38;
	[tilespmem:$0x18000] =	vst v63  }
0xce: {  	_ =	swait.ge [sflag:s11], $0x10000  }
0xcf: {  	[sflag:s11] =	ssyncset.done $0x0  }
0xd0: {  	s31 =	simm.s32 $0x0;
	[sflag:s11] =	ssyncadd.s32 $0xFFFF0000  }
0xd1: {  	v34 =	vld [tilespmem:s31+$0x70]  }
0xd2: {  	v35 =	vld [tilespmem:s31+$0x0]  }
0xd3: {  	v36 =	vld [tilespmem:s31+$0x10]  }
0xd4: {  	v37 =	vld [tilespmem:s31+$0x20]  }
0xd5: {  	v38 =	vld [tilespmem:s31+$0x30]  }
0xd6: {  	v39 =	vld [tilespmem:s31+$0x40];
	v40 =	vmul.f32 $1.442695020e+00, v34  }
0xd7: {  	v43 =	vld [tilespmem:s31+$0x50];
	v41 =	vxor.u32 $0x7FFFFFFF, v35;
	vm0 =	vlt.s32 v35, $0x0;
	v42 =	vmul.f32 $1.442695020e+00, v35  }
0xd8: {  	v46 =	vld [tilespmem:s31+$0x60];
	v44 =	vxor.u32 $0x7FFFFFFF, v36;
	v45 =	vmul.f32 $1.442695020e+00, v36;
	(erf) = vpow2.f32 v40  }
0xd9: {  	vm1 =	vlt.s32 v36, $0x0;
	v53 =	vmul.f32 $1.442695020e+00, v37;
	(erf) = vpow2.f32 v42  }
0xda: {  	v54 =	vxor.u32 $0x7FFFFFFF, v37;
	v47 =	vmul.f32 $1.442695020e+00, v38;
	(erf) = vpow2.f32 v45  }
0xdb: {  	vm2 =	vlt.s32 v37, $0x0;
	v55 =	vmul.f32 $1.442695020e+00, v39;
	(erf) = vpow2.f32 v53  }
0xdc: {  	v56 =	vxor.u32 $0x7FFFFFFF, v38;
	v48 =	vmul.f32 $1.442695020e+00, v43;
	(erf) = vpow2.f32 v47  }
0xdd: {  	vm3 =	vlt.s32 v38, $0x0;
	v57 =	vmul.f32 $1.442695020e+00, v46;
	(erf) = vpow2.f32 v55  }
0xde: {  	v59 =	vxor.u32 $0x7FFFFFFF, v34;
	vm5 =	vlt.s32 v34, $0x0;
	(erf) = vpow2.f32 v48  }
0xdf: {  	v58 =	vxor.u32 $0x7FFFFFFF, v39;
	v34 =	vsel vm5, v59, v34;
	(erf) = vpow2.f32 v57  }
0xe0: {  	vm4 =	vlt.s32 v39, $0x0;
	v60 =	vxor.u32 $0x7FFFFFFF, v43;
	vm6 =	vlt.s32 v43, $0x0  }
0xe1: {  	v61 =	vxor.u32 $0x7FFFFFFF, v46;
	vm5 =	vlt.s32 v46, $0x0;
	v41 =	vsel vm0, v41, v35;
	v62 =	vpop (erf)  }
0xe2: {  	v44 =	vsel vm1, v44, v36;
	v39 =	vsel vm4, v58, v39;
	vm7 =	vlt.s32 v34, v25;
	v34 =	vpop (erf)  }
0xe3: {  	v43 =	vsel vm6, v60, v43;
	v40 =	vsel vm3, v56, v38;
	vm3 =	vlt.s32 v41, v18;
	v35 =	vpop (erf)  }
0xe4: {  	vm4 =	vlt.s32 v44, v19;
	vm1 =	vlt.s32 v43, v23;
	v42 =	vsel vm2, v54, v37;
	v36 =	vpop (erf)  }
0xe5: {  	v37 =	vsel vm5, v61, v46;
	vm5 =	vlt.s32 v40, v21;
	v63 =	vsel vm7, $0x0, v62;
	v38 =	vpop (erf)  }
0xe6: {  	s19 =	simm.s32 $0x80;
	s18 =	simm.s32 $0x400;
	vm2 =	vlt.s32 v39, v22;
	vm0 =	vlt.s32 v42, v20;
	v33 =	vadd.f32 v63, v33;
	v39 =	vpop (erf)  }
.LBB2_13:
0xe7: {  	p0 =	sne.s32 s18, $0x3FE00;
	v40 =	vld [tilespmem:s19+$0x70];
	v34 =	vsel vm3, $0x0, v34;
	v35 =	vsel vm4, $0x0, v35;
	vm3 =	vlt.s32 v37, v24;
	v37 =	vpop (erf)  }
0xe8: {  	v36 =	vsel vm0, $0x0, v36;
	v38 =	vsel vm5, $0x0, v38;
	v39 =	vsel vm2, $0x0, v39;
	v41 =	vld [tilespmem:s19+$0x0];
	v42 =	vpop (erf)  }
0xe9: {  	v32 =	vadd.f32 v34, v32;
	v34 =	vsel vm1, $0x0, v37;
	v43 =	vld [tilespmem:s19+$0x10];
	v37 =	vsel vm3, $0x0, v42  }
0xea: {  	v31 =	vadd.f32 v35, v31;
	v30 =	vadd.f32 v36, v30;
	v42 =	vld [tilespmem:s19+$0x20]  }
0xeb: {  	v29 =	vadd.f32 v38, v29;
	v28 =	vadd.f32 v39, v28;
	v35 =	vld [tilespmem:s19+$0x30]  }
0xec: {  	v27 =	vadd.f32 v34, v27;
	v26 =	vadd.f32 v37, v26;
	v36 =	vld [tilespmem:s19+$0x40];
	v38 =	vmul.f32 $1.442695020e+00, v40  }
0xed: {  	v34 =	vxor.u32 $0x7FFFFFFF, v41;
	vm0 =	vlt.s32 v41, $0x0;
	v37 =	vmul.f32 $1.442695020e+00, v41;
	v39 =	vld [tilespmem:s19+$0x50]  }
0xee: {  	v44 =	vxor.u32 $0x7FFFFFFF, v43;
	v45 =	vmul.f32 $1.442695020e+00, v43;
	v46 =	vld [tilespmem:s19+$0x60];
	(erf) = vpow2.f32 v38  }
0xef: {  	vm1 =	vlt.s32 v43, $0x0;
	v38 =	vmul.f32 $1.442695020e+00, v42;
	(erf) = vpow2.f32 v37  }
0xf0: {  	v37 =	vxor.u32 $0x7FFFFFFF, v42;
	v47 =	vmul.f32 $1.442695020e+00, v35;
	(erf) = vpow2.f32 v45  }
0xf1: {  	vm2 =	vlt.s32 v42, $0x0;
	v45 =	vmul.f32 $1.442695020e+00, v36;
	(erf) = vpow2.f32 v38  }
0xf2: {  	v38 =	vxor.u32 $0x7FFFFFFF, v35;
	v48 =	vmul.f32 $1.442695020e+00, v39;
	(erf) = vpow2.f32 v47  }
0xf3: {  	vm3 =	vlt.s32 v35, $0x0;
	v47 =	vmul.f32 $1.442695020e+00, v46;
	(erf) = vpow2.f32 v45  }
0xf4: {  	vm4 =	vlt.s32 v36, $0x0;
	v45 =	vxor.u32 $0x7FFFFFFF, v36;
	(erf) = vpow2.f32 v48  }
0xf5: {  	vm5 =	vlt.s32 v40, $0x0;
	v48 =	vxor.u32 $0x7FFFFFFF, v40;
	(erf) = vpow2.f32 v47  }
0xf6: {  	vm6 =	vlt.s32 v39, $0x0;
	v47 =	vxor.u32 $0x7FFFFFFF, v39;
	v49 =	vsel vm5, v48, v40  }
0xf7: {  	v48 =	vxor.u32 $0x7FFFFFFF, v46;
	vm5 =	vlt.s32 v46, $0x0;
	vm7 =	vlt.s32 v49, v25;
	v40 =	vpop (erf)  }
.Ltmp7:
0xf8: {  	v41 =	vsel vm0, v34, v41;
	v43 =	vsel vm1, v44, v43;
	v40 =	vsel vm7, $0x0, v40;
	v34 =	vpop (erf);
	(pc) =	sbr.rel @p0 .LBB2_13-.Ltmp7, $4  }
0xf9: {  	v42 =	vsel vm2, v37, v42;
	v44 =	vsel vm3, v38, v35;
	v33 =	vadd.f32 v40, v33;
	v35 =	vpop (erf)  }
0xfa: {  	v37 =	vsel vm5, v48, v46;
	v40 =	vsel vm4, v45, v36;
	v45 =	vsel vm6, v47, v39;
	v36 =	vpop (erf)  }
0xfb: {  	vm0 =	vlt.s32 v42, v20;
	vm3 =	vlt.s32 v41, v18;
	vm4 =	vlt.s32 v43, v19;
	v38 =	vpop (erf)  }
0xfc: {  	s19 =	sshra.s32 s18, $0x2;
	s18 =	sadd.s32 $0x200, s18;
	vm5 =	vlt.s32 v44, v21;
	vm2 =	vlt.s32 v40, v22;
	vm1 =	vlt.s32 v45, v23;
	v39 =	vpop (erf)  }
0xfd: {  	v40 =	vld [tilespmem:s19+$0x70]  }
0xfe: {  	v34 =	vsel vm3, $0x0, v34;
	v35 =	vsel vm4, $0x0, v35;
	v41 =	vld [tilespmem:s19+$0x0]  }
0xff: {  	vm13 =	vlt.s32 v37, v24;
	v36 =	vsel vm0, $0x0, v36;
	v38 =	vsel vm5, $0x0, v38;
	v42 =	vld [tilespmem:s19+$0x10]  }
0x100: {  	v49 =	vpop (erf);
	v39 =	vsel vm2, $0x0, v39;
	v46 =	vld [tilespmem:s19+$0x60];
	v32 =	vadd.f32 v34, v32;
	v31 =	vadd.f32 v35, v31  }
0x101: {  	v43 =	vpop (erf);
	v50 =	vsel vm1, $0x0, v49;
	v30 =	vadd.f32 v36, v30;
	v29 =	vadd.f32 v38, v29  }
0x102: {  	v28 =	vadd.f32 v39, v28;
	v51 =	vsel vm13, $0x0, v43;
	v43 =	vld [tilespmem:s19+$0x20];
	v27 =	vadd.f32 v50, v27  }
0x103: {  	v35 =	vld [tilespmem:s19+$0x30];
	v26 =	vadd.f32 v51, v26;
	v52 =	vmul.f32 $1.442695020e+00, v40;
	v53 =	vxor.u32 $0x7FFFFFFF, v41  }
0x104: {  	v38 =	vld [tilespmem:s19+$0x40];
	vm14 =	vlt.s32 v41, $0x0;
	v54 =	vmul.f32 $1.442695020e+00, v41;
	v44 =	vxor.u32 $0x7FFFFFFF, v42  }
0x105: {  	v39 =	vld [tilespmem:s19+$0x50];
	v45 =	vmul.f32 $1.442695020e+00, v42;
	vm15 =	vlt.s32 v42, $0x0;
	v59 =	vmul.f32 $1.442695020e+00, v46  }
0x106: {  	v61 =	vxor.u32 $0x7FFFFFFF, v40;
	vm12 =	vlt.s32 v40, $0x0;
	(erf) = vpow2.f32 v52  }
0x107: {  	v63 =	vxor.u32 $0x7FFFFFFF, v46;
	v55 =	vmul.f32 $1.442695020e+00, v43;
	(erf) = vpow2.f32 v54  }
0x108: {  	vm13 =	vlt.s32 v46, $0x0;
	v47 =	vmul.f32 $1.442695020e+00, v35;
	(erf) = vpow2.f32 v45  }
0x109: {  	v57 =	vmul.f32 $1.442695020e+00, v38;
	v58 =	vxor.u32 $0x7FFFFFFF, v35;
	(erf) = vpow2.f32 v55  }
0x10a: {  	v48 =	vmul.f32 $1.442695020e+00, v39;
	vm10 =	vlt.s32 v35, $0x0;
	(erf) = vpow2.f32 v47  }
0x10b: {  	v60 =	vxor.u32 $0x7FFFFFFF, v38;
	vm11 =	vlt.s32 v38, $0x0;
	(erf) = vpow2.f32 v57  }
0x10c: {  	v62 =	vxor.u32 $0x7FFFFFFF, v39;
	vm6 =	vlt.s32 v39, $0x0;
	(erf) = vpow2.f32 v48  }
0x10d: {  	v40 =	vsel vm12, v61, v40;
	v34 =	vsel vm14, v53, v41;
	(erf) = vpow2.f32 v59  }
0x10e: {  	v56 =	vxor.u32 $0x7FFFFFFF, v43;
	vm9 =	vlt.s32 v43, $0x0;
	vm7 =	vlt.s32 v40, v25  }
0x10f: {  	v52 =	vsel vm15, v44, v42;
	v35 =	vsel vm10, v58, v35;
	v39 =	vsel vm6, v62, v39;
	v51 =	vpop (erf)  }
0x110: {  	vm0 =	vlt.s32 v34, v18;
	v37 =	vsel vm9, v56, v43;
	v54 =	vsel vm11, v60, v38;
	v53 =	vpop (erf)  }
0x111: {  	v56 =	vsel vm13, v63, v46;
	vm1 =	vlt.s32 v52, v19;
	vm3 =	vlt.s32 v35, v21;
	v55 =	vpop (erf)  }
0x112: {  	s17 =	sadd.s32 $0x1, s17;
	vm14 =	vlt.s32 v39, v23;
	vm2 =	vlt.s32 v37, v20;
	vm4 =	vlt.s32 v54, v22;
	v57 =	vpop (erf)  }
0x113: {  	p0 =	sne.s32 s17, $0x8;
	vm15 =	vlt.s32 v56, v24;
	v40 =	vsel vm7, $0x0, v51;
	v59 =	vsel vm0, $0x0, v53;
	v58 =	vpop (erf)  }
.Ltmp8:
0x114: {  	v33 =	vadd.f32 v40, v33;
	v38 =	vsel vm1, $0x0, v55;
	v32 =	vadd.f32 v59, v32;
	v60 =	vpop (erf);
	(pc) =	sbr.rel @p0 .LBB2_12-.Ltmp8, $4  }
0x115: {  	v34 =	vsel vm2, $0x0, v57;
	v31 =	vadd.f32 v38, v31;
	v35 =	vsel vm3, $0x0, v58;
	v61 =	vpop (erf)  }
0x116: {  	v30 =	vadd.f32 v34, v30;
	v37 =	vsel vm4, $0x0, v60;
	v29 =	vadd.f32 v35, v29;
	v62 =	vpop (erf)  }
0x117: {  	v39 =	vsel vm14, $0x0, v61;
	v28 =	vadd.f32 v37, v28;
	v63 =	vsel vm15, $0x0, v62  }
0x118: {  	v27 =	vadd.f32 v39, v27;
	v26 =	vadd.f32 v63, v26  }
0x119: {  	s15 =	sadd.s32 $0x1, s15  }
0x11a: {  	vm0 =	vge.f32 v32, $8.500000230e-01;
	p0 =	sne.s32 s15, $0x20  }
.Ltmp9:
0x11b: {  	vm1 =	vge.f32 v31, $8.500000230e-01;
	vm11 =	vge.f32 v30, $8.500000230e-01;
	vm12 =	vge.f32 v29, $8.500000230e-01;
	(pc) =	sbr.rel @p0 .LBB2_11-.Ltmp9, $4  }
0x11c: {  	vm2 =	vge.f32 v28, $8.500000230e-01;
	vm15 =	vge.f32 v33, $8.500000230e-01;
	v17 =	vsel vm0, v8, v17  }
0x11d: {  	v16 =	vsel vm1, v9, v16;
	v15 =	vsel vm11, v5, v15;
	v14 =	vsel vm12, v6, v14  }
0x11e: {  	v13 =	vsel vm2, v7, v13;
	vm13 =	vge.f32 v27, $8.500000230e-01;
	vm14 =	vge.f32 v26, $8.500000230e-01  }
0x11f: {  	v10 =	vsel vm15, v4, v10;
	v12 =	vsel vm13, v2, v12;
	v11 =	vsel vm14, v3, v11  }
0x120: {  	v2 =	vxor.u32 $0x80000000, v17  }
0x121: {  	v3 =	vxor.u32 $0x80000000, v16;
	v4 =	vxor.u32 $0x80000000, v15;
	v5 =	vxor.u32 $0x80000000, v14  }
0x122: {  	v6 =	vxor.u32 $0x80000000, v13;
	v7 =	vxor.u32 $0x80000000, v12;
	v8 =	vxor.u32 $0x80000000, v11  }
0x123: {  	v9 =	vxor.u32 $0x80000000, v10;
	v25 =	vimm.f32 $0.0e+00;
	v18 =	vimm.f32 $0.0e+00  }
0x124: {  	v19 =	vimm.f32 $0.0e+00;
	v20 =	vimm.f32 $0.0e+00;
	v21 =	vimm.f32 $0.0e+00  }
0x125: {  	s15 =	simm.s32 $0x0;
	v22 =	vimm.f32 $0.0e+00;
	v23 =	vimm.f32 $0.0e+00;
	v24 =	vimm.f32 $0.0e+00;
	s16 =	simm.s32 $0x0  }
.LBB2_17:
0x126: {  	s17 =	sshll.u32 s16, $0xF  }
0x127: {  	s17 =	sadd.s32 s17, s5  }
0x128: {  	[tilespmem:s15], [sflag:$0x1] =	stream.strided.gather [hbm4b:s17+s9], $0x10000, s10, s9, $0x38;
	[tilespmem:$0x18000] =	vst v63  }
0x129: {  	_ =	swait.ge [sflag:s11], $0x10000  }
0x12a: {  	[sflag:s11] =	ssyncset.done $0x0  }
0x12b: {  	s31 =	simm.s32 $0x0;
	[sflag:s11] =	ssyncadd.s32 $0xFFFF0000  }
0x12c: {  	v26 =	vld [tilespmem:s31+$0x70];
	_ =	sdelay $0x1  }
0x12d: {  	v27 =	vld [tilespmem:s31+$0x0]  }
0x12e: {  	v28 =	vld [tilespmem:s31+$0x10]  }
0x12f: {  	v29 =	vld [tilespmem:s31+$0x20]  }
0x130: {  	v30 =	vld [tilespmem:s31+$0x30];
	v32 =	vmul.f32 $1.442695020e+00, v26  }
0x131: {  	v31 =	vld [tilespmem:s31+$0x40]  }
0x132: {  	(erf) = vpow2.f32 v32  }
0x133: {  	v35 =	vld [tilespmem:s31+$0x50];
	v33 =	vxor.u32 $0x7FFFFFFF, v27;
	v34 =	vmul.f32 $1.442695020e+00, v27  }
0x134: {  	v38 =	vld [tilespmem:s31+$0x60];
	vm0 =	vlt.s32 v27, $0x0;
	v37 =	vmul.f32 $1.442695020e+00, v28;
	v55 =	vmul.f32 $1.442695020e+00, v29  }
0x135: {  	v36 =	vxor.u32 $0x7FFFFFFF, v28;
	v39 =	vmul.f32 $1.442695020e+00, v30;
	(erf) = vpow2.f32 v34  }
0x136: {  	vm1 =	vlt.s32 v28, $0x0;
	v57 =	vmul.f32 $1.442695020e+00, v31;
	(erf) = vpow2.f32 v37  }
0x137: {  	v61 =	vxor.u32 $0x7FFFFFFF, v26;
	vm5 =	vlt.s32 v26, $0x0;
	(erf) = vpow2.f32 v55  }
0x138: {  	v40 =	vmul.f32 $1.442695020e+00, v35;
	v26 =	vsel vm5, v61, v26;
	(erf) = vpow2.f32 v39  }
0x139: {  	v56 =	vxor.u32 $0x7FFFFFFF, v29;
	v59 =	vmul.f32 $1.442695020e+00, v38;
	(erf) = vpow2.f32 v57  }
0x13a: {  	vm2 =	vlt.s32 v29, $0x0;
	v58 =	vxor.u32 $0x7FFFFFFF, v30;
	(erf) = vpow2.f32 v40  }
0x13b: {  	vm3 =	vlt.s32 v30, $0x0;
	vm7 =	vgt.s32 v26, v9;
	(erf) = vpow2.f32 v59;
	v26 =	vpop (erf)  }
0x13c: {  	v60 =	vxor.u32 $0x7FFFFFFF, v31;
	v33 =	vsel vm0, v33, v27;
	v27 =	vnsel vm7, $0x0, v26  }
0x13d: {  	vm4 =	vlt.s32 v31, $0x0;
	v62 =	vxor.u32 $0x7FFFFFFF, v35;
	vm6 =	vlt.s32 v35, $0x0  }
0x13e: {  	v63 =	vxor.u32 $0x7FFFFFFF, v38;
	vm5 =	vlt.s32 v38, $0x0;
	v36 =	vsel vm1, v36, v28;
	v26 =	vpop (erf)  }
0x13f: {  	v31 =	vsel vm4, v60, v31;
	v35 =	vsel vm6, v62, v35;
	v25 =	vadd.f32 v27, v25;
	v27 =	vpop (erf)  }
0x140: {  	v32 =	vsel vm3, v58, v30;
	vm3 =	vgt.s32 v33, v2;
	vm4 =	vgt.s32 v36, v3;
	v28 =	vpop (erf)  }
0x141: {  	vm1 =	vgt.s32 v35, v7;
	v34 =	vsel vm2, v56, v29;
	v29 =	vsel vm5, v63, v38;
	v30 =	vpop (erf)  }
0x142: {  	s18 =	simm.s32 $0x80;
	s17 =	simm.s32 $0x400;
	vm5 =	vgt.s32 v32, v5;
	vm2 =	vgt.s32 v31, v6;
	vm0 =	vgt.s32 v34, v4;
	v31 =	vpop (erf)  }
.LBB2_18:
0x143: {  	p0 =	sne.s32 s17, $0x3FE00;
	v32 =	vld [tilespmem:s18+$0x70];
	v26 =	vnsel vm3, $0x0, v26;
	v27 =	vnsel vm4, $0x0, v27;
	vm3 =	vgt.s32 v29, v8;
	v29 =	vpop (erf)  }
0x144: {  	v28 =	vnsel vm0, $0x0, v28;
	v30 =	vnsel vm5, $0x0, v30;
	v31 =	vnsel vm2, $0x0, v31;
	v33 =	vld [tilespmem:s18+$0x0];
	v34 =	vpop (erf)  }
0x145: {  	v24 =	vadd.f32 v26, v24;
	v26 =	vnsel vm1, $0x0, v29;
	v35 =	vld [tilespmem:s18+$0x10];
	v29 =	vnsel vm3, $0x0, v34  }
0x146: {  	v23 =	vadd.f32 v27, v23;
	v22 =	vadd.f32 v28, v22;
	v34 =	vld [tilespmem:s18+$0x20]  }
0x147: {  	v21 =	vadd.f32 v30, v21;
	v20 =	vadd.f32 v31, v20;
	v27 =	vld [tilespmem:s18+$0x30]  }
0x148: {  	v19 =	vadd.f32 v26, v19;
	v18 =	vadd.f32 v29, v18;
	v28 =	vld [tilespmem:s18+$0x40];
	v30 =	vmul.f32 $1.442695020e+00, v32  }
0x149: {  	v26 =	vxor.u32 $0x7FFFFFFF, v33;
	vm0 =	vlt.s32 v33, $0x0;
	v29 =	vmul.f32 $1.442695020e+00, v33;
	v31 =	vld [tilespmem:s18+$0x50]  }
0x14a: {  	v36 =	vxor.u32 $0x7FFFFFFF, v35;
	v37 =	vmul.f32 $1.442695020e+00, v35;
	v38 =	vld [tilespmem:s18+$0x60];
	(erf) = vpow2.f32 v30  }
0x14b: {  	vm1 =	vlt.s32 v35, $0x0;
	v30 =	vmul.f32 $1.442695020e+00, v34;
	(erf) = vpow2.f32 v29  }
0x14c: {  	v29 =	vxor.u32 $0x7FFFFFFF, v34;
	v39 =	vmul.f32 $1.442695020e+00, v27;
	(erf) = vpow2.f32 v37  }
0x14d: {  	vm2 =	vlt.s32 v34, $0x0;
	v37 =	vmul.f32 $1.442695020e+00, v28;
	(erf) = vpow2.f32 v30  }
0x14e: {  	v30 =	vxor.u32 $0x7FFFFFFF, v27;
	v40 =	vmul.f32 $1.442695020e+00, v31;
	(erf) = vpow2.f32 v39  }
0x14f: {  	vm3 =	vlt.s32 v27, $0x0;
	v39 =	vmul.f32 $1.442695020e+00, v38;
	(erf) = vpow2.f32 v37  }
0x150: {  	vm4 =	vlt.s32 v28, $0x0;
	v37 =	vxor.u32 $0x7FFFFFFF, v28;
	(erf) = vpow2.f32 v40  }
0x151: {  	vm5 =	vlt.s32 v32, $0x0;
	v40 =	vxor.u32 $0x7FFFFFFF, v32;
	(erf) = vpow2.f32 v39  }
0x152: {  	vm6 =	vlt.s32 v31, $0x0;
	v39 =	vxor.u32 $0x7FFFFFFF, v31;
	v41 =	vsel vm5, v40, v32  }
0x153: {  	v40 =	vxor.u32 $0x7FFFFFFF, v38;
	vm5 =	vlt.s32 v38, $0x0;
	vm7 =	vgt.s32 v41, v9;
	v32 =	vpop (erf)  }
.Ltmp10:
0x154: {  	v33 =	vsel vm0, v26, v33;
	v35 =	vsel vm1, v36, v35;
	v32 =	vnsel vm7, $0x0, v32;
	v26 =	vpop (erf);
	(pc) =	sbr.rel @p0 .LBB2_18-.Ltmp10, $4  }
0x155: {  	v34 =	vsel vm2, v29, v34;
	v36 =	vsel vm3, v30, v27;
	v25 =	vadd.f32 v32, v25;
	v27 =	vpop (erf)  }
0x156: {  	v29 =	vsel vm5, v40, v38;
	v32 =	vsel vm4, v37, v28;
	v37 =	vsel vm6, v39, v31;
	v28 =	vpop (erf)  }
0x157: {  	vm0 =	vgt.s32 v34, v4;
	vm3 =	vgt.s32 v33, v2;
	vm4 =	vgt.s32 v35, v3;
	v30 =	vpop (erf)  }
0x158: {  	s18 =	sshra.s32 s17, $0x2;
	s17 =	sadd.s32 $0x200, s17;
	vm5 =	vgt.s32 v36, v5;
	vm2 =	vgt.s32 v32, v6;
	vm1 =	vgt.s32 v37, v7;
	v31 =	vpop (erf)  }
0x159: {  	v32 =	vld [tilespmem:s18+$0x70]  }
0x15a: {  	v33 =	vld [tilespmem:s18+$0x0]  }
0x15b: {  	v26 =	vnsel vm3, $0x0, v26;
	v27 =	vnsel vm4, $0x0, v27;
	v34 =	vld [tilespmem:s18+$0x10]  }
0x15c: {  	vm13 =	vgt.s32 v29, v8;
	v28 =	vnsel vm0, $0x0, v28;
	v30 =	vnsel vm5, $0x0, v30;
	v61 =	vld [tilespmem:s18+$0x20]  }
0x15d: {  	v59 =	vpop (erf);
	v31 =	vnsel vm2, $0x0, v31;
	v63 =	vld [tilespmem:s18+$0x40];
	v24 =	vadd.f32 v26, v24;
	v23 =	vadd.f32 v27, v23  }
0x15e: {  	v44 =	vld [tilespmem:s18+$0x50];
	v35 =	vpop (erf);
	v26 =	vnsel vm1, $0x0, v59;
	v22 =	vadd.f32 v28, v22;
	v21 =	vadd.f32 v30, v21  }
0x15f: {  	v38 =	vld [tilespmem:s18+$0x60];
	v20 =	vadd.f32 v31, v20;
	v60 =	vnsel vm13, $0x0, v35;
	v19 =	vadd.f32 v26, v19  }
0x160: {  	v27 =	vld [tilespmem:s18+$0x30];
	v18 =	vadd.f32 v60, v18;
	v62 =	vmul.f32 $1.442695020e+00, v32;
	v26 =	vxor.u32 $0x7FFFFFFF, v33  }
0x161: {  	vm14 =	vlt.s32 v33, $0x0;
	v43 =	vmul.f32 $1.442695020e+00, v33;
	v37 =	vmul.f32 $1.442695020e+00, v34  }
0x162: {  	v36 =	vxor.u32 $0x7FFFFFFF, v34;
	v45 =	vmul.f32 $1.442695020e+00, v61;
	v47 =	vmul.f32 $1.442695020e+00, v63  }
0x163: {  	vm15 =	vlt.s32 v34, $0x0;
	v40 =	vmul.f32 $1.442695020e+00, v44;
	(erf) = vpow2.f32 v62  }
0x164: {  	v46 =	vxor.u32 $0x7FFFFFFF, v61;
	v49 =	vmul.f32 $1.442695020e+00, v38;
	(erf) = vpow2.f32 v43  }
0x165: {  	vm9 =	vlt.s32 v61, $0x0;
	v39 =	vmul.f32 $1.442695020e+00, v27;
	(erf) = vpow2.f32 v37  }
0x166: {  	v50 =	vxor.u32 $0x7FFFFFFF, v63;
	vm11 =	vlt.s32 v63, $0x0;
	(erf) = vpow2.f32 v45  }
0x167: {  	v51 =	vxor.u32 $0x7FFFFFFF, v32;
	vm12 =	vlt.s32 v32, $0x0;
	(erf) = vpow2.f32 v39  }
0x168: {  	v52 =	vxor.u32 $0x7FFFFFFF, v44;
	vm6 =	vlt.s32 v44, $0x0;
	(erf) = vpow2.f32 v47  }
0x169: {  	v53 =	vxor.u32 $0x7FFFFFFF, v38;
	vm13 =	vlt.s32 v38, $0x0;
	(erf) = vpow2.f32 v40  }
0x16a: {  	v48 =	vxor.u32 $0x7FFFFFFF, v27;
	vm10 =	vlt.s32 v27, $0x0;
	(erf) = vpow2.f32 v49  }
0x16b: {  	v32 =	vsel vm12, v51, v32;
	v26 =	vsel vm14, v26, v33;
	v55 =	vsel vm15, v36, v34  }
0x16c: {  	v29 =	vsel vm9, v46, v61;
	v57 =	vsel vm11, v50, v63;
	v31 =	vsel vm6, v52, v44;
	v54 =	vpop (erf)  }
0x16d: {  	v59 =	vsel vm13, v53, v38;
	vm7 =	vgt.s32 v32, v9;
	v27 =	vsel vm10, v48, v27;
	v56 =	vpop (erf)  }
0x16e: {  	vm0 =	vgt.s32 v26, v2;
	vm1 =	vgt.s32 v55, v3;
	vm2 =	vgt.s32 v29, v4;
	v58 =	vpop (erf)  }
0x16f: {  	s16 =	sadd.s32 $0x1, s16;
	vm4 =	vgt.s32 v57, v6;
	vm14 =	vgt.s32 v31, v7;
	vm15 =	vgt.s32 v59, v8;
	v26 =	vpop (erf)  }
0x170: {  	p0 =	sne.s32 s16, $0x8;
	vm3 =	vgt.s32 v27, v5;
	v32 =	vnsel vm7, $0x0, v54;
	v60 =	vnsel vm0, $0x0, v56;
	v27 =	vpop (erf)  }
.Ltmp11:
0x171: {  	v25 =	vadd.f32 v32, v25;
	v30 =	vnsel vm1, $0x0, v58;
	v24 =	vadd.f32 v60, v24;
	v61 =	vpop (erf);
	(pc) =	sbr.rel @p0 .LBB2_17-.Ltmp11, $4  }
0x172: {  	v26 =	vnsel vm2, $0x0, v26;
	v23 =	vadd.f32 v30, v23;
	v27 =	vnsel vm3, $0x0, v27;
	v62 =	vpop (erf)  }
0x173: {  	v22 =	vadd.f32 v26, v22;
	v29 =	vnsel vm4, $0x0, v61;
	v21 =	vadd.f32 v27, v21;
	v63 =	vpop (erf)  }
0x174: {  	v31 =	vnsel vm14, $0x0, v62;
	v20 =	vadd.f32 v29, v20;
	v26 =	vnsel vm15, $0x0, v63  }
0x175: {  	v19 =	vadd.f32 v31, v19;
	v18 =	vadd.f32 v26, v18  }
0x176: {  	vm0 =	vlt.s32 v17, $0x0;
	v17 =	vxor.u32 $0xFFFFFFFF, v17;
	vm9 =	vlt.s32 v16, $0x0  }
0x177: {  	v16 =	vxor.u32 $0xFFFFFFFF, v16;
	vm10 =	vlt.s32 v15, $0x0;
	v15 =	vxor.u32 $0xFFFFFFFF, v15  }
0x178: {  	vm11 =	vlt.s32 v14, $0x0;
	v14 =	vxor.u32 $0xFFFFFFFF, v14;
	vm12 =	vlt.s32 v13, $0x0  }
0x179: {  	v13 =	vxor.u32 $0xFFFFFFFF, v13;
	vm13 =	vlt.s32 v12, $0x0;
	v12 =	vxor.u32 $0xFFFFFFFF, v12  }
0x17a: {  	vm14 =	vlt.s32 v11, $0x0;
	v11 =	vxor.u32 $0xFFFFFFFF, v11;
	v17 =	vsel vm0, v2, v17  }
0x17b: {  	vm15 =	vlt.s32 v10, $0x0;
	v16 =	vsel vm9, v3, v16;
	v17 =	vmul.f32 $1.442695020e+00, v17  }
0x17c: {  	v10 =	vxor.u32 $0xFFFFFFFF, v10;
	v15 =	vsel vm10, v4, v15;
	v16 =	vmul.f32 $1.442695020e+00, v16  }
0x17d: {  	v14 =	vsel vm11, v5, v14;
	v15 =	vmul.f32 $1.442695020e+00, v15;
	(erf) = vpow2.f32 v17  }
0x17e: {  	v13 =	vsel vm12, v6, v13;
	v14 =	vmul.f32 $1.442695020e+00, v14;
	(erf) = vpow2.f32 v16  }
0x17f: {  	v12 =	vsel vm13, v7, v12;
	v13 =	vmul.f32 $1.442695020e+00, v13;
	(erf) = vpow2.f32 v15  }
0x180: {  	v11 =	vsel vm14, v8, v11;
	v12 =	vmul.f32 $1.442695020e+00, v12;
	(erf) = vpow2.f32 v14  }
0x181: {  	v10 =	vsel vm15, v9, v10;
	v11 =	vmul.f32 $1.442695020e+00, v11;
	(erf) = vpow2.f32 v13  }
0x182: {  	v10 =	vmul.f32 $1.442695020e+00, v10;
	(erf) = vpow2.f32 v12  }
0x183: {  	(erf) = vpow2.f32 v11  }
0x184: {  	(erf) = vpow2.f32 v10;
	_ =	sdelay $0x1  }
0x185: {  	v26 =	vpop (erf)  }
0x186: {  	v27 =	vpop (erf)  }
0x187: {  	v28 =	vpop (erf)  }
0x188: {  	v29 =	vpop (erf)  }
0x189: {  	v30 =	vpop (erf)  }
0x18a: {  	v17 =	vimm.s32 $0x0;
	v16 =	vimm.s32 $0x0;
	v31 =	vpop (erf)  }
0x18b: {  	v15 =	vimm.s32 $0x0;
	v14 =	vimm.s32 $0x0;
	v13 =	vimm.s32 $0x0;
	v32 =	vpop (erf)  }
0x18c: {  	s16 =	simm.s32 $0x0;
	v12 =	vimm.s32 $0x0;
	v11 =	vimm.s32 $0x0;
	v10 =	vimm.s32 $0x0;
	v33 =	vpop (erf)  }
.LBB2_21:
0x18d: {  	v40 =	vimm.f32 $0.0e+00  }
0x18e: {  	v42 =	vimm.f32 $0.0e+00;
	v44 =	vimm.f32 $0.0e+00;
	v45 =	vimm.f32 $0.0e+00  }
0x18f: {  	s15 =	sshrl.u32 s10, s16;
	v46 =	vimm.f32 $0.0e+00;
	v47 =	vimm.f32 $0.0e+00;
	v48 =	vimm.f32 $0.0e+00  }
0x190: {  	v49 =	vimm.f32 $0.0e+00;
	v43 =	vor.u32 s15, v17;
	v41 =	vor.u32 s15, v16  }
0x191: {  	v37 =	vor.u32 s15, v15;
	v38 =	vor.u32 s15, v14;
	v39 =	vor.u32 s15, v13  }
0x192: {  	s17 =	simm.s32 $0x0;
	v34 =	vor.u32 s15, v12;
	v35 =	vor.u32 s15, v11;
	v36 =	vor.u32 s15, v10;
	s15 =	simm.s32 $0x0  }
.LBB2_22:
0x193: {  	s18 =	sshll.u32 s17, $0xF  }
0x194: {  	s19 =	simm.s32 $0x0;
	s18 =	sadd.s32 s18, s5  }
0x195: {  	[tilespmem:s19], [sflag:$0x1] =	stream.strided.gather [hbm4b:s18+s9], $0x10000, s10, s9, $0x38;
	[tilespmem:$0x18000] =	vst v63  }
0x196: {  	_ =	swait.ge [sflag:s11], $0x10000  }
0x197: {  	[sflag:s11] =	ssyncset.done $0x0  }
0x198: {  	s30 =	simm.s32 $0x40;
	[sflag:s11] =	ssyncadd.s32 $0xFFFF0000  }
0x199: {  	v50 =	vld [tilespmem:s30+$0xFFFFFFC0]  }
0x19a: {  	v51 =	vld [tilespmem:s30+$0x10]  }
0x19b: {  	v52 =	vld [tilespmem:s30+$0x30]  }
0x19c: {  	v53 =	vld [tilespmem:s30+$0x20]  }
0x19d: {  	v55 =	vld [tilespmem:s30+$0xFFFFFFF0]  }
0x19e: {  	s31 =	sadd.s32 $0x0, s15;
	v57 =	vld [tilespmem:s30+$0xFFFFFFD0]  }
0x19f: {  	v54 =	vmov s31  }
0x1a0: {  	vm0 =	vlt.s32 v54, v36;
	vm3 =	vlt.s32 v54, v35;
	vm4 =	vlt.s32 v54, v37;
	v61 =	vld [tilespmem:s30+$0x0]  }
0x1a1: {  	vm5 =	vlt.s32 v54, v41;
	vm11 =	vlt.s32 v54, v34;
	v56 =	vxor.u32 $0x7FFFFFFF, v50  }
0x1a2: {  	vm1 =	vlt.s32 v50, $0x0;
	v58 =	vxor.u32 $0x7FFFFFFF, v52;
	v60 =	vxor.u32 $0x7FFFFFFF, v55  }
0x1a3: {  	vm6 =	vlt.s32 v51, $0x0;
	vm7 =	vlt.s32 v53, $0x0;
	vm8 =	vlt.s32 v57, $0x0  }
0x1a4: {  	v63 =	vxor.u32 $0x7FFFFFFF, v51;
	vm9 =	vlt.s32 v52, $0x0;
	vm12 =	vlt.s32 v55, $0x0  }
0x1a5: {  	vm15 =	vlt.s32 v61, $0x0;
	v50 =	vsel vm1, v56, v50;
	vm1 =	vlt.s32 v54, v43  }
0x1a6: {  	v56 =	vld [tilespmem:s30+$0xFFFFFFE0];
	v51 =	vsel vm6, v63, v51;
	v63 =	vxor.u32 $0x7FFFFFFF, v61;
	vm2 =	veq.s32 v50, v2  }
0x1a7: {  	v50 =	vxor.u32 $0x7FFFFFFF, v53;
	vm14 =	veq.s32 v51, v7;
	vm1 =	vmand vm1, vm2  }
0x1a8: {  	v51 =	vsel vm12, v60, v55;
	vm2 =	vlt.s32 v54, v39;
	v59 =	vsel vm1, $0x3F800000, v1  }
0x1a9: {  	v53 =	vsel vm7, v50, v53;
	v49 =	vadd.f32 v59, v49;
	v59 =	vxor.u32 $0x7FFFFFFF, v57  }
0x1aa: {  	v50 =	vsel vm15, v63, v61;
	vm1 =	vlt.s32 v54, v38;
	v59 =	vsel vm8, v59, v57  }
0x1ab: {  	v62 =	vxor.u32 $0x7FFFFFFF, v56;
	vm10 =	vlt.s32 v56, $0x0;
	vm13 =	veq.s32 v59, v3  }
0x1ac: {  	vm8 =	vmand vm11, vm14;
	v59 =	vsel vm10, v62, v56;
	vm5 =	vmand vm5, vm13  }
0x1ad: {  	v62 =	vsel vm9, v58, v52;
	v57 =	vsel vm5, $0x3F800000, v1;
	vm5 =	veq.s32 v59, v4  }
0x1ae: {  	v52 =	vsel vm8, $0x3F800000, v1;
	vm4 =	vmand vm4, vm5;
	vm5 =	veq.s32 v53, v8  }
0x1af: {  	v48 =	vadd.f32 v57, v48;
	v63 =	vsel vm4, $0x3F800000, v1;
	vm3 =	vmand vm3, vm5  }
0x1b0: {  	s18 =	simm.s32 $0x1;
	s19 =	simm.s32 $0xC0;
	v47 =	vadd.f32 v63, v47;
	v53 =	vsel vm3, $0x3F800000, v1;
	vm3 =	veq.s32 v62, v9  }
.LBB2_23:
0x1b1: {  	v54 =	vld [tilespmem:s19+$0xFFFFFFC0];
	p0 =	sne.s32 s18, $0x1FF;
	vm4 =	veq.s32 v50, v6;
	v44 =	vadd.f32 v52, v44;
	v42 =	vadd.f32 v53, v42;
	s20 =	smov.u32 s18;
	s18 =	sadd.s32 $0x1, s18  }
0x1b2: {  	vm5 =	veq.s32 v51, v5;
	vm0 =	vmand vm0, vm3;
	v50 =	vld [tilespmem:s19+$0x10];
	vm2 =	vmand vm2, vm4  }
0x1b3: {  	vm1 =	vmand vm1, vm5;
	v53 =	vsel vm0, $0x3F800000, v1;
	v51 =	vld [tilespmem:s19+$0x30];
	v52 =	vsel vm2, $0x3F800000, v1  }
0x1b4: {  	s20 =	sadd.s32 s20, s15;
	v56 =	vsel vm1, $0x3F800000, v1;
	v40 =	vadd.f32 v53, v40;
	v55 =	vld [tilespmem:s19+$0x20];
	v45 =	vadd.f32 v52, v45  }
0x1b5: {  	v52 =	vmov s20;
	v46 =	vadd.f32 v56, v46;
	v53 =	vld [tilespmem:s19+$0xFFFFFFF0]  }
0x1b6: {  	vm0 =	vlt.s32 v52, v36;
	v56 =	vxor.u32 $0x7FFFFFFF, v54;
	vm1 =	vlt.s32 v54, $0x0;
	v57 =	vld [tilespmem:s19+$0xFFFFFFD0]  }
0x1b7: {  	vm3 =	vlt.s32 v52, v35;
	v54 =	vsel vm1, v56, v54;
	vm1 =	vlt.s32 v52, v43;
	v56 =	vld [tilespmem:s19+$0xFFFFFFE0]  }
0x1b8: {  	vm4 =	vlt.s32 v52, v37;
	vm2 =	veq.s32 v54, v2;
	v54 =	vld [tilespmem:s19+$0x0];
	v58 =	vxor.u32 $0x7FFFFFFF, v51  }
0x1b9: {  	vm5 =	vlt.s32 v52, v41;
	vm1 =	vmand vm1, vm2;
	v59 =	vxor.u32 $0x7FFFFFFF, v55  }
0x1ba: {  	v60 =	vsel vm1, $0x3F800000, v1;
	v61 =	vxor.u32 $0x7FFFFFFF, v53;
	vm1 =	vlt.s32 v52, v38  }
0x1bb: {  	vm2 =	vlt.s32 v52, v39;
	v49 =	vadd.f32 v60, v49;
	v60 =	vxor.u32 $0x7FFFFFFF, v57  }
0x1bc: {  	vm6 =	vlt.s32 v50, $0x0;
	vm7 =	vlt.s32 v55, $0x0;
	v62 =	vxor.u32 $0x7FFFFFFF, v56  }
0x1bd: {  	v63 =	vxor.u32 $0x7FFFFFFF, v50;
	vm9 =	vlt.s32 v51, $0x0;
	vm8 =	vlt.s32 v57, $0x0  }
0x1be: {  	vm11 =	vlt.s32 v52, v34;
	v55 =	vsel vm7, v59, v55;
	vm10 =	vlt.s32 v56, $0x0  }
0x1bf: {  	v50 =	vsel vm6, v63, v50;
	vm7 =	vlt.s32 v53, $0x0;
	v52 =	vsel vm8, v60, v57  }
0x1c0: {  	vm8 =	veq.s32 v50, v7;
	vm6 =	veq.s32 v52, v3;
	v52 =	vxor.u32 $0x7FFFFFFF, v54  }
0x1c1: {  	vm8 =	vmand vm11, vm8;
	vm5 =	vmand vm5, vm6;
	vm6 =	vlt.s32 v54, $0x0  }
.Ltmp12:
0x1c2: {  	v56 =	vsel vm10, v62, v56;
	v57 =	vsel vm5, $0x3F800000, v1;
	v50 =	vsel vm6, v52, v54;
	(pc) =	sbr.rel @p0 .LBB2_23-.Ltmp12, $4  }
0x1c3: {  	vm5 =	veq.s32 v56, v4;
	v54 =	vsel vm9, v58, v51;
	v48 =	vadd.f32 v57, v48  }
0x1c4: {  	v52 =	vsel vm8, $0x3F800000, v1;
	vm4 =	vmand vm4, vm5;
	vm5 =	veq.s32 v55, v8  }
0x1c5: {  	v51 =	vsel vm7, v61, v53;
	v55 =	vsel vm4, $0x3F800000, v1;
	vm3 =	vmand vm3, vm5  }
0x1c6: {  	s19 =	sadd.s32 $0x80, s19;
	v47 =	vadd.f32 v55, v47;
	v53 =	vsel vm3, $0x3F800000, v1;
	vm3 =	veq.s32 v54, v9  }
0x1c7: {  	s17 =	sadd.s32 $0x1, s17  }
0x1c8: {  	p0 =	sne.s32 s17, $0x8  }
.Ltmp13:
0x1c9: {  	vm4 =	veq.s32 v50, v6;
	v44 =	vadd.f32 v52, v44;
	(pc) =	sbr.rel @p0 .LBB2_22-.Ltmp13, $4  }
0x1ca: {  	v42 =	vadd.f32 v53, v42;
	vm5 =	veq.s32 v51, v5;
	vm0 =	vmand vm0, vm3  }
0x1cb: {  	vm2 =	vmand vm2, vm4;
	vm1 =	vmand vm1, vm5;
	v62 =	vsel vm0, $0x3F800000, v1  }
0x1cc: {  	v61 =	vsel vm2, $0x3F800000, v1;
	v63 =	vsel vm1, $0x3F800000, v1;
	v40 =	vadd.f32 v62, v40  }
0x1cd: {  	s15 =	sadd.s32 $0x200, s15;
	v45 =	vadd.f32 v61, v45;
	v46 =	vadd.f32 v63, v46  }
0x1ce: {  	v49 =	vadd.f32 $-1.000000000e+00, v49;
	v48 =	vadd.f32 $-1.000000000e+00, v48  }
0x1cf: {  	v47 =	vadd.f32 $-1.000000000e+00, v47;
	v44 =	vadd.f32 $-1.000000000e+00, v44  }
0x1d0: {  	v42 =	vadd.f32 $-1.000000000e+00, v42;
	v40 =	vadd.f32 $-1.000000000e+00, v40  }
0x1d1: {  	v46 =	vadd.f32 $-1.000000000e+00, v46;
	v45 =	vadd.f32 $-1.000000000e+00, v45;
	v49 =	vmax.f32 v49, $0.0e+00  }
0x1d2: {  	v48 =	vmax.f32 v48, $0.0e+00;
	v47 =	vmax.f32 v47, $0.0e+00;
	v44 =	vmax.f32 v44, $0.0e+00  }
0x1d3: {  	v42 =	vmax.f32 v42, $0.0e+00;
	v49 =	vmul.f32 v49, v26;
	v48 =	vmul.f32 v48, v27  }
0x1d4: {  	v40 =	vmax.f32 v40, $0.0e+00;
	v61 =	vmul.f32 v47, v28;
	v44 =	vmul.f32 v44, v31  }
0x1d5: {  	v45 =	vmax.f32 v45, $0.0e+00;
	v42 =	vmul.f32 v42, v32;
	v40 =	vmul.f32 v40, v33  }
0x1d6: {  	v45 =	vmul.f32 v45, v30;
	v49 =	vadd.f32 v49, v24;
	v48 =	vadd.f32 v48, v23  }
0x1d7: {  	v62 =	vmax.f32 v46, $0.0e+00;
	v63 =	vadd.f32 v44, v19;
	v42 =	vadd.f32 v42, v18  }
0x1d8: {  	s16 =	sadd.s32 $0x1, s16;
	v40 =	vadd.f32 v40, v25;
	v45 =	vadd.f32 v45, v20;
	vm11 =	vlt.f32 v48, $8.500000230e-01  }
0x1d9: {  	p0 =	sne.s32 s16, $0xD;
	vm0 =	vlt.f32 v49, $8.500000230e-01;
	v16 =	vsel vm11, v41, v16;
	v41 =	vmul.f32 v62, v29  }
.Ltmp14:
0x1da: {  	vm13 =	vlt.f32 v63, $8.500000230e-01;
	vm14 =	vlt.f32 v42, $8.500000230e-01;
	vm15 =	vlt.f32 v40, $8.500000230e-01;
	(pc) =	sbr.rel @p0 .LBB2_21-.Ltmp14, $4  }
0x1db: {  	v17 =	vsel vm0, v43, v17;
	v43 =	vadd.f32 v61, v22;
	v41 =	vadd.f32 v41, v21  }
0x1dc: {  	vm2 =	vlt.f32 v45, $8.500000230e-01;
	v12 =	vsel vm13, v34, v12;
	v11 =	vsel vm14, v35, v11  }
0x1dd: {  	v10 =	vsel vm15, v36, v10;
	vm12 =	vlt.f32 v43, $8.500000230e-01;
	vm1 =	vlt.f32 v41, $8.500000230e-01  }
0x1de: {  	s15 =	simm.s32 $0x0;
	v13 =	vsel vm2, v39, v13;
	v15 =	vsel vm12, v37, v15;
	v14 =	vsel vm1, v38, v14  }
0x1df: {  	s16 =	simm.s32 $0x0;
	s17 =	simm.s32 $0x0  }
.LBB2_27:
0x1e0: {  	s18 =	sshll.u32 s17, $0xF  }
0x1e1: {  	s18 =	sadd.s32 s6, s18  }
0x1e2: {  	s19 =	sadd.s32 s1, s18  }
0x1e3: {  	[tilespmem:s15], [sflag:$0x1] =	stream.strided.gather [hbm4b:s19+s9], $0x10000, s10, s9, $0x38;
	[tilespmem:$0x18000] =	vst v63  }
0x1e4: {  	_ =	swait.ge [sflag:s11], $0x10000  }
0x1e5: {  	[sflag:s11] =	ssyncset.done $0x0  }
0x1e6: {  	s19 =	simm.s32 $0x40;
	[sflag:s11] =	ssyncadd.s32 $0xFFFF0000  }
0x1e7: {  	v18 =	vld [tilespmem:s19+$0xFFFFFFC0];
	_ =	sdelay $0x2  }
0x1e8: {  	v23 =	vld [tilespmem:s19+$0x0]  }
0x1e9: {  	s20 =	sadd.s32 $0x0, s16;
	v25 =	vld [tilespmem:s19+$0x10]  }
0x1ea: {  	v20 =	vmov s20;
	v19 =	vld [tilespmem:s19+$0xFFFFFFD0];
	v21 =	vxor.u32 $0x7FFFFFFF, v18;
	vm0 =	vlt.s32 v18, $0x0  }
0x1eb: {  	vm1 =	vlt.s32 v20, v17;
	vm4 =	vlt.s32 v20, v16;
	v22 =	vld [tilespmem:s19+$0xFFFFFFE0];
	v21 =	vsel vm0, v21, v18  }
0x1ec: {  	vm5 =	vlt.s32 v20, v15;
	vm3 =	vlt.s32 v20, v13;
	vm0 =	veq.s32 v21, v2  }
0x1ed: {  	vm2 =	vlt.s32 v20, v12;
	vm6 =	vgt.s32 v21, v2;
	vm0 =	vmand vm1, vm0  }
0x1ee: {  	vm8 =	vlt.s32 v23, $0x0;
	v26 =	vxor.u32 $0x7FFFFFFF, v25;
	vm1 =	vmor vm6, vm0  }
0x1ef: {  	v21 =	vxor.u32 $0x7FFFFFFF, v19;
	vm6 =	vlt.s32 v19, $0x0;
	v24 =	vnsel vm1, $0xC28C0000, v18  }
0x1f0: {  	v18 =	vsel vm6, v21, v19;
	v21 =	vxor.u32 $0x7FFFFFFF, v22;
	vm6 =	vlt.s32 v22, $0x0  }
0x1f1: {  	vm1 =	veq.s32 v18, v3;
	vm7 =	vgt.s32 v18, v3;
	v18 =	vsel vm6, v21, v22  }
0x1f2: {  	vm0 =	vlt.s32 v20, v11;
	vm4 =	vmand vm4, vm1;
	vm6 =	vgt.s32 v18, v4  }
0x1f3: {  	v21 =	vld [tilespmem:s19+$0x20];
	vm4 =	vmor vm7, vm4;
	vm7 =	veq.s32 v18, v4;
	v18 =	vxor.u32 $0x7FFFFFFF, v23  }
0x1f4: {  	vm1 =	vlt.s32 v20, v10;
	vm5 =	vmand vm5, vm7;
	v18 =	vsel vm8, v18, v23  }
0x1f5: {  	v27 =	vld [tilespmem:s19+$0x30];
	v19 =	vnsel vm4, $0xC28C0000, v19;
	vm4 =	vmor vm6, vm5;
	vm5 =	veq.s32 v18, v6  }
0x1f6: {  	vm6 =	vlt.s32 v25, $0x0;
	vm7 =	vgt.s32 v18, v6;
	vm3 =	vmand vm3, vm5  }
0x1f7: {  	v18 =	vsel vm6, v26, v25;
	v22 =	vnsel vm4, $0xC28C0000, v22;
	vm3 =	vmor vm7, vm3  }
0x1f8: {  	v26 =	vxor.u32 $0x7FFFFFFF, v21;
	vm4 =	veq.s32 v18, v7;
	v23 =	vnsel vm3, $0xC28C0000, v23  }
0x1f9: {  	vm3 =	vgt.s32 v18, v7;
	v18 =	vld [tilespmem:s19+$0xFFFFFFF0];
	vm2 =	vmand vm2, vm4;
	vm4 =	vlt.s32 v21, $0x0  }
0x1fa: {  	[tilespmem:s19+$0xFFFFFFC0] =	vst v24;
	vm2 =	vmor vm3, vm2;
	v24 =	vsel vm4, v26, v21;
	v26 =	vxor.u32 $0x7FFFFFFF, v27  }
0x1fb: {  	[tilespmem:s19+$0xFFFFFFD0] =	vst v19;
	vm3 =	vlt.s32 v27, $0x0;
	v19 =	vnsel vm2, $0xC28C0000, v25;
	vm2 =	veq.s32 v24, v8  }
0x1fc: {  	s20 =	simm.s32 $0xC0;
	[tilespmem:s19+$0xFFFFFFE0] =	vst v22;
	v25 =	vsel vm3, v26, v27;
	vm3 =	vgt.s32 v24, v8;
	vm0 =	vmand vm0, vm2  }
0x1fd: {  	v22 =	vld [tilespmem:s20+$0xFFFFFFC0];
	vm2 =	veq.s32 v25, v9;
	vm0 =	vmor vm3, vm0;
	vm3 =	vgt.s32 v25, v9  }
0x1fe: {  	vm1 =	vmand vm1, vm2;
	v24 =	vxor.u32 $0x7FFFFFFF, v18;
	vm2 =	vlt.s32 v18, $0x0  }
0x1ff: {  	s21 =	sadd.s32 $0x1, s16;
	v25 =	vnsel vm0, $0xC28C0000, v21;
	vm0 =	vmor vm3, vm1;
	vm1 =	vlt.s32 v20, v14  }
0x200: {  	[tilespmem:s19+$0x0] =	vst v23;
	v20 =	vmov s21;
	v21 =	vsel vm2, v24, v18;
	v23 =	vnsel vm0, $0xC28C0000, v27  }
0x201: {  	v24 =	vld [tilespmem:s20+$0xFFFFFFD0];
	vm3 =	vlt.s32 v20, v17;
	vm2 =	veq.s32 v21, v5;
	vm0 =	vgt.s32 v21, v5  }
0x202: {  	[tilespmem:s19+$0x10] =	vst v19;
	v21 =	vxor.u32 $0x7FFFFFFF, v22;
	vm1 =	vmand vm1, vm2;
	vm2 =	vlt.s32 v22, $0x0  }
0x203: {  	vm6 =	vlt.s32 v20, v16;
	vm7 =	vlt.s32 v20, v15;
	v26 =	vsel vm2, v21, v22;
	v21 =	vld [tilespmem:s20+$0xFFFFFFE0]  }
0x204: {  	v19 =	vld [tilespmem:s20+$0xFFFFFFF0];
	[tilespmem:s19+$0x20] =	vst v25;
	vm5 =	vlt.s32 v20, v13;
	vm4 =	vlt.s32 v20, v12;
	vm2 =	veq.s32 v26, v2  }
0x205: {  	[tilespmem:s19+$0x30] =	vst v23;
	vm8 =	vgt.s32 v26, v2;
	vm3 =	vmand vm3, vm2;
	vm2 =	vlt.s32 v20, v11  }
0x206: {  	v26 =	vld [tilespmem:s20+$0x0];
	v23 =	vxor.u32 $0x7FFFFFFF, v24;
	vm3 =	vmor vm8, vm3;
	vm8 =	vlt.s32 v24, $0x0  }
0x207: {  	v25 =	vld [tilespmem:s20+$0x10];
	v22 =	vnsel vm3, $0xC28C0000, v22;
	v23 =	vsel vm8, v23, v24;
	vm3 =	vlt.s32 v20, v10  }
0x208: {  	vm8 =	veq.s32 v23, v3;
	v27 =	vxor.u32 $0x7FFFFFFF, v21;
	vm9 =	vlt.s32 v21, $0x0  }
0x209: {  	vm10 =	vgt.s32 v23, v3;
	vm6 =	vmand vm6, vm8;
	v23 =	vsel vm9, v27, v21  }
0x20a: {  	vm6 =	vmor vm10, vm6;
	vm8 =	vgt.s32 v23, v4;
	vm9 =	veq.s32 v23, v4  }
0x20b: {  	v23 =	vxor.u32 $0x7FFFFFFF, v26;
	vm7 =	vmand vm7, vm9;
	vm9 =	vlt.s32 v26, $0x0  }
0x20c: {  	v29 =	vxor.u32 $0x7FFFFFFF, v25;
	v27 =	vnsel vm6, $0xC28C0000, v24;
	v24 =	vld [tilespmem:s20+$0x20];
	v28 =	vsel vm9, v23, v26  }
0x20d: {  	s22 =	simm.s32 $0x2;
	s21 =	simm.s32 $0xC0;
	vm6 =	vmor vm8, vm7;
	vm8 =	vlt.s32 v25, $0x0;
	v23 =	vld [tilespmem:s20+$0x30];
	vm7 =	veq.s32 v28, v6  }
.LBB2_28:
0x20e: {  	p0 =	sne.s32 s22, $0x1FF;
	vm9 =	vgt.s32 v28, v6;
	vm5 =	vmand vm5, vm7;
	v28 =	vsel vm8, v29, v25  }
0x20f: {  	v21 =	vnsel vm6, $0xC28C0000, v21;
	vm5 =	vmor vm9, vm5;
	vm6 =	veq.s32 v28, v7  }
0x210: {  	v26 =	vnsel vm5, $0xC28C0000, v26;
	vm5 =	vgt.s32 v28, v7;
	vm4 =	vmand vm4, vm6  }
0x211: {  	vm4 =	vmor vm5, vm4;
	v28 =	vxor.u32 $0x7FFFFFFF, v24;
	vm5 =	vlt.s32 v24, $0x0  }
0x212: {  	[tilespmem:s20+$0xFFFFFFC0] =	vst v22;
	v22 =	vsel vm5, v28, v24;
	v28 =	vxor.u32 $0x7FFFFFFF, v23;
	vm5 =	vlt.s32 v23, $0x0  }
0x213: {  	v25 =	vnsel vm4, $0xC28C0000, v25;
	[tilespmem:s20+$0xFFFFFFD0] =	vst v27;
	vm4 =	veq.s32 v22, v8;
	v27 =	vsel vm5, v28, v23  }
0x214: {  	vm5 =	vgt.s32 v22, v8;
	[tilespmem:s20+$0xFFFFFFE0] =	vst v21;
	vm2 =	vmand vm2, vm4;
	vm4 =	veq.s32 v27, v9  }
0x215: {  	s20 =	sadd.s32 $0x80, s20;
	[tilespmem:s21+$0x0] =	vst v26;
	vm2 =	vmor vm5, vm2;
	vm5 =	vgt.s32 v27, v9;
	vm3 =	vmand vm3, vm4  }
0x216: {  	v21 =	vxor.u32 $0x7FFFFFFF, v19;
	v22 =	vld [tilespmem:s20+$0xFFFFFFC0];
	[tilespmem:s21+$0x10] =	vst v25;
	v24 =	vnsel vm2, $0xC28C0000, v24;
	vm2 =	vmor vm5, vm3  }
0x217: {  	vm4 =	vlt.s32 v20, v14;
	vm3 =	vlt.s32 v19, $0x0;
	v25 =	vld [tilespmem:s20+$0xFFFFFFF0];
	[tilespmem:s21+$0x20] =	vst v24;
	v20 =	vnsel vm2, $0xC28C0000, v23  }
0x218: {  	vm1 =	vmor vm0, vm1;
	v21 =	vsel vm3, v21, v19;
	[tilespmem:s21+$0x30] =	vst v20  }
0x219: {  	s23 =	sadd.s32 s22, s16;
	vm0 =	vgt.s32 v21, v5;
	vm2 =	veq.s32 v21, v5;
	v21 =	vnsel vm1, $0xC28C0000, v18;
	v18 =	vmovc v19  }
0x21a: {  	v20 =	vmov s23;
	vm1 =	vmand vm4, vm2;
	v23 =	vld [tilespmem:s20+$0xFFFFFFD0];
	[tilespmem:s19+$0xFFFFFFF0] =	vst v21;
	s19 =	smov.u32 s21;
	s21 =	smov.u32 s20  }
0x21b: {  	vm3 =	vlt.s32 v20, v17;
	v26 =	vxor.u32 $0x7FFFFFFF, v22;
	vm2 =	vlt.s32 v22, $0x0  }
0x21c: {  	vm7 =	vlt.s32 v20, v16;
	vm6 =	vlt.s32 v20, v15;
	v24 =	vsel vm2, v26, v22;
	v21 =	vld [tilespmem:s20+$0xFFFFFFE0];
	v19 =	vmovc v25  }
0x21d: {  	vm5 =	vlt.s32 v20, v13;
	vm4 =	vlt.s32 v20, v12;
	vm2 =	veq.s32 v24, v2  }
0x21e: {  	vm8 =	vgt.s32 v24, v2;
	vm3 =	vmand vm3, vm2;
	vm2 =	vlt.s32 v20, v11  }
0x21f: {  	vm3 =	vmor vm8, vm3;
	v24 =	vxor.u32 $0x7FFFFFFF, v23;
	vm8 =	vlt.s32 v23, $0x0;
	v26 =	vld [tilespmem:s20+$0x0]  }
0x220: {  	v22 =	vnsel vm3, $0xC28C0000, v22;
	v24 =	vsel vm8, v24, v23;
	vm3 =	vlt.s32 v20, v10  }
0x221: {  	vm8 =	veq.s32 v24, v3;
	v27 =	vxor.u32 $0x7FFFFFFF, v21;
	vm9 =	vlt.s32 v21, $0x0;
	v25 =	vld [tilespmem:s20+$0x10]  }
.Ltmp15:
0x222: {  	vm10 =	vgt.s32 v24, v3;
	vm7 =	vmand vm7, vm8;
	v24 =	vsel vm9, v27, v21;
	(pc) =	sbr.rel @p0 .LBB2_28-.Ltmp15, $4  }
0x223: {  	vm7 =	vmor vm10, vm7;
	vm8 =	vgt.s32 v24, v4;
	vm9 =	veq.s32 v24, v4  }
0x224: {  	vm6 =	vmand vm6, vm9;
	v24 =	vxor.u32 $0x7FFFFFFF, v26;
	vm9 =	vlt.s32 v26, $0x0  }
0x225: {  	v27 =	vnsel vm7, $0xC28C0000, v23;
	vm6 =	vmor vm8, vm6;
	v28 =	vsel vm9, v24, v26;
	v24 =	vld [tilespmem:s20+$0x20]  }
0x226: {  	s22 =	sadd.s32 $0x1, s22;
	vm7 =	veq.s32 v28, v6;
	v29 =	vxor.u32 $0x7FFFFFFF, v25;
	vm8 =	vlt.s32 v25, $0x0;
	v23 =	vld [tilespmem:s20+$0x30]  }
0x227: {  	vm9 =	vgt.s32 v28, v6;
	vm5 =	vmand vm5, vm7  }
0x228: {  	v56 =	vsel vm8, v29, v25;
	v21 =	vnsel vm6, $0xC28C0000, v21;
	v61 =	vxor.u32 $0x7FFFFFFF, v19  }
0x229: {  	vm0 =	vmor vm0, vm1;
	vm5 =	vmor vm9, vm5;
	vm10 =	veq.s32 v56, v7  }
0x22a: {  	vm11 =	vgt.s32 v56, v7;
	v26 =	vnsel vm5, $0xC28C0000, v26;
	vm4 =	vmand vm4, vm10  }
0x22b: {  	vm10 =	vlt.s32 v19, $0x0;
	v57 =	vxor.u32 $0x7FFFFFFF, v24;
	vm12 =	vlt.s32 v24, $0x0  }
0x22c: {  	[tilespmem:s20+$0xFFFFFFE0] =	vst v21;
	vm4 =	vmor vm11, vm4;
	v21 =	vsel vm10, v61, v19;
	v28 =	vsel vm12, v57, v24  }
0x22d: {  	v58 =	vxor.u32 $0x7FFFFFFF, v23;
	vm13 =	vlt.s32 v23, $0x0;
	v59 =	vnsel vm4, $0xC28C0000, v25  }
0x22e: {  	[tilespmem:s20+$0xFFFFFFC0] =	vst v22;
	vm12 =	vlt.s32 v20, v14;
	vm14 =	veq.s32 v28, v8;
	v60 =	vsel vm13, v58, v23  }
0x22f: {  	[tilespmem:s20+$0xFFFFFFD0] =	vst v27;
	vm15 =	vgt.s32 v28, v8;
	vm2 =	vmand vm2, vm14;
	vm8 =	veq.s32 v60, v9  }
0x230: {  	[tilespmem:s21+$0x0] =	vst v26;
	vm9 =	vgt.s32 v60, v9;
	vm2 =	vmor vm15, vm2;
	vm3 =	vmand vm3, vm8  }
0x231: {  	[tilespmem:s21+$0x10] =	vst v59;
	vm13 =	veq.s32 v21, v5;
	v62 =	vnsel vm2, $0xC28C0000, v24;
	vm11 =	vmor vm9, vm3  }
0x232: {  	vm14 =	vgt.s32 v21, v5;
	vm2 =	vmand vm12, vm13;
	v63 =	vnsel vm11, $0xC28C0000, v23;
	[tilespmem:s21+$0x20] =	vst v62  }
0x233: {  	v18 =	vnsel vm0, $0xC28C0000, v18;
	vm15 =	vmor vm14, vm2;
	[tilespmem:s21+$0x30] =	vst v63  }
0x234: {  	s17 =	sadd.s32 $0x1, s17;
	[tilespmem:s19+$0xFFFFFFF0] =	vst v18;
	v18 =	vnsel vm15, $0xC28C0000, v19  }
0x235: {  	s18 =	sadd.s32 s3, s18;
	p0 =	sne.s32 s17, $0x8;
	[tilespmem:s21+$0xFFFFFFF0] =	vst v18  }
0x236: {  	[hbm4b:s18+s9] =	stream.strided.scatter [tilespmem:s4], [sflag:$0x1], $0x10000, s10, s9, $0x38;
	[tilespmem:$0x18000] =	vst v63  }
.Ltmp16:
0x237: {  	_ = 	snop;
	(pc) =	sbr.rel @p0 .LBB2_27-.Ltmp16, $4  }
.Ltmp17:
0x238: {  	_ = 	snop;
	(pc) =	sbr.rel @!p0 .LBB2_30-.Ltmp17, $4  }
0x239: {  	_ =	swait.ge [sflag:s11], $0x10000  }
0x23a: {  	[sflag:s11] =	ssyncset.done $0x0  }
0x23b: {  	s16 =	sadd.s32 $0x200, s16;
	[sflag:s11] =	ssyncadd.s32 $0xFFFF0000  }
0x23c: {  	_ = 	snop  }
.LBB2_31:
0x23d: {  	_ =	sfence.sel $0x180000  }
0x23e: {  	[bflag:$0x0] =	sbarrier.arrive $0xFFFF  }
0x23f: {  	p0 =	sne.s32 s2, $0x0;
	_ =	strace $0x90000047  }
0x240: {  	s0 =	sadd.s32 @!p0 $0x100000, s0;
	[bflag:$0x2] =	sbarrier.arrive $0xFFFF  }
0x241: {  	[sflag:s0] =	ssyncadd.tile.s32 @!p0 $0x1;
	_ =	shalt  }
.Lfunc_end2:
_tile_overlayer_lowered:
.L_overlay_start_2:
0x242: {  	(tag) =	ssettag $0x2  }
0x243: {  	s0 =	rddreg [dreg:$0x0];
	s2 =	stileid.u32  }
0x244: {  	s1 =	rddreg [dreg:$0x1];
	p0 =	sne.s32 s2, $0x0  }
0x245: {  	s3 =	rddreg [dreg:$0x2];
	[bflag:$0x3] =	sbarrier.arrive $0xFFFF;
	s2 =	simm.s32 @!p0 $0x1C01  }
0x246: {  	[timem:s3], [sflag:s2] =	dma.local @!p0 [hbm:s0], s1  }
0x247: {  	s0 =	simm.s32 @!p0 $0x1  }
0x248: {  	_ =	swait.ge @!p0 [sflag:s0], s1  }
0x249: {  	s1 =	ssub.s32 @!p0 $0x0, s1;
	[sflag:s0] =	ssyncset.done @!p0 $0x0  }
0x24a: {  	[sflag:s0] =	ssyncadd.s32 @!p0 s1  }
0x24b: {  	[bflag:$0x3] =	sbarrier.arrive $0xFFFF  }
0x24c: {  	_ =	shalt  }

</sc_bundles>
